<compile_context>
chip_gen: v7x
topology: tpu7x:2x2x1
jax: 0.10.2.dev20260603
libtpu: 0.0.44.dev20260713+nightly
codegen_flags: <defaults>
</compile_context>

<pallas_src>
import functools

import jax
import jax.numpy as jnp
from jax import lax
from jax.experimental import pallas as pl
from jax.experimental.pallas import tpu as pltpu
from jax.experimental.pallas import tpu_sc as plsc

VOCAB = 100000
DIM = 64
PDIM = 128
MAXLEN = 200
BATCH = 1024
LANES = 16

NC = 2
NS = 16
NW = NC * NS
ROWS_PER_W = BATCH // NW

IDX_CHUNKS = (104, 96)
IDX_OFFS = (0, 104)

SEED_UNROLL = 4
NBUF = 4


def _make_kernel():
  mesh = plsc.VectorSubcoreMesh(core_axis_name="c", subcore_axis_name="s")

  @functools.partial(
      pl.kernel,
      out_type=jax.ShapeDtypeStruct((BATCH, MAXLEN, PDIM), jnp.float32),
      mesh=mesh,
      scratch_types=[
          pltpu.VMEM((ROWS_PER_W * MAXLEN,), jnp.int32),
          pltpu.VMEM((MAXLEN, DIM), jnp.float32),
          pltpu.VMEM((MAXLEN, DIM), jnp.float32),
          pltpu.VMEM((MAXLEN, DIM), jnp.float32),
          pltpu.VMEM((MAXLEN, DIM), jnp.float32),
          pltpu.VMEM((MAXLEN, DIM), jnp.float32),
          pltpu.SemaphoreType.DMA,
          pltpu.SemaphoreType.DMA,
          pltpu.SemaphoreType.DMA,
          pltpu.SemaphoreType.DMA,
          pltpu.SemaphoreType.DMA,
          pltpu.SemaphoreType.DMA,
          pltpu.SemaphoreType.DMA,
          pltpu.SemaphoreType.DMA,
      ],
      compiler_params=pltpu.CompilerParams(use_tc_tiling_on_sc=False),
  )
  def tok_pos_embed(idx_hbm, tok_hbm, pos_hbm, out_hbm, idx_all, pos_v,
                    *bufs_and_sems):
    bufs = bufs_and_sems[:NBUF]
    gsem = bufs_and_sems[NBUF:2 * NBUF]
    osem = bufs_and_sems[2 * NBUF:3 * NBUF]
    wid = lax.axis_index("s") * NC + lax.axis_index("c")
    row0 = wid * ROWS_PER_W

    pltpu.sync_copy(
        idx_hbm.at[pl.ds(row0 * MAXLEN, ROWS_PER_W * MAXLEN)], idx_all)
    pltpu.sync_copy(pos_hbm, pos_v)

    def seed(buf):
      def sbody(i, carry):
        base = i * SEED_UNROLL
        for u in range(SEED_UNROLL):
          for t in range(DIM // LANES):
            buf[base + u, pl.ds(t * LANES, LANES)] = (
                pos_v[base + u, pl.ds(t * LANES, LANES)])
        return carry
      lax.fori_loop(0, MAXLEN // SEED_UNROLL, sbody, 0)

    def fire(p, r):
      return [
          pltpu.async_copy(
              tok_hbm.at[idx_all.at[pl.ds(r * MAXLEN + o, n)]],
              bufs[p].at[pl.ds(o, n)],
              gsem[p],
              add=True,
          )
          for o, n in zip(IDX_OFFS, IDX_CHUNKS)
      ]

    def wait_gathers(p, r):
      for o, n in zip(IDX_OFFS, IDX_CHUNKS):
        pltpu.make_async_copy(
            tok_hbm.at[idx_all.at[pl.ds(r * MAXLEN + o, n)]],
            bufs[p].at[pl.ds(o, n)],
            gsem[p],
        ).wait()

    def fire_out(p, r):
      return pltpu.async_copy(
          bufs[p], out_hbm.at[row0 + r].at[:, pl.ds(0, DIM)], osem[p])

    def wait_out(p, r):
      pltpu.make_async_copy(
          bufs[p], out_hbm.at[row0 + r].at[:, pl.ds(0, DIM)], osem[p]).wait()

    for p in range(NBUF):
      seed(bufs[p])
      fire(p, p)

    def body(g, carry):
      for p in range(NBUF):
        r = NBUF * g + p
        wait_gathers(p, r)
        fire_out(p, r)
        nr = r + NBUF

        @pl.when(nr < ROWS_PER_W)
        def _():
          wait_out(p, r)
          seed(bufs[p])
          fire(p, nr)
      return carry

    lax.fori_loop(0, ROWS_PER_W // NBUF, body, 0)
    for p in range(NBUF):
      wait_out(p, ROWS_PER_W - NBUF + p)

  return tok_pos_embed


_KERNEL = _make_kernel()

_TCHUNK = 2048
_TGRID = (VOCAB + _TCHUNK - 1) // _TCHUNK
_VPAD = _TGRID * _TCHUNK


def _transpose_body(in_ref, out_ref):
  x = in_ref[...]
  h = _TCHUNK // 2
  out_ref[...] = jnp.concatenate([x[:, :h].T, x[:, h:].T], axis=1)


_TRANSPOSE = pl.pallas_call(
    _transpose_body,
    grid=(_TGRID,),
    in_specs=[pl.BlockSpec((DIM, _TCHUNK), lambda i: (0, i))],
    out_specs=pl.BlockSpec((_TCHUNK // 2, PDIM), lambda i: (i, 0)),
    out_shape=jax.ShapeDtypeStruct((_VPAD * DIM // PDIM, PDIM), jnp.float32),
)


def kernel(inputs, token_table, pos_table):
  v = inputs.astype(jnp.int32).reshape(BATCH * MAXLEN)
  r = v & (_TCHUNK - 1)
  idx = (v ^ r) + ((r & (_TCHUNK // 2 - 1)) << 1) + (r >> 10)
  tok = _TRANSPOSE(token_table.T).reshape(_VPAD, DIM)
  out = _KERNEL(idx, tok, pos_table)
  return out[:, :, :DIM]

# --- scband reference (transcript-rebuilt; emitter-appended) ---
"""Pipeline reference for scband-token-and-position-embedding-79087527788716 (READ-ONLY COPY).

The authoritative reference and input builder live on the scoring server;
editing this copy changes nothing except your own understanding.
"""

import jax, jax.numpy as jnp
import numpy as np

VOCAB_SIZE = 100000
EMBED_DIM = 64
MAXLEN = 200
BATCH = 1024


def setup_inputs(seed: int = 0) -> dict:
    key = jax.random.key(seed)
    k1, k2, k3 = jax.random.split(key, 3)
    inputs = jax.random.randint(k1, (BATCH, MAXLEN), 0, VOCAB_SIZE, dtype=jnp.int64 if jax.config.jax_enable_x64 else jnp.int32)
    token_table = jax.random.normal(k2, (VOCAB_SIZE, EMBED_DIM), dtype=jnp.float32) * 0.02
    pos_table = jax.random.normal(k3, (MAXLEN, EMBED_DIM), dtype=jnp.float32) * 0.02
    return {"inputs": inputs, "token_table": token_table, "pos_table": pos_table}


def reference(inputs, token_table, pos_table):
    # token embedding: gather rows from token table
    token_emb = jnp.take(token_table, inputs, axis=0)  # [B, L, D]
    # position embedding: gather rows 0..L-1 from pos table
    seq_len = inputs.shape[-1]
    pos = jnp.arange(seq_len)
    pos_emb = jnp.take(pos_table, pos, axis=0)  # [L, D]
    return token_emb + pos_emb[None, :, :]

if __name__ == "__main__":
    import jax
    _d = setup_inputs()
    print(jax.jit(kernel)(*tuple(_d.values())))

</pallas_src>

<mosaic_0001>
#map = affine_map<(d0, d1) -> (0)>
#map1 = affine_map<(d0, d1) -> (0, 0)>
#map2 = affine_map<(d0, d1) -> (0, 0, 0)>
module attributes {stable_mosaic.version = 14 : i64} {
  func.func @tok_pos_embed(%arg0: i32, %arg1: i32, %arg2: memref<204800xi32, #tpu.memory_space<hbm>>, %arg3: memref<100352x64xf32, #tpu.memory_space<hbm>>, %arg4: memref<200x64xf32, #tpu.memory_space<hbm>>, %arg5: memref<1024x200x128xf32, #tpu.memory_space<hbm>>, %arg6: memref<6400xi32, #tpu.memory_space<vmem>>, %arg7: memref<200x64xf32, #tpu.memory_space<vmem>>, %arg8: memref<200x64xf32, #tpu.memory_space<vmem>>, %arg9: memref<200x64xf32, #tpu.memory_space<vmem>>, %arg10: memref<200x64xf32, #tpu.memory_space<vmem>>, %arg11: memref<200x64xf32, #tpu.memory_space<vmem>>, %arg12: memref<!tpu.dma_semaphore, #tpu.memory_space<semaphore_mem>>, %arg13: memref<!tpu.dma_semaphore, #tpu.memory_space<semaphore_mem>>, %arg14: memref<!tpu.dma_semaphore, #tpu.memory_space<semaphore_mem>>, %arg15: memref<!tpu.dma_semaphore, #tpu.memory_space<semaphore_mem>>, %arg16: memref<!tpu.dma_semaphore, #tpu.memory_space<semaphore_mem>>, %arg17: memref<!tpu.dma_semaphore, #tpu.memory_space<semaphore_mem>>, %arg18: memref<!tpu.dma_semaphore, #tpu.memory_space<semaphore_mem>>, %arg19: memref<!tpu.dma_semaphore, #tpu.memory_space<semaphore_mem>>) attributes {dimension_semantics = [#tpu.dimension_semantics<core_parallel>, #tpu.dimension_semantics<subcore_parallel>], iteration_bounds = array<i64: 2, 16>, scalar_prefetch = 0 : i64, scratch_operands = 14 : i64, tpu.core_type = #tpu.core_type<sc_vector_subcore>, window_params = [{transform_indices = #map}, {transform_indices = #map1}, {transform_indices = #map1}, {transform_indices = #map2}]} {
    %mul3A = arith.constant 2 : i32
    %mul3A_0 = arith.muli %arg1, %mul3A : i32
    %add3A = arith.addi %mul3A_0, %arg0 : i32
    %mul3A_1 = arith.constant 32 : i32
    %mul3A_2 = arith.muli %add3A, %mul3A_1 : i32
    %mul3A_3 = arith.constant 200 : i32
    %mul3A_4 = arith.muli %mul3A_2, %mul3A_3 : i32
    "tpu.region"() ({
      %run_scoped3A = tpu.sem_alloc : memref<!tpu.dma_semaphore, #tpu.memory_space<semaphore_mem>>
      %dma_start3A_160 = tpu.memref_slice %arg2[%mul3A_4] : memref<204800xi32, #tpu.memory_space<hbm>> -> memref<6400xi32, #tpu.memory_space<hbm>>
      %dma_start3A_161 = tpu.memref_slice %arg2[%mul3A_4] : memref<204800xi32, #tpu.memory_space<hbm>> -> memref<6400xi32, #tpu.memory_space<hbm>>
      tpu.enqueue_dma source(%dma_start3A_161 : memref<6400xi32, #tpu.memory_space<hbm>>) target(%arg6 : memref<6400xi32, #tpu.memory_space<vmem>>) target_semaphore(%run_scoped3A : memref<!tpu.dma_semaphore, #tpu.memory_space<semaphore_mem>>)
      %dma_wait3A_162 = tpu.memref_slice %arg2[%mul3A_4] : memref<204800xi32, #tpu.memory_space<hbm>> -> memref<6400xi32, #tpu.memory_space<hbm>>
      %dma_wait3A_163 = tpu.memref_slice %arg2[%mul3A_4] : memref<204800xi32, #tpu.memory_space<hbm>> -> memref<6400xi32, #tpu.memory_space<hbm>>
      tpu.wait_dma2 semaphore(%run_scoped3A : memref<!tpu.dma_semaphore, #tpu.memory_space<semaphore_mem>>) src(%dma_wait3A_163 : memref<6400xi32, #tpu.memory_space<hbm>>) dst(%arg6 : memref<6400xi32, #tpu.memory_space<vmem>>)
      tpu.yield
    }) : () -> ()
    "tpu.region"() ({
      %run_scoped3A = tpu.sem_alloc : memref<!tpu.dma_semaphore, #tpu.memory_space<semaphore_mem>>
      tpu.enqueue_dma source(%arg4 : memref<200x64xf32, #tpu.memory_space<hbm>>) target(%arg7 : memref<200x64xf32, #tpu.memory_space<vmem>>) target_semaphore(%run_scoped3A : memref<!tpu.dma_semaphore, #tpu.memory_space<semaphore_mem>>)
      tpu.wait_dma2 semaphore(%run_scoped3A : memref<!tpu.dma_semaphore, #tpu.memory_space<semaphore_mem>>) src(%arg4 : memref<200x64xf32, #tpu.memory_space<hbm>>) dst(%arg7 : memref<200x64xf32, #tpu.memory_space<vmem>>)
      tpu.yield
    }) : () -> ()
    %scan3A = arith.constant 0 : i32
    %scan3A_5 = arith.constant 0 : i32
    %scan3A_6 = arith.constant 50 : i32
    %scan3A_7 = arith.addi %scan3A_5, %scan3A_6 : i32
    %scan3A_8 = arith.constant 1 : i32
    scf.for %scan3A_160 = %scan3A_5 to %scan3A_7 step %scan3A_8  : i32 {
      %mul3A_161 = arith.constant 4 : i32
      %mul3A_162 = arith.muli %scan3A_160, %mul3A_161 : i32
      %add3A_163 = arith.constant 0 : i32
      %add3A_164 = arith.addi %mul3A_162, %add3A_163 : i32
      %get3A = arith.index_cast %add3A_164 : i32 to index
      %get3A_165 = arith.constant 0 : index
      %get3A_166 = tpu.vector_load %arg7[%get3A, %get3A_165] {strides = array<i32>} : memref<200x64xf32, #tpu.memory_space<vmem>>, vector<1x16xf32>,
      %get3A_167 = vector.shape_cast %get3A_166 : vector<1x16xf32> to vector<16xf32>
      %add3A_168 = arith.constant 0 : i32
      %add3A_169 = arith.addi %mul3A_162, %add3A_168 : i32
      %swap3A = arith.index_cast %add3A_169 : i32 to index
      %swap3A_170 = arith.constant 0 : index
      %swap3A_171 = tpu.vector_load %arg8[%swap3A, %swap3A_170] {strides = array<i32>} : memref<200x64xf32, #tpu.memory_space<vmem>>, vector<1x16xf32>,
      %swap3A_172 = vector.shape_cast %swap3A_171 : vector<1x16xf32> to vector<16xf32>
      %swap3A_173 = vector.shape_cast %get3A_167 : vector<16xf32> to vector<1x16xf32>
      tpu.vector_store %arg8[%swap3A, %swap3A_170], %swap3A_173 {strides = array<i32>} : memref<200x64xf32, #tpu.memory_space<vmem>>, vector<1x16xf32>,
      %add3A_174 = arith.constant 0 : i32
      %add3A_175 = arith.addi %mul3A_162, %add3A_174 : i32
      %get3A_176 = arith.index_cast %add3A_175 : i32 to index
      %get3A_177 = arith.constant 16 : index
      %get3A_178 = tpu.vector_load %arg7[%get3A_176, %get3A_177] {strides = array<i32>} : memref<200x64xf32, #tpu.memory_space<vmem>>, vector<1x16xf32>,
      %get3A_179 = vector.shape_cast %get3A_178 : vector<1x16xf32> to vector<16xf32>
      %add3A_180 = arith.constant 0 : i32
      %add3A_181 = arith.addi %mul3A_162, %add3A_180 : i32
      %swap3A_182 = arith.index_cast %add3A_181 : i32 to index
      %swap3A_183 = arith.constant 16 : index
      %swap3A_184 = tpu.vector_load %arg8[%swap3A_182, %swap3A_183] {strides = array<i32>} : memref<200x64xf32, #tpu.memory_space<vmem>>, vector<1x16xf32>,
      %swap3A_185 = vector.shape_cast %swap3A_184 : vector<1x16xf32> to vector<16xf32>
      %swap3A_186 = vector.shape_cast %get3A_179 : vector<16xf32> to vector<1x16xf32>
      tpu.vector_store %arg8[%swap3A_182, %swap3A_183], %swap3A_186 {strides = array<i32>} : memref<200x64xf32, #tpu.memory_space<vmem>>, vector<1x16xf32>,
      %add3A_187 = arith.constant 0 : i32
      %add3A_188 = arith.addi %mul3A_162, %add3A_187 : i32
      %get3A_189 = arith.index_cast %add3A_188 : i32 to index
      %get3A_190 = arith.constant 32 : index
      %get3A_191 = tpu.vector_load %arg7[%get3A_189, %get3A_190] {strides = array<i32>} : memref<200x64xf32, #tpu.memory_space<vmem>>, vector<1x16xf32>,
      %get3A_192 = vector.shape_cast %get3A_191 : vector<1x16xf32> to vector<16xf32>
      %add3A_193 = arith.constant 0 : i32
      %add3A_194 = arith.addi %mul3A_162, %add3A_193 : i32
      %swap3A_195 = arith.index_cast %add3A_194 : i32 to index
      %swap3A_196 = arith.constant 32 : index
      %swap3A_197 = tpu.vector_load %arg8[%swap3A_195, %swap3A_196] {strides = array<i32>} : memref<200x64xf32, #tpu.memory_space<vmem>>, vector<1x16xf32>,
      %swap3A_198 = vector.shape_cast %swap3A_197 : vector<1x16xf32> to vector<16xf32>
      %swap3A_199 = vector.shape_cast %get3A_192 : vector<16xf32> to vector<1x16xf32>
      tpu.vector_store %arg8[%swap3A_195, %swap3A_196], %swap3A_199 {strides = array<i32>} : memref<200x64xf32, #tpu.memory_space<vmem>>, vector<1x16xf32>,
      %add3A_200 = arith.constant 0 : i32
      %add3A_201 = arith.addi %mul3A_162, %add3A_200 : i32
      %get3A_202 = arith.index_cast %add3A_201 : i32 to index
      %get3A_203 = arith.constant 48 : index
      %get3A_204 = tpu.vector_load %arg7[%get3A_202, %get3A_203] {strides = array<i32>} : memref<200x64xf32, #tpu.memory_space<vmem>>, vector<1x16xf32>,
      %get3A_205 = vector.shape_cast %get3A_204 : vector<1x16xf32> to vector<16xf32>
      %add3A_206 = arith.constant 0 : i32
      %add3A_207 = arith.addi %mul3A_162, %add3A_206 : i32
      %swap3A_208 = arith.index_cast %add3A_207 : i32 to index
      %swap3A_209 = arith.constant 48 : index
      %swap3A_210 = tpu.vector_load %arg8[%swap3A_208, %swap3A_209] {strides = array<i32>} : memref<200x64xf32, #tpu.memory_space<vmem>>, vector<1x16xf32>,
      %swap3A_211 = vector.shape_cast %swap3A_210 : vector<1x16xf32> to vector<16xf32>
      %swap3A_212 = vector.shape_cast %get3A_205 : vector<16xf32> to vector<1x16xf32>
      tpu.vector_store %arg8[%swap3A_208, %swap3A_209], %swap3A_212 {strides = array<i32>} : memref<200x64xf32, #tpu.memory_space<vmem>>, vector<1x16xf32>,
      %add3A_213 = arith.constant 1 : i32
      %add3A_214 = arith.addi %mul3A_162, %add3A_213 : i32
      %get3A_215 = arith.index_cast %add3A_214 : i32 to index
      %get3A_216 = arith.constant 0 : index
      %get3A_217 = tpu.vector_load %arg7[%get3A_215, %get3A_216] {strides = array<i32>} : memref<200x64xf32, #tpu.memory_space<vmem>>, vector<1x16xf32>,
      %get3A_218 = vector.shape_cast %get3A_217 : vector<1x16xf32> to vector<16xf32>
      %add3A_219 = arith.constant 1 : i32
      %add3A_220 = arith.addi %mul3A_162, %add3A_219 : i32
      %swap3A_221 = arith.index_cast %add3A_220 : i32 to index
      %swap3A_222 = arith.constant 0 : index
      %swap3A_223 = tpu.vector_load %arg8[%swap3A_221, %swap3A_222] {strides = array<i32>} : memref<200x64xf32, #tpu.memory_space<vmem>>, vector<1x16xf32>,
      %swap3A_224 = vector.shape_cast %swap3A_223 : vector<1x16xf32> to vector<16xf32>
      %swap3A_225 = vector.shape_cast %get3A_218 : vector<16xf32> to vector<1x16xf32>
      tpu.vector_store %arg8[%swap3A_221, %swap3A_222], %swap3A_225 {strides = array<i32>} : memref<200x64xf32, #tpu.memory_space<vmem>>, vector<1x16xf32>,
      %add3A_226 = arith.constant 1 : i32
      %add3A_227 = arith.addi %mul3A_162, %add3A_226 : i32
      %get3A_228 = arith.index_cast %add3A_227 : i32 to index
      %get3A_229 = arith.constant 16 : index
      %get3A_230 = tpu.vector_load %arg7[%get3A_228, %get3A_229] {strides = array<i32>} : memref<200x64xf32, #tpu.memory_space<vmem>>, vector<1x16xf32>,
      %get3A_231 = vector.shape_cast %get3A_230 : vector<1x16xf32> to vector<16xf32>
      %add3A_232 = arith.constant 1 : i32
      %add3A_233 = arith.addi %mul3A_162, %add3A_232 : i32
      %swap3A_234 = arith.index_cast %add3A_233 : i32 to index
      %swap3A_235 = arith.constant 16 : index
      %swap3A_236 = tpu.vector_load %arg8[%swap3A_234, %swap3A_235] {strides = array<i32>} : memref<200x64xf32, #tpu.memory_space<vmem>>, vector<1x16xf32>,
      %swap3A_237 = vector.shape_cast %swap3A_236 : vector<1x16xf32> to vector<16xf32>
      %swap3A_238 = vector.shape_cast %get3A_231 : vector<16xf32> to vector<1x16xf32>
      tpu.vector_store %arg8[%swap3A_234, %swap3A_235], %swap3A_238 {strides = array<i32>} : memref<200x64xf32, #tpu.memory_space<vmem>>, vector<1x16xf32>,
      %add3A_239 = arith.constant 1 : i32
      %add3A_240 = arith.addi %mul3A_162, %add3A_239 : i32
      %get3A_241 = arith.index_cast %add3A_240 : i32 to index
      %get3A_242 = arith.constant 32 : index
      %get3A_243 = tpu.vector_load %arg7[%get3A_241, %get3A_242] {strides = array<i32>} : memref<200x64xf32, #tpu.memory_space<vmem>>, vector<1x16xf32>,
      %get3A_244 = vector.shape_cast %get3A_243 : vector<1x16xf32> to vector<16xf32>
      %add3A_245 = arith.constant 1 : i32
      %add3A_246 = arith.addi %mul3A_162, %add3A_245 : i32
      %swap3A_247 = arith.index_cast %add3A_246 : i32 to index
      %swap3A_248 = arith.constant 32 : index
      %swap3A_249 = tpu.vector_load %arg8[%swap3A_247, %swap3A_248] {strides = array<i32>} : memref<200x64xf32, #tpu.memory_space<vmem>>, vector<1x16xf32>,
      %swap3A_250 = vector.shape_cast %swap3A_249 : vector<1x16xf32> to vector<16xf32>
      %swap3A_251 = vector.shape_cast %get3A_244 : vector<16xf32> to vector<1x16xf32>
      tpu.vector_store %arg8[%swap3A_247, %swap3A_248], %swap3A_251 {strides = array<i32>} : memref<200x64xf32, #tpu.memory_space<vmem>>, vector<1x16xf32>,
      %add3A_252 = arith.constant 1 : i32
      %add3A_253 = arith.addi %mul3A_162, %add3A_252 : i32
      %get3A_254 = arith.index_cast %add3A_253 : i32 to index
      %get3A_255 = arith.constant 48 : index
      %get3A_256 = tpu.vector_load %arg7[%get3A_254, %get3A_255] {strides = array<i32>} : memref<200x64xf32, #tpu.memory_space<vmem>>, vector<1x16xf32>,
      %get3A_257 = vector.shape_cast %get3A_256 : vector<1x16xf32> to vector<16xf32>
      %add3A_258 = arith.constant 1 : i32
      %add3A_259 = arith.addi %mul3A_162, %add3A_258 : i32
      %swap3A_260 = arith.index_cast %add3A_259 : i32 to index
      %swap3A_261 = arith.constant 48 : index
      %swap3A_262 = tpu.vector_load %arg8[%swap3A_260, %swap3A_261] {strides = array<i32>} : memref<200x64xf32, #tpu.memory_space<vmem>>, vector<1x16xf32>,
      %swap3A_263 = vector.shape_cast %swap3A_262 : vector<1x16xf32> to vector<16xf32>
      %swap3A_264 = vector.shape_cast %get3A_257 : vector<16xf32> to vector<1x16xf32>
      tpu.vector_store %arg8[%swap3A_260, %swap3A_261], %swap3A_264 {strides = array<i32>} : memref<200x64xf32, #tpu.memory_space<vmem>>, vector<1x16xf32>,
      %add3A_265 = arith.constant 2 : i32
      %add3A_266 = arith.addi %mul3A_162, %add3A_265 : i32
      %get3A_267 = arith.index_cast %add3A_266 : i32 to index
      %get3A_268 = arith.constant 0 : index
      %get3A_269 = tpu.vector_load %arg7[%get3A_267, %get3A_268] {strides = array<i32>} : memref<200x64xf32, #tpu.memory_space<vmem>>, vector<1x16xf32>,
      %get3A_270 = vector.shape_cast %get3A_269 : vector<1x16xf32> to vector<16xf32>
      %add3A_271 = arith.constant 2 : i32
      %add3A_272 = arith.addi %mul3A_162, %add3A_271 : i32
      %swap3A_273 = arith.index_cast %add3A_272 : i32 to index
      %swap3A_274 = arith.constant 0 : index
      %swap3A_275 = tpu.vector_load %arg8[%swap3A_273, %swap3A_274] {strides = array<i32>} : memref<200x64xf32, #tpu.memory_space<vmem>>, vector<1x16xf32>,
      %swap3A_276 = vector.shape_cast %swap3A_275 : vector<1x16xf32> to vector<16xf32>
      %swap3A_277 = vector.shape_cast %get3A_270 : vector<16xf32> to vector<1x16xf32>
      tpu.vector_store %arg8[%swap3A_273, %swap3A_274], %swap3A_277 {strides = array<i32>} : memref<200x64xf32, #tpu.memory_space<vmem>>, vector<1x16xf32>,
      %add3A_278 = arith.constant 2 : i32
      %add3A_279 = arith.addi %mul3A_162, %add3A_278 : i32
      %get3A_280 = arith.index_cast %add3A_279 : i32 to index
      %get3A_281 = arith.constant 16 : index
      %get3A_282 = tpu.vector_load %arg7[%get3A_280, %get3A_281] {strides = array<i32>} : memref<200x64xf32, #tpu.memory_space<vmem>>, vector<1x16xf32>,
      %get3A_283 = vector.shape_cast %get3A_282 : vector<1x16xf32> to vector<16xf32>
      %add3A_284 = arith.constant 2 : i32
      %add3A_285 = arith.addi %mul3A_162, %add3A_284 : i32
      %swap3A_286 = arith.index_cast %add3A_285 : i32 to index
      %swap3A_287 = arith.constant 16 : index
      %swap3A_288 = tpu.vector_load %arg8[%swap3A_286, %swap3A_287] {strides = array<i32>} : memref<200x64xf32, #tpu.memory_space<vmem>>, vector<1x16xf32>,
      %swap3A_289 = vector.shape_cast %swap3A_288 : vector<1x16xf32> to vector<16xf32>
      %swap3A_290 = vector.shape_cast %get3A_283 : vector<16xf32> to vector<1x16xf32>
      tpu.vector_store %arg8[%swap3A_286, %swap3A_287], %swap3A_290 {strides = array<i32>} : memref<200x64xf32, #tpu.memory_space<vmem>>, vector<1x16xf32>,
      %add3A_291 = arith.constant 2 : i32
      %add3A_292 = arith.addi %mul3A_162, %add3A_291 : i32
      %get3A_293 = arith.index_cast %add3A_292 : i32 to index
      %get3A_294 = arith.constant 32 : index
      %get3A_295 = tpu.vector_load %arg7[%get3A_293, %get3A_294] {strides = array<i32>} : memref<200x64xf32, #tpu.memory_space<vmem>>, vector<1x16xf32>,
      %get3A_296 = vector.shape_cast %get3A_295 : vector<1x16xf32> to vector<16xf32>
      %add3A_297 = arith.constant 2 : i32
      %add3A_298 = arith.addi %mul3A_162, %add3A_297 : i32
      %swap3A_299 = arith.index_cast %add3A_298 : i32 to index
      %swap3A_300 = arith.constant 32 : index
      %swap3A_301 = tpu.vector_load %arg8[%swap3A_299, %swap3A_300] {strides = array<i32>} : memref<200x64xf32, #tpu.memory_space<vmem>>, vector<1x16xf32>,
      %swap3A_302 = vector.shape_cast %swap3A_301 : vector<1x16xf32> to vector<16xf32>
      %swap3A_303 = vector.shape_cast %get3A_296 : vector<16xf32> to vector<1x16xf32>
      tpu.vector_store %arg8[%swap3A_299, %swap3A_300], %swap3A_303 {strides = array<i32>} : memref<200x64xf32, #tpu.memory_space<vmem>>, vector<1x16xf32>,
      %add3A_304 = arith.constant 2 : i32
      %add3A_305 = arith.addi %mul3A_162, %add3A_304 : i32
      %get3A_306 = arith.index_cast %add3A_305 : i32 to index
      %get3A_307 = arith.constant 48 : index
      %get3A_308 = tpu.vector_load %arg7[%get3A_306, %get3A_307] {strides = array<i32>} : memref<200x64xf32, #tpu.memory_space<vmem>>, vector<1x16xf32>,
      %get3A_309 = vector.shape_cast %get3A_308 : vector<1x16xf32> to vector<16xf32>
      %add3A_310 = arith.constant 2 : i32
      %add3A_311 = arith.addi %mul3A_162, %add3A_310 : i32
      %swap3A_312 = arith.index_cast %add3A_311 : i32 to index
      %swap3A_313 = arith.constant 48 : index
      %swap3A_314 = tpu.vector_load %arg8[%swap3A_312, %swap3A_313] {strides = array<i32>} : memref<200x64xf32, #tpu.memory_space<vmem>>, vector<1x16xf32>,
      %swap3A_315 = vector.shape_cast %swap3A_314 : vector<1x16xf32> to vector<16xf32>
      %swap3A_316 = vector.shape_cast %get3A_309 : vector<16xf32> to vector<1x16xf32>
      tpu.vector_store %arg8[%swap3A_312, %swap3A_313], %swap3A_316 {strides = array<i32>} : memref<200x64xf32, #tpu.memory_space<vmem>>, vector<1x16xf32>,
      %add3A_317 = arith.constant 3 : i32
      %add3A_318 = arith.addi %mul3A_162, %add3A_317 : i32
      %get3A_319 = arith.index_cast %add3A_318 : i32 to index
      %get3A_320 = arith.constant 0 : index
      %get3A_321 = tpu.vector_load %arg7[%get3A_319, %get3A_320] {strides = array<i32>} : memref<200x64xf32, #tpu.memory_space<vmem>>, vector<1x16xf32>,
      %get3A_322 = vector.shape_cast %get3A_321 : vector<1x16xf32> to vector<16xf32>
      %add3A_323 = arith.constant 3 : i32
      %add3A_324 = arith.addi %mul3A_162, %add3A_323 : i32
      %swap3A_325 = arith.index_cast %add3A_324 : i32 to index
      %swap3A_326 = arith.constant 0 : index
      %swap3A_327 = tpu.vector_load %arg8[%swap3A_325, %swap3A_326] {strides = array<i32>} : memref<200x64xf32, #tpu.memory_space<vmem>>, vector<1x16xf32>,
      %swap3A_328 = vector.shape_cast %swap3A_327 : vector<1x16xf32> to vector<16xf32>
      %swap3A_329 = vector.shape_cast %get3A_322 : vector<16xf32> to vector<1x16xf32>
      tpu.vector_store %arg8[%swap3A_325, %swap3A_326], %swap3A_329 {strides = array<i32>} : memref<200x64xf32, #tpu.memory_space<vmem>>, vector<1x16xf32>,
      %add3A_330 = arith.constant 3 : i32
      %add3A_331 = arith.addi %mul3A_162, %add3A_330 : i32
      %get3A_332 = arith.index_cast %add3A_331 : i32 to index
      %get3A_333 = arith.constant 16 : index
      %get3A_334 = tpu.vector_load %arg7[%get3A_332, %get3A_333] {strides = array<i32>} : memref<200x64xf32, #tpu.memory_space<vmem>>, vector<1x16xf32>,
      %get3A_335 = vector.shape_cast %get3A_334 : vector<1x16xf32> to vector<16xf32>
      %add3A_336 = arith.constant 3 : i32
      %add3A_337 = arith.addi %mul3A_162, %add3A_336 : i32
      %swap3A_338 = arith.index_cast %add3A_337 : i32 to index
      %swap3A_339 = arith.constant 16 : index
      %swap3A_340 = tpu.vector_load %arg8[%swap3A_338, %swap3A_339] {strides = array<i32>} : memref<200x64xf32, #tpu.memory_space<vmem>>, vector<1x16xf32>,
      %swap3A_341 = vector.shape_cast %swap3A_340 : vector<1x16xf32> to vector<16xf32>
      %swap3A_342 = vector.shape_cast %get3A_335 : vector<16xf32> to vector<1x16xf32>
      tpu.vector_store %arg8[%swap3A_338, %swap3A_339], %swap3A_342 {strides = array<i32>} : memref<200x64xf32, #tpu.memory_space<vmem>>, vector<1x16xf32>,
      %add3A_343 = arith.constant 3 : i32
      %add3A_344 = arith.addi %mul3A_162, %add3A_343 : i32
      %get3A_345 = arith.index_cast %add3A_344 : i32 to index
      %get3A_346 = arith.constant 32 : index
      %get3A_347 = tpu.vector_load %arg7[%get3A_345, %get3A_346] {strides = array<i32>} : memref<200x64xf32, #tpu.memory_space<vmem>>, vector<1x16xf32>,
      %get3A_348 = vector.shape_cast %get3A_347 : vector<1x16xf32> to vector<16xf32>
      %add3A_349 = arith.constant 3 : i32
      %add3A_350 = arith.addi %mul3A_162, %add3A_349 : i32
      %swap3A_351 = arith.index_cast %add3A_350 : i32 to index
      %swap3A_352 = arith.constant 32 : index
      %swap3A_353 = tpu.vector_load %arg8[%swap3A_351, %swap3A_352] {strides = array<i32>} : memref<200x64xf32, #tpu.memory_space<vmem>>, vector<1x16xf32>,
      %swap3A_354 = vector.shape_cast %swap3A_353 : vector<1x16xf32> to vector<16xf32>
      %swap3A_355 = vector.shape_cast %get3A_348 : vector<16xf32> to vector<1x16xf32>
      tpu.vector_store %arg8[%swap3A_351, %swap3A_352], %swap3A_355 {strides = array<i32>} : memref<200x64xf32, #tpu.memory_space<vmem>>, vector<1x16xf32>,
      %add3A_356 = arith.constant 3 : i32
      %add3A_357 = arith.addi %mul3A_162, %add3A_356 : i32
      %get3A_358 = arith.index_cast %add3A_357 : i32 to index
      %get3A_359 = arith.constant 48 : index
      %get3A_360 = tpu.vector_load %arg7[%get3A_358, %get3A_359] {strides = array<i32>} : memref<200x64xf32, #tpu.memory_space<vmem>>, vector<1x16xf32>,
      %get3A_361 = vector.shape_cast %get3A_360 : vector<1x16xf32> to vector<16xf32>
      %add3A_362 = arith.constant 3 : i32
      %add3A_363 = arith.addi %mul3A_162, %add3A_362 : i32
      %swap3A_364 = arith.index_cast %add3A_363 : i32 to index
      %swap3A_365 = arith.constant 48 : index
      %swap3A_366 = tpu.vector_load %arg8[%swap3A_364, %swap3A_365] {strides = array<i32>} : memref<200x64xf32, #tpu.memory_space<vmem>>, vector<1x16xf32>,
      %swap3A_367 = vector.shape_cast %swap3A_366 : vector<1x16xf32> to vector<16xf32>
      %swap3A_368 = vector.shape_cast %get3A_361 : vector<16xf32> to vector<1x16xf32>
      tpu.vector_store %arg8[%swap3A_364, %swap3A_365], %swap3A_368 {strides = array<i32>} : memref<200x64xf32, #tpu.memory_space<vmem>>, vector<1x16xf32>,
    }
    %scan3A_9 = arith.constant 50 : i32
    %dma_start3A = arith.constant 0 : i32
    %dma_start3A_10 = arith.constant 0 : i32
    %dma_start3A_11 = tpu.memref_slice %arg8[%dma_start3A, %dma_start3A_10] : memref<200x64xf32, #tpu.memory_space<vmem>> -> memref<104x64xf32, #tpu.memory_space<vmem>>
    %dma_start3A_12 = arith.constant 0 : i32
    %dma_start3A_13 = tpu.memref_slice %arg6[%dma_start3A_12] : memref<6400xi32, #tpu.memory_space<vmem>> -> memref<104xi32, #tpu.memory_space<vmem>>
    %dma_start3A_14 = arith.constant 0 : i32
    %dma_start3A_15 = arith.constant 0 : i32
    %dma_start3A_16 = tpu.memref_slice %arg3[%dma_start3A_14, %dma_start3A_15] : memref<100352x64xf32, #tpu.memory_space<hbm>> -> memref<100352x64xf32, #tpu.memory_space<hbm>>
    tpu.enqueue_indirect_dma source(%dma_start3A_16 : memref<100352x64xf32, #tpu.memory_space<hbm>>) target(%dma_start3A_11 : memref<104x64xf32, #tpu.memory_space<vmem>>) offsets(%dma_start3A_13 : memref<104xi32, #tpu.memory_space<vmem>>) semaphore(%arg12 : memref<!tpu.dma_semaphore, #tpu.memory_space<semaphore_mem>>) {add = true}
    %dma_start3A_17 = arith.constant 104 : i32
    %dma_start3A_18 = arith.constant 0 : i32
    %dma_start3A_19 = tpu.memref_slice %arg8[%dma_start3A_17, %dma_start3A_18] : memref<200x64xf32, #tpu.memory_space<vmem>> -> memref<96x64xf32, #tpu.memory_space<vmem>>
    %dma_start3A_20 = arith.constant 104 : i32
    %dma_start3A_21 = tpu.memref_slice %arg6[%dma_start3A_20] : memref<6400xi32, #tpu.memory_space<vmem>> -> memref<96xi32, #tpu.memory_space<vmem>>
    %dma_start3A_22 = arith.constant 0 : i32
    %dma_start3A_23 = arith.constant 0 : i32
    %dma_start3A_24 = tpu.memref_slice %arg3[%dma_start3A_22, %dma_start3A_23] : memref<100352x64xf32, #tpu.memory_space<hbm>> -> memref<100352x64xf32, #tpu.memory_space<hbm>>
    tpu.enqueue_indirect_dma source(%dma_start3A_24 : memref<100352x64xf32, #tpu.memory_space<hbm>>) target(%dma_start3A_19 : memref<96x64xf32, #tpu.memory_space<vmem>>) offsets(%dma_start3A_21 : memref<96xi32, #tpu.memory_space<vmem>>) semaphore(%arg12 : memref<!tpu.dma_semaphore, #tpu.memory_space<semaphore_mem>>) {add = true}
    %scan3A_25 = arith.constant 0 : i32
    %scan3A_26 = arith.constant 0 : i32
    %scan3A_27 = arith.constant 50 : i32
    %scan3A_28 = arith.addi %scan3A_26, %scan3A_27 : i32
    %scan3A_29 = arith.constant 1 : i32
    scf.for %scan3A_160 = %scan3A_26 to %scan3A_28 step %scan3A_29  : i32 {
      %mul3A_161 = arith.constant 4 : i32
      %mul3A_162 = arith.muli %scan3A_160, %mul3A_161 : i32
      %add3A_163 = arith.constant 0 : i32
      %add3A_164 = arith.addi %mul3A_162, %add3A_163 : i32
      %get3A = arith.index_cast %add3A_164 : i32 to index
      %get3A_165 = arith.constant 0 : index
      %get3A_166 = tpu.vector_load %arg7[%get3A, %get3A_165] {strides = array<i32>} : memref<200x64xf32, #tpu.memory_space<vmem>>, vector<1x16xf32>,
      %get3A_167 = vector.shape_cast %get3A_166 : vector<1x16xf32> to vector<16xf32>
      %add3A_168 = arith.constant 0 : i32
      %add3A_169 = arith.addi %mul3A_162, %add3A_168 : i32
      %swap3A = arith.index_cast %add3A_169 : i32 to index
      %swap3A_170 = arith.constant 0 : index
      %swap3A_171 = tpu.vector_load %arg9[%swap3A, %swap3A_170] {strides = array<i32>} : memref<200x64xf32, #tpu.memory_space<vmem>>, vector<1x16xf32>,
      %swap3A_172 = vector.shape_cast %swap3A_171 : vector<1x16xf32> to vector<16xf32>
      %swap3A_173 = vector.shape_cast %get3A_167 : vector<16xf32> to vector<1x16xf32>
      tpu.vector_store %arg9[%swap3A, %swap3A_170], %swap3A_173 {strides = array<i32>} : memref<200x64xf32, #tpu.memory_space<vmem>>, vector<1x16xf32>,
      %add3A_174 = arith.constant 0 : i32
      %add3A_175 = arith.addi %mul3A_162, %add3A_174 : i32
      %get3A_176 = arith.index_cast %add3A_175 : i32 to index
      %get3A_177 = arith.constant 16 : index
      %get3A_178 = tpu.vector_load %arg7[%get3A_176, %get3A_177] {strides = array<i32>} : memref<200x64xf32, #tpu.memory_space<vmem>>, vector<1x16xf32>,
      %get3A_179 = vector.shape_cast %get3A_178 : vector<1x16xf32> to vector<16xf32>
      %add3A_180 = arith.constant 0 : i32
      %add3A_181 = arith.addi %mul3A_162, %add3A_180 : i32
      %swap3A_182 = arith.index_cast %add3A_181 : i32 to index
      %swap3A_183 = arith.constant 16 : index
      %swap3A_184 = tpu.vector_load %arg9[%swap3A_182, %swap3A_183] {strides = array<i32>} : memref<200x64xf32, #tpu.memory_space<vmem>>, vector<1x16xf32>,
      %swap3A_185 = vector.shape_cast %swap3A_184 : vector<1x16xf32> to vector<16xf32>
      %swap3A_186 = vector.shape_cast %get3A_179 : vector<16xf32> to vector<1x16xf32>
      tpu.vector_store %arg9[%swap3A_182, %swap3A_183], %swap3A_186 {strides = array<i32>} : memref<200x64xf32, #tpu.memory_space<vmem>>, vector<1x16xf32>,
      %add3A_187 = arith.constant 0 : i32
      %add3A_188 = arith.addi %mul3A_162, %add3A_187 : i32
      %get3A_189 = arith.index_cast %add3A_188 : i32 to index
      %get3A_190 = arith.constant 32 : index
      %get3A_191 = tpu.vector_load %arg7[%get3A_189, %get3A_190] {strides = array<i32>} : memref<200x64xf32, #tpu.memory_space<vmem>>, vector<1x16xf32>,
      %get3A_192 = vector.shape_cast %get3A_191 : vector<1x16xf32> to vector<16xf32>
      %add3A_193 = arith.constant 0 : i32
      %add3A_194 = arith.addi %mul3A_162, %add3A_193 : i32
      %swap3A_195 = arith.index_cast %add3A_194 : i32 to index
      %swap3A_196 = arith.constant 32 : index
      %swap3A_197 = tpu.vector_load %arg9[%swap3A_195, %swap3A_196] {strides = array<i32>} : memref<200x64xf32, #tpu.memory_space<vmem>>, vector<1x16xf32>,
      %swap3A_198 = vector.shape_cast %swap3A_197 : vector<1x16xf32> to vector<16xf32>
      %swap3A_199 = vector.shape_cast %get3A_192 : vector<16xf32> to vector<1x16xf32>
      tpu.vector_store %arg9[%swap3A_195, %swap3A_196], %swap3A_199 {strides = array<i32>} : memref<200x64xf32, #tpu.memory_space<vmem>>, vector<1x16xf32>,
      %add3A_200 = arith.constant 0 : i32
      %add3A_201 = arith.addi %mul3A_162, %add3A_200 : i32
      %get3A_202 = arith.index_cast %add3A_201 : i32 to index
      %get3A_203 = arith.constant 48 : index
      %get3A_204 = tpu.vector_load %arg7[%get3A_202, %get3A_203] {strides = array<i32>} : memref<200x64xf32, #tpu.memory_space<vmem>>, vector<1x16xf32>,
      %get3A_205 = vector.shape_cast %get3A_204 : vector<1x16xf32> to vector<16xf32>
      %add3A_206 = arith.constant 0 : i32
      %add3A_207 = arith.addi %mul3A_162, %add3A_206 : i32
      %swap3A_208 = arith.index_cast %add3A_207 : i32 to index
      %swap3A_209 = arith.constant 48 : index
      %swap3A_210 = tpu.vector_load %arg9[%swap3A_208, %swap3A_209] {strides = array<i32>} : memref<200x64xf32, #tpu.memory_space<vmem>>, vector<1x16xf32>,
      %swap3A_211 = vector.shape_cast %swap3A_210 : vector<1x16xf32> to vector<16xf32>
      %swap3A_212 = vector.shape_cast %get3A_205 : vector<16xf32> to vector<1x16xf32>
      tpu.vector_store %arg9[%swap3A_208, %swap3A_209], %swap3A_212 {strides = array<i32>} : memref<200x64xf32, #tpu.memory_space<vmem>>, vector<1x16xf32>,
      %add3A_213 = arith.constant 1 : i32
      %add3A_214 = arith.addi %mul3A_162, %add3A_213 : i32
      %get3A_215 = arith.index_cast %add3A_214 : i32 to index
      %get3A_216 = arith.constant 0 : index
      %get3A_217 = tpu.vector_load %arg7[%get3A_215, %get3A_216] {strides = array<i32>} : memref<200x64xf32, #tpu.memory_space<vmem>>, vector<1x16xf32>,
      %get3A_218 = vector.shape_cast %get3A_217 : vector<1x16xf32> to vector<16xf32>
      %add3A_219 = arith.constant 1 : i32
      %add3A_220 = arith.addi %mul3A_162, %add3A_219 : i32
      %swap3A_221 = arith.index_cast %add3A_220 : i32 to index
      %swap3A_222 = arith.constant 0 : index
      %swap3A_223 = tpu.vector_load %arg9[%swap3A_221, %swap3A_222] {strides = array<i32>} : memref<200x64xf32, #tpu.memory_space<vmem>>, vector<1x16xf32>,
      %swap3A_224 = vector.shape_cast %swap3A_223 : vector<1x16xf32> to vector<16xf32>
      %swap3A_225 = vector.shape_cast %get3A_218 : vector<16xf32> to vector<1x16xf32>
      tpu.vector_store %arg9[%swap3A_221, %swap3A_222], %swap3A_225 {strides = array<i32>} : memref<200x64xf32, #tpu.memory_space<vmem>>, vector<1x16xf32>,
      %add3A_226 = arith.constant 1 : i32
      %add3A_227 = arith.addi %mul3A_162, %add3A_226 : i32
      %get3A_228 = arith.index_cast %add3A_227 : i32 to index
      %get3A_229 = arith.constant 16 : index
      %get3A_230 = tpu.vector_load %arg7[%get3A_228, %get3A_229] {strides = array<i32>} : memref<200x64xf32, #tpu.memory_space<vmem>>, vector<1x16xf32>,
      %get3A_231 = vector.shape_cast %get3A_230 : vector<1x16xf32> to vector<16xf32>
      %add3A_232 = arith.constant 1 : i32
      %add3A_233 = arith.addi %mul3A_162, %add3A_232 : i32
      %swap3A_234 = arith.index_cast %add3A_233 : i32 to index
      %swap3A_235 = arith.constant 16 : index
      %swap3A_236 = tpu.vector_load %arg9[%swap3A_234, %swap3A_235] {strides = array<i32>} : memref<200x64xf32, #tpu.memory_space<vmem>>, vector<1x16xf32>,
      %swap3A_237 = vector.shape_cast %swap3A_236 : vector<1x16xf32> to vector<16xf32>
      %swap3A_238 = vector.shape_cast %get3A_231 : vector<16xf32> to vector<1x16xf32>
      tpu.vector_store %arg9[%swap3A_234, %swap3A_235], %swap3A_238 {strides = array<i32>} : memref<200x64xf32, #tpu.memory_space<vmem>>, vector<1x16xf32>,
      %add3A_239 = arith.constant 1 : i32
      %add3A_240 = arith.addi %mul3A_162, %add3A_239 : i32
      %get3A_241 = arith.index_cast %add3A_240 : i32 to index
      %get3A_242 = arith.constant 32 : index
      %get3A_243 = tpu.vector_load %arg7[%get3A_241, %get3A_242] {strides = array<i32>} : memref<200x64xf32, #tpu.memory_space<vmem>>, vector<1x16xf32>,
      %get3A_244 = vector.shape_cast %get3A_243 : vector<1x16xf32> to vector<16xf32>
      %add3A_245 = arith.constant 1 : i32
      %add3A_246 = arith.addi %mul3A_162, %add3A_245 : i32
      %swap3A_247 = arith.index_cast %add3A_246 : i32 to index
      %swap3A_248 = arith.constant 32 : index
      %swap3A_249 = tpu.vector_load %arg9[%swap3A_247, %swap3A_248] {strides = array<i32>} : memref<200x64xf32, #tpu.memory_space<vmem>>, vector<1x16xf32>,
      %swap3A_250 = vector.shape_cast %swap3A_249 : vector<1x16xf32> to vector<16xf32>
      %swap3A_251 = vector.shape_cast %get3A_244 : vector<16xf32> to vector<1x16xf32>
      tpu.vector_store %arg9[%swap3A_247, %swap3A_248], %swap3A_251 {strides = array<i32>} : memref<200x64xf32, #tpu.memory_space<vmem>>, vector<1x16xf32>,
      %add3A_252 = arith.constant 1 : i32
      %add3A_253 = arith.addi %mul3A_162, %add3A_252 : i32
      %get3A_254 = arith.index_cast %add3A_253 : i32 to index
      %get3A_255 = arith.constant 48 : index
      %get3A_256 = tpu.vector_load %arg7[%get3A_254, %get3A_255] {strides = array<i32>} : memref<200x64xf32, #tpu.memory_space<vmem>>, vector<1x16xf32>,
      %get3A_257 = vector.shape_cast %get3A_256 : vector<1x16xf32> to vector<16xf32>
      %add3A_258 = arith.constant 1 : i32
      %add3A_259 = arith.addi %mul3A_162, %add3A_258 : i32
      %swap3A_260 = arith.index_cast %add3A_259 : i32 to index
      %swap3A_261 = arith.constant 48 : index
      %swap3A_262 = tpu.vector_load %arg9[%swap3A_260, %swap3A_261] {strides = array<i32>} : memref<200x64xf32, #tpu.memory_space<vmem>>, vector<1x16xf32>,
      %swap3A_263 = vector.shape_cast %swap3A_262 : vector<1x16xf32> to vector<16xf32>
      %swap3A_264 = vector.shape_cast %get3A_257 : vector<16xf32> to vector<1x16xf32>
      tpu.vector_store %arg9[%swap3A_260, %swap3A_261], %swap3A_264 {strides = array<i32>} : memref<200x64xf32, #tpu.memory_space<vmem>>, vector<1x16xf32>,
      %add3A_265 = arith.constant 2 : i32
      %add3A_266 = arith.addi %mul3A_162, %add3A_265 : i32
      %get3A_267 = arith.index_cast %add3A_266 : i32 to index
      %get3A_268 = arith.constant 0 : index
      %get3A_269 = tpu.vector_load %arg7[%get3A_267, %get3A_268] {strides = array<i32>} : memref<200x64xf32, #tpu.memory_space<vmem>>, vector<1x16xf32>,
      %get3A_270 = vector.shape_cast %get3A_269 : vector<1x16xf32> to vector<16xf32>
      %add3A_271 = arith.constant 2 : i32
      %add3A_272 = arith.addi %mul3A_162, %add3A_271 : i32
      %swap3A_273 = arith.index_cast %add3A_272 : i32 to index
      %swap3A_274 = arith.constant 0 : index
      %swap3A_275 = tpu.vector_load %arg9[%swap3A_273, %swap3A_274] {strides = array<i32>} : memref<200x64xf32, #tpu.memory_space<vmem>>, vector<1x16xf32>,
      %swap3A_276 = vector.shape_cast %swap3A_275 : vector<1x16xf32> to vector<16xf32>
      %swap3A_277 = vector.shape_cast %get3A_270 : vector<16xf32> to vector<1x16xf32>
      tpu.vector_store %arg9[%swap3A_273, %swap3A_274], %swap3A_277 {strides = array<i32>} : memref<200x64xf32, #tpu.memory_space<vmem>>, vector<1x16xf32>,
      %add3A_278 = arith.constant 2 : i32
      %add3A_279 = arith.addi %mul3A_162, %add3A_278 : i32
      %get3A_280 = arith.index_cast %add3A_279 : i32 to index
      %get3A_281 = arith.constant 16 : index
      %get3A_282 = tpu.vector_load %arg7[%get3A_280, %get3A_281] {strides = array<i32>} : memref<200x64xf32, #tpu.memory_space<vmem>>, vector<1x16xf32>,
      %get3A_283 = vector.shape_cast %get3A_282 : vector<1x16xf32> to vector<16xf32>
      %add3A_284 = arith.constant 2 : i32
      %add3A_285 = arith.addi %mul3A_162, %add3A_284 : i32
      %swap3A_286 = arith.index_cast %add3A_285 : i32 to index
      %swap3A_287 = arith.constant 16 : index
      %swap3A_288 = tpu.vector_load %arg9[%swap3A_286, %swap3A_287] {strides = array<i32>} : memref<200x64xf32, #tpu.memory_space<vmem>>, vector<1x16xf32>,
      %swap3A_289 = vector.shape_cast %swap3A_288 : vector<1x16xf32> to vector<16xf32>
      %swap3A_290 = vector.shape_cast %get3A_283 : vector<16xf32> to vector<1x16xf32>
      tpu.vector_store %arg9[%swap3A_286, %swap3A_287], %swap3A_290 {strides = array<i32>} : memref<200x64xf32, #tpu.memory_space<vmem>>, vector<1x16xf32>,
      %add3A_291 = arith.constant 2 : i32
      %add3A_292 = arith.addi %mul3A_162, %add3A_291 : i32
      %get3A_293 = arith.index_cast %add3A_292 : i32 to index
      %get3A_294 = arith.constant 32 : index
      %get3A_295 = tpu.vector_load %arg7[%get3A_293, %get3A_294] {strides = array<i32>} : memref<200x64xf32, #tpu.memory_space<vmem>>, vector<1x16xf32>,
      %get3A_296 = vector.shape_cast %get3A_295 : vector<1x16xf32> to vector<16xf32>
      %add3A_297 = arith.constant 2 : i32
      %add3A_298 = arith.addi %mul3A_162, %add3A_297 : i32
      %swap3A_299 = arith.index_cast %add3A_298 : i32 to index
      %swap3A_300 = arith.constant 32 : index
      %swap3A_301 = tpu.vector_load %arg9[%swap3A_299, %swap3A_300] {strides = array<i32>} : memref<200x64xf32, #tpu.memory_space<vmem>>, vector<1x16xf32>,
      %swap3A_302 = vector.shape_cast %swap3A_301 : vector<1x16xf32> to vector<16xf32>
      %swap3A_303 = vector.shape_cast %get3A_296 : vector<16xf32> to vector<1x16xf32>
      tpu.vector_store %arg9[%swap3A_299, %swap3A_300], %swap3A_303 {strides = array<i32>} : memref<200x64xf32, #tpu.memory_space<vmem>>, vector<1x16xf32>,
      %add3A_304 = arith.constant 2 : i32
      %add3A_305 = arith.addi %mul3A_162, %add3A_304 : i32
      %get3A_306 = arith.index_cast %add3A_305 : i32 to index
      %get3A_307 = arith.constant 48 : index
      %get3A_308 = tpu.vector_load %arg7[%get3A_306, %get3A_307] {strides = array<i32>} : memref<200x64xf32, #tpu.memory_space<vmem>>, vector<1x16xf32>,
      %get3A_309 = vector.shape_cast %get3A_308 : vector<1x16xf32> to vector<16xf32>
      %add3A_310 = arith.constant 2 : i32
      %add3A_311 = arith.addi %mul3A_162, %add3A_310 : i32
      %swap3A_312 = arith.index_cast %add3A_311 : i32 to index
      %swap3A_313 = arith.constant 48 : index
      %swap3A_314 = tpu.vector_load %arg9[%swap3A_312, %swap3A_313] {strides = array<i32>} : memref<200x64xf32, #tpu.memory_space<vmem>>, vector<1x16xf32>,
      %swap3A_315 = vector.shape_cast %swap3A_314 : vector<1x16xf32> to vector<16xf32>
      %swap3A_316 = vector.shape_cast %get3A_309 : vector<16xf32> to vector<1x16xf32>
      tpu.vector_store %arg9[%swap3A_312, %swap3A_313], %swap3A_316 {strides = array<i32>} : memref<200x64xf32, #tpu.memory_space<vmem>>, vector<1x16xf32>,
      %add3A_317 = arith.constant 3 : i32
      %add3A_318 = arith.addi %mul3A_162, %add3A_317 : i32
      %get3A_319 = arith.index_cast %add3A_318 : i32 to index
      %get3A_320 = arith.constant 0 : index
      %get3A_321 = tpu.vector_load %arg7[%get3A_319, %get3A_320] {strides = array<i32>} : memref<200x64xf32, #tpu.memory_space<vmem>>, vector<1x16xf32>,
      %get3A_322 = vector.shape_cast %get3A_321 : vector<1x16xf32> to vector<16xf32>
      %add3A_323 = arith.constant 3 : i32
      %add3A_324 = arith.addi %mul3A_162, %add3A_323 : i32
      %swap3A_325 = arith.index_cast %add3A_324 : i32 to index
      %swap3A_326 = arith.constant 0 : index
      %swap3A_327 = tpu.vector_load %arg9[%swap3A_325, %swap3A_326] {strides = array<i32>} : memref<200x64xf32, #tpu.memory_space<vmem>>, vector<1x16xf32>,
      %swap3A_328 = vector.shape_cast %swap3A_327 : vector<1x16xf32> to vector<16xf32>
      %swap3A_329 = vector.shape_cast %get3A_322 : vector<16xf32> to vector<1x16xf32>
      tpu.vector_store %arg9[%swap3A_325, %swap3A_326], %swap3A_329 {strides = array<i32>} : memref<200x64xf32, #tpu.memory_space<vmem>>, vector<1x16xf32>,
      %add3A_330 = arith.constant 3 : i32
      %add3A_331 = arith.addi %mul3A_162, %add3A_330 : i32
      %get3A_332 = arith.index_cast %add3A_331 : i32 to index
      %get3A_333 = arith.constant 16 : index
      %get3A_334 = tpu.vector_load %arg7[%get3A_332, %get3A_333] {strides = array<i32>} : memref<200x64xf32, #tpu.memory_space<vmem>>, vector<1x16xf32>,
      %get3A_335 = vector.shape_cast %get3A_334 : vector<1x16xf32> to vector<16xf32>
      %add3A_336 = arith.constant 3 : i32
      %add3A_337 = arith.addi %mul3A_162, %add3A_336 : i32
      %swap3A_338 = arith.index_cast %add3A_337 : i32 to index
      %swap3A_339 = arith.constant 16 : index
      %swap3A_340 = tpu.vector_load %arg9[%swap3A_338, %swap3A_339] {strides = array<i32>} : memref<200x64xf32, #tpu.memory_space<vmem>>, vector<1x16xf32>,
      %swap3A_341 = vector.shape_cast %swap3A_340 : vector<1x16xf32> to vector<16xf32>
      %swap3A_342 = vector.shape_cast %get3A_335 : vector<16xf32> to vector<1x16xf32>
      tpu.vector_store %arg9[%swap3A_338, %swap3A_339], %swap3A_342 {strides = array<i32>} : memref<200x64xf32, #tpu.memory_space<vmem>>, vector<1x16xf32>,
      %add3A_343 = arith.constant 3 : i32
      %add3A_344 = arith.addi %mul3A_162, %add3A_343 : i32
      %get3A_345 = arith.index_cast %add3A_344 : i32 to index
      %get3A_346 = arith.constant 32 : index
      %get3A_347 = tpu.vector_load %arg7[%get3A_345, %get3A_346] {strides = array<i32>} : memref<200x64xf32, #tpu.memory_space<vmem>>, vector<1x16xf32>,
      %get3A_348 = vector.shape_cast %get3A_347 : vector<1x16xf32> to vector<16xf32>
      %add3A_349 = arith.constant 3 : i32
      %add3A_350 = arith.addi %mul3A_162, %add3A_349 : i32
      %swap3A_351 = arith.index_cast %add3A_350 : i32 to index
      %swap3A_352 = arith.constant 32 : index
      %swap3A_353 = tpu.vector_load %arg9[%swap3A_351, %swap3A_352] {strides = array<i32>} : memref<200x64xf32, #tpu.memory_space<vmem>>, vector<1x16xf32>,
      %swap3A_354 = vector.shape_cast %swap3A_353 : vector<1x16xf32> to vector<16xf32>
      %swap3A_355 = vector.shape_cast %get3A_348 : vector<16xf32> to vector<1x16xf32>
      tpu.vector_store %arg9[%swap3A_351, %swap3A_352], %swap3A_355 {strides = array<i32>} : memref<200x64xf32, #tpu.memory_space<vmem>>, vector<1x16xf32>,
      %add3A_356 = arith.constant 3 : i32
      %add3A_357 = arith.addi %mul3A_162, %add3A_356 : i32
      %get3A_358 = arith.index_cast %add3A_357 : i32 to index
      %get3A_359 = arith.constant 48 : index
      %get3A_360 = tpu.vector_load %arg7[%get3A_358, %get3A_359] {strides = array<i32>} : memref<200x64xf32, #tpu.memory_space<vmem>>, vector<1x16xf32>,
      %get3A_361 = vector.shape_cast %get3A_360 : vector<1x16xf32> to vector<16xf32>
      %add3A_362 = arith.constant 3 : i32
      %add3A_363 = arith.addi %mul3A_162, %add3A_362 : i32
      %swap3A_364 = arith.index_cast %add3A_363 : i32 to index
      %swap3A_365 = arith.constant 48 : index
      %swap3A_366 = tpu.vector_load %arg9[%swap3A_364, %swap3A_365] {strides = array<i32>} : memref<200x64xf32, #tpu.memory_space<vmem>>, vector<1x16xf32>,
      %swap3A_367 = vector.shape_cast %swap3A_366 : vector<1x16xf32> to vector<16xf32>
      %swap3A_368 = vector.shape_cast %get3A_361 : vector<16xf32> to vector<1x16xf32>
      tpu.vector_store %arg9[%swap3A_364, %swap3A_365], %swap3A_368 {strides = array<i32>} : memref<200x64xf32, #tpu.memory_space<vmem>>, vector<1x16xf32>,
    }
    %scan3A_30 = arith.constant 50 : i32
    %dma_start3A_31 = arith.constant 0 : i32
    %dma_start3A_32 = arith.constant 0 : i32
    %dma_start3A_33 = tpu.memref_slice %arg9[%dma_start3A_31, %dma_start3A_32] : memref<200x64xf32, #tpu.memory_space<vmem>> -> memref<104x64xf32, #tpu.memory_space<vmem>>
    %dma_start3A_34 = arith.constant 200 : i32
    %dma_start3A_35 = tpu.memref_slice %arg6[%dma_start3A_34] : memref<6400xi32, #tpu.memory_space<vmem>> -> memref<104xi32, #tpu.memory_space<vmem>>
    %dma_start3A_36 = arith.constant 0 : i32
    %dma_start3A_37 = arith.constant 0 : i32
    %dma_start3A_38 = tpu.memref_slice %arg3[%dma_start3A_36, %dma_start3A_37] : memref<100352x64xf32, #tpu.memory_space<hbm>> -> memref<100352x64xf32, #tpu.memory_space<hbm>>
    tpu.enqueue_indirect_dma source(%dma_start3A_38 : memref<100352x64xf32, #tpu.memory_space<hbm>>) target(%dma_start3A_33 : memref<104x64xf32, #tpu.memory_space<vmem>>) offsets(%dma_start3A_35 : memref<104xi32, #tpu.memory_space<vmem>>) semaphore(%arg13 : memref<!tpu.dma_semaphore, #tpu.memory_space<semaphore_mem>>) {add = true}
    %dma_start3A_39 = arith.constant 104 : i32
    %dma_start3A_40 = arith.constant 0 : i32
    %dma_start3A_41 = tpu.memref_slice %arg9[%dma_start3A_39, %dma_start3A_40] : memref<200x64xf32, #tpu.memory_space<vmem>> -> memref<96x64xf32, #tpu.memory_space<vmem>>
    %dma_start3A_42 = arith.constant 304 : i32
    %dma_start3A_43 = tpu.memref_slice %arg6[%dma_start3A_42] : memref<6400xi32, #tpu.memory_space<vmem>> -> memref<96xi32, #tpu.memory_space<vmem>>
    %dma_start3A_44 = arith.constant 0 : i32
    %dma_start3A_45 = arith.constant 0 : i32
    %dma_start3A_46 = tpu.memref_slice %arg3[%dma_start3A_44, %dma_start3A_45] : memref<100352x64xf32, #tpu.memory_space<hbm>> -> memref<100352x64xf32, #tpu.memory_space<hbm>>
    tpu.enqueue_indirect_dma source(%dma_start3A_46 : memref<100352x64xf32, #tpu.memory_space<hbm>>) target(%dma_start3A_41 : memref<96x64xf32, #tpu.memory_space<vmem>>) offsets(%dma_start3A_43 : memref<96xi32, #tpu.memory_space<vmem>>) semaphore(%arg13 : memref<!tpu.dma_semaphore, #tpu.memory_space<semaphore_mem>>) {add = true}
    %scan3A_47 = arith.constant 0 : i32
    %scan3A_48 = arith.constant 0 : i32
    %scan3A_49 = arith.constant 50 : i32
    %scan3A_50 = arith.addi %scan3A_48, %scan3A_49 : i32
    %scan3A_51 = arith.constant 1 : i32
    scf.for %scan3A_160 = %scan3A_48 to %scan3A_50 step %scan3A_51  : i32 {
      %mul3A_161 = arith.constant 4 : i32
      %mul3A_162 = arith.muli %scan3A_160, %mul3A_161 : i32
      %add3A_163 = arith.constant 0 : i32
      %add3A_164 = arith.addi %mul3A_162, %add3A_163 : i32
      %get3A = arith.index_cast %add3A_164 : i32 to index
      %get3A_165 = arith.constant 0 : index
      %get3A_166 = tpu.vector_load %arg7[%get3A, %get3A_165] {strides = array<i32>} : memref<200x64xf32, #tpu.memory_space<vmem>>, vector<1x16xf32>,
      %get3A_167 = vector.shape_cast %get3A_166 : vector<1x16xf32> to vector<16xf32>
      %add3A_168 = arith.constant 0 : i32
      %add3A_169 = arith.addi %mul3A_162, %add3A_168 : i32
      %swap3A = arith.index_cast %add3A_169 : i32 to index
      %swap3A_170 = arith.constant 0 : index
      %swap3A_171 = tpu.vector_load %arg10[%swap3A, %swap3A_170] {strides = array<i32>} : memref<200x64xf32, #tpu.memory_space<vmem>>, vector<1x16xf32>,
      %swap3A_172 = vector.shape_cast %swap3A_171 : vector<1x16xf32> to vector<16xf32>
      %swap3A_173 = vector.shape_cast %get3A_167 : vector<16xf32> to vector<1x16xf32>
      tpu.vector_store %arg10[%swap3A, %swap3A_170], %swap3A_173 {strides = array<i32>} : memref<200x64xf32, #tpu.memory_space<vmem>>, vector<1x16xf32>,
      %add3A_174 = arith.constant 0 : i32
      %add3A_175 = arith.addi %mul3A_162, %add3A_174 : i32
      %get3A_176 = arith.index_cast %add3A_175 : i32 to index
      %get3A_177 = arith.constant 16 : index
      %get3A_178 = tpu.vector_load %arg7[%get3A_176, %get3A_177] {strides = array<i32>} : memref<200x64xf32, #tpu.memory_space<vmem>>, vector<1x16xf32>,
      %get3A_179 = vector.shape_cast %get3A_178 : vector<1x16xf32> to vector<16xf32>
      %add3A_180 = arith.constant 0 : i32
      %add3A_181 = arith.addi %mul3A_162, %add3A_180 : i32
      %swap3A_182 = arith.index_cast %add3A_181 : i32 to index
      %swap3A_183 = arith.constant 16 : index
      %swap3A_184 = tpu.vector_load %arg10[%swap3A_182, %swap3A_183] {strides = array<i32>} : memref<200x64xf32, #tpu.memory_space<vmem>>, vector<1x16xf32>,
      %swap3A_185 = vector.shape_cast %swap3A_184 : vector<1x16xf32> to vector<16xf32>
      %swap3A_186 = vector.shape_cast %get3A_179 : vector<16xf32> to vector<1x16xf32>
      tpu.vector_store %arg10[%swap3A_182, %swap3A_183], %swap3A_186 {strides = array<i32>} : memref<200x64xf32, #tpu.memory_space<vmem>>, vector<1x16xf32>,
      %add3A_187 = arith.constant 0 : i32
      %add3A_188 = arith.addi %mul3A_162, %add3A_187 : i32
      %get3A_189 = arith.index_cast %add3A_188 : i32 to index
      %get3A_190 = arith.constant 32 : index
      %get3A_191 = tpu.vector_load %arg7[%get3A_189, %get3A_190] {strides = array<i32>} : memref<200x64xf32, #tpu.memory_space<vmem>>, vector<1x16xf32>,
      %get3A_192 = vector.shape_cast %get3A_191 : vector<1x16xf32> to vector<16xf32>
      %add3A_193 = arith.constant 0 : i32
      %add3A_194 = arith.addi %mul3A_162, %add3A_193 : i32
      %swap3A_195 = arith.index_cast %add3A_194 : i32 to index
      %swap3A_196 = arith.constant 32 : index
      %swap3A_197 = tpu.vector_load %arg10[%swap3A_195, %swap3A_196] {strides = array<i32>} : memref<200x64xf32, #tpu.memory_space<vmem>>, vector<1x16xf32>,
      %swap3A_198 = vector.shape_cast %swap3A_197 : vector<1x16xf32> to vector<16xf32>
      %swap3A_199 = vector.shape_cast %get3A_192 : vector<16xf32> to vector<1x16xf32>
      tpu.vector_store %arg10[%swap3A_195, %swap3A_196], %swap3A_199 {strides = array<i32>} : memref<200x64xf32, #tpu.memory_space<vmem>>, vector<1x16xf32>,
      %add3A_200 = arith.constant 0 : i32
      %add3A_201 = arith.addi %mul3A_162, %add3A_200 : i32
      %get3A_202 = arith.index_cast %add3A_201 : i32 to index
      %get3A_203 = arith.constant 48 : index
      %get3A_204 = tpu.vector_load %arg7[%get3A_202, %get3A_203] {strides = array<i32>} : memref<200x64xf32, #tpu.memory_space<vmem>>, vector<1x16xf32>,
      %get3A_205 = vector.shape_cast %get3A_204 : vector<1x16xf32> to vector<16xf32>
      %add3A_206 = arith.constant 0 : i32
      %add3A_207 = arith.addi %mul3A_162, %add3A_206 : i32
      %swap3A_208 = arith.index_cast %add3A_207 : i32 to index
      %swap3A_209 = arith.constant 48 : index
      %swap3A_210 = tpu.vector_load %arg10[%swap3A_208, %swap3A_209] {strides = array<i32>} : memref<200x64xf32, #tpu.memory_space<vmem>>, vector<1x16xf32>,
      %swap3A_211 = vector.shape_cast %swap3A_210 : vector<1x16xf32> to vector<16xf32>
      %swap3A_212 = vector.shape_cast %get3A_205 : vector<16xf32> to vector<1x16xf32>
      tpu.vector_store %arg10[%swap3A_208, %swap3A_209], %swap3A_212 {strides = array<i32>} : memref<200x64xf32, #tpu.memory_space<vmem>>, vector<1x16xf32>,
      %add3A_213 = arith.constant 1 : i32
      %add3A_214 = arith.addi %mul3A_162, %add3A_213 : i32
      %get3A_215 = arith.index_cast %add3A_214 : i32 to index
      %get3A_216 = arith.constant 0 : index
      %get3A_217 = tpu.vector_load %arg7[%get3A_215, %get3A_216] {strides = array<i32>} : memref<200x64xf32, #tpu.memory_space<vmem>>, vector<1x16xf32>,
      %get3A_218 = vector.shape_cast %get3A_217 : vector<1x16xf32> to vector<16xf32>
      %add3A_219 = arith.constant 1 : i32
      %add3A_220 = arith.addi %mul3A_162, %add3A_219 : i32
      %swap3A_221 = arith.index_cast %add3A_220 : i32 to index
      %swap3A_222 = arith.constant 0 : index
      %swap3A_223 = tpu.vector_load %arg10[%swap3A_221, %swap3A_222] {strides = array<i32>} : memref<200x64xf32, #tpu.memory_space<vmem>>, vector<1x16xf32>,
      %swap3A_224 = vector.shape_cast %swap3A_223 : vector<1x16xf32> to vector<16xf32>
      %swap3A_225 = vector.shape_cast %get3A_218 : vector<16xf32> to vector<1x16xf32>
      tpu.vector_store %arg10[%swap3A_221, %swap3A_222], %swap3A_225 {strides = array<i32>} : memref<200x64xf32, #tpu.memory_space<vmem>>, vector<1x16xf32>,
      %add3A_226 = arith.constant 1 : i32
      %add3A_227 = arith.addi %mul3A_162, %add3A_226 : i32
      %get3A_228 = arith.index_cast %add3A_227 : i32 to index
      %get3A_229 = arith.constant 16 : index
      %get3A_230 = tpu.vector_load %arg7[%get3A_228, %get3A_229] {strides = array<i32>} : memref<200x64xf32, #tpu.memory_space<vmem>>, vector<1x16xf32>,
      %get3A_231 = vector.shape_cast %get3A_230 : vector<1x16xf32> to vector<16xf32>
      %add3A_232 = arith.constant 1 : i32
      %add3A_233 = arith.addi %mul3A_162, %add3A_232 : i32
      %swap3A_234 = arith.index_cast %add3A_233 : i32 to index
      %swap3A_235 = arith.constant 16 : index
      %swap3A_236 = tpu.vector_load %arg10[%swap3A_234, %swap3A_235] {strides = array<i32>} : memref<200x64xf32, #tpu.memory_space<vmem>>, vector<1x16xf32>,
      %swap3A_237 = vector.shape_cast %swap3A_236 : vector<1x16xf32> to vector<16xf32>
      %swap3A_238 = vector.shape_cast %get3A_231 : vector<16xf32> to vector<1x16xf32>
      tpu.vector_store %arg10[%swap3A_234, %swap3A_235], %swap3A_238 {strides = array<i32>} : memref<200x64xf32, #tpu.memory_space<vmem>>, vector<1x16xf32>,
      %add3A_239 = arith.constant 1 : i32
      %add3A_240 = arith.addi %mul3A_162, %add3A_239 : i32
      %get3A_241 = arith.index_cast %add3A_240 : i32 to index
      %get3A_242 = arith.constant 32 : index
      %get3A_243 = tpu.vector_load %arg7[%get3A_241, %get3A_242] {strides = array<i32>} : memref<200x64xf32, #tpu.memory_space<vmem>>, vector<1x16xf32>,
      %get3A_244 = vector.shape_cast %get3A_243 : vector<1x16xf32> to vector<16xf32>
      %add3A_245 = arith.constant 1 : i32
      %add3A_246 = arith.addi %mul3A_162, %add3A_245 : i32
      %swap3A_247 = arith.index_cast %add3A_246 : i32 to index
      %swap3A_248 = arith.constant 32 : index
      %swap3A_249 = tpu.vector_load %arg10[%swap3A_247, %swap3A_248] {strides = array<i32>} : memref<200x64xf32, #tpu.memory_space<vmem>>, vector<1x16xf32>,
      %swap3A_250 = vector.shape_cast %swap3A_249 : vector<1x16xf32> to vector<16xf32>
      %swap3A_251 = vector.shape_cast %get3A_244 : vector<16xf32> to vector<1x16xf32>
      tpu.vector_store %arg10[%swap3A_247, %swap3A_248], %swap3A_251 {strides = array<i32>} : memref<200x64xf32, #tpu.memory_space<vmem>>, vector<1x16xf32>,
      %add3A_252 = arith.constant 1 : i32
      %add3A_253 = arith.addi %mul3A_162, %add3A_252 : i32
      %get3A_254 = arith.index_cast %add3A_253 : i32 to index
      %get3A_255 = arith.constant 48 : index
      %get3A_256 = tpu.vector_load %arg7[%get3A_254, %get3A_255] {strides = array<i32>} : memref<200x64xf32, #tpu.memory_space<vmem>>, vector<1x16xf32>,
      %get3A_257 = vector.shape_cast %get3A_256 : vector<1x16xf32> to vector<16xf32>
      %add3A_258 = arith.constant 1 : i32
      %add3A_259 = arith.addi %mul3A_162, %add3A_258 : i32
      %swap3A_260 = arith.index_cast %add3A_259 : i32 to index
      %swap3A_261 = arith.constant 48 : index
      %swap3A_262 = tpu.vector_load %arg10[%swap3A_260, %swap3A_261] {strides = array<i32>} : memref<200x64xf32, #tpu.memory_space<vmem>>, vector<1x16xf32>,
      %swap3A_263 = vector.shape_cast %swap3A_262 : vector<1x16xf32> to vector<16xf32>
      %swap3A_264 = vector.shape_cast %get3A_257 : vector<16xf32> to vector<1x16xf32>
      tpu.vector_store %arg10[%swap3A_260, %swap3A_261], %swap3A_264 {strides = array<i32>} : memref<200x64xf32, #tpu.memory_space<vmem>>, vector<1x16xf32>,
      %add3A_265 = arith.constant 2 : i32
      %add3A_266 = arith.addi %mul3A_162, %add3A_265 : i32
      %get3A_267 = arith.index_cast %add3A_266 : i32 to index
      %get3A_268 = arith.constant 0 : index
      %get3A_269 = tpu.vector_load %arg7[%get3A_267, %get3A_268] {strides = array<i32>} : memref<200x64xf32, #tpu.memory_space<vmem>>, vector<1x16xf32>,
      %get3A_270 = vector.shape_cast %get3A_269 : vector<1x16xf32> to vector<16xf32>
      %add3A_271 = arith.constant 2 : i32
      %add3A_272 = arith.addi %mul3A_162, %add3A_271 : i32
      %swap3A_273 = arith.index_cast %add3A_272 : i32 to index
      %swap3A_274 = arith.constant 0 : index
      %swap3A_275 = tpu.vector_load %arg10[%swap3A_273, %swap3A_274] {strides = array<i32>} : memref<200x64xf32, #tpu.memory_space<vmem>>, vector<1x16xf32>,
      %swap3A_276 = vector.shape_cast %swap3A_275 : vector<1x16xf32> to vector<16xf32>
      %swap3A_277 = vector.shape_cast %get3A_270 : vector<16xf32> to vector<1x16xf32>
      tpu.vector_store %arg10[%swap3A_273, %swap3A_274], %swap3A_277 {strides = array<i32>} : memref<200x64xf32, #tpu.memory_space<vmem>>, vector<1x16xf32>,
      %add3A_278 = arith.constant 2 : i32
      %add3A_279 = arith.addi %mul3A_162, %add3A_278 : i32
      %get3A_280 = arith.index_cast %add3A_279 : i32 to index
      %get3A_281 = arith.constant 16 : index
      %get3A_282 = tpu.vector_load %arg7[%get3A_280, %get3A_281] {strides = array<i32>} : memref<200x64xf32, #tpu.memory_space<vmem>>, vector<1x16xf32>,
      %get3A_283 = vector.shape_cast %get3A_282 : vector<1x16xf32> to vector<16xf32>
      %add3A_284 = arith.constant 2 : i32
      %add3A_285 = arith.addi %mul3A_162, %add3A_284 : i32
      %swap3A_286 = arith.index_cast %add3A_285 : i32 to index
      %swap3A_287 = arith.constant 16 : index
      %swap3A_288 = tpu.vector_load %arg10[%swap3A_286, %swap3A_287] {strides = array<i32>} : memref<200x64xf32, #tpu.memory_space<vmem>>, vector<1x16xf32>,
      %swap3A_289 = vector.shape_cast %swap3A_288 : vector<1x16xf32> to vector<16xf32>
      %swap3A_290 = vector.shape_cast %get3A_283 : vector<16xf32> to vector<1x16xf32>
      tpu.vector_store %arg10[%swap3A_286, %swap3A_287], %swap3A_290 {strides = array<i32>} : memref<200x64xf32, #tpu.memory_space<vmem>>, vector<1x16xf32>,
      %add3A_291 = arith.constant 2 : i32
      %add3A_292 = arith.addi %mul3A_162, %add3A_291 : i32
      %get3A_293 = arith.index_cast %add3A_292 : i32 to index
      %get3A_294 = arith.constant 32 : index
      %get3A_295 = tpu.vector_load %arg7[%get3A_293, %get3A_294] {strides = array<i32>} : memref<200x64xf32, #tpu.memory_space<vmem>>, vector<1x16xf32>,
      %get3A_296 = vector.shape_cast %get3A_295 : vector<1x16xf32> to vector<16xf32>
      %add3A_297 = arith.constant 2 : i32
      %add3A_298 = arith.addi %mul3A_162, %add3A_297 : i32
      %swap3A_299 = arith.index_cast %add3A_298 : i32 to index
      %swap3A_300 = arith.constant 32 : index
      %swap3A_301 = tpu.vector_load %arg10[%swap3A_299, %swap3A_300] {strides = array<i32>} : memref<200x64xf32, #tpu.memory_space<vmem>>, vector<1x16xf32>,
      %swap3A_302 = vector.shape_cast %swap3A_301 : vector<1x16xf32> to vector<16xf32>
      %swap3A_303 = vector.shape_cast %get3A_296 : vector<16xf32> to vector<1x16xf32>
      tpu.vector_store %arg10[%swap3A_299, %swap3A_300], %swap3A_303 {strides = array<i32>} : memref<200x64xf32, #tpu.memory_space<vmem>>, vector<1x16xf32>,
      %add3A_304 = arith.constant 2 : i32
      %add3A_305 = arith.addi %mul3A_162, %add3A_304 : i32
      %get3A_306 = arith.index_cast %add3A_305 : i32 to index
      %get3A_307 = arith.constant 48 : index
      %get3A_308 = tpu.vector_load %arg7[%get3A_306, %get3A_307] {strides = array<i32>} : memref<200x64xf32, #tpu.memory_space<vmem>>, vector<1x16xf32>,
      %get3A_309 = vector.shape_cast %get3A_308 : vector<1x16xf32> to vector<16xf32>
      %add3A_310 = arith.constant 2 : i32
      %add3A_311 = arith.addi %mul3A_162, %add3A_310 : i32
      %swap3A_312 = arith.index_cast %add3A_311 : i32 to index
      %swap3A_313 = arith.constant 48 : index
      %swap3A_314 = tpu.vector_load %arg10[%swap3A_312, %swap3A_313] {strides = array<i32>} : memref<200x64xf32, #tpu.memory_space<vmem>>, vector<1x16xf32>,
      %swap3A_315 = vector.shape_cast %swap3A_314 : vector<1x16xf32> to vector<16xf32>
      %swap3A_316 = vector.shape_cast %get3A_309 : vector<16xf32> to vector<1x16xf32>
      tpu.vector_store %arg10[%swap3A_312, %swap3A_313], %swap3A_316 {strides = array<i32>} : memref<200x64xf32, #tpu.memory_space<vmem>>, vector<1x16xf32>,
      %add3A_317 = arith.constant 3 : i32
      %add3A_318 = arith.addi %mul3A_162, %add3A_317 : i32
      %get3A_319 = arith.index_cast %add3A_318 : i32 to index
      %get3A_320 = arith.constant 0 : index
      %get3A_321 = tpu.vector_load %arg7[%get3A_319, %get3A_320] {strides = array<i32>} : memref<200x64xf32, #tpu.memory_space<vmem>>, vector<1x16xf32>,
      %get3A_322 = vector.shape_cast %get3A_321 : vector<1x16xf32> to vector<16xf32>
      %add3A_323 = arith.constant 3 : i32
      %add3A_324 = arith.addi %mul3A_162, %add3A_323 : i32
      %swap3A_325 = arith.index_cast %add3A_324 : i32 to index
      %swap3A_326 = arith.constant 0 : index
      %swap3A_327 = tpu.vector_load %arg10[%swap3A_325, %swap3A_326] {strides = array<i32>} : memref<200x64xf32, #tpu.memory_space<vmem>>, vector<1x16xf32>,
      %swap3A_328 = vector.shape_cast %swap3A_327 : vector<1x16xf32> to vector<16xf32>
      %swap3A_329 = vector.shape_cast %get3A_322 : vector<16xf32> to vector<1x16xf32>
      tpu.vector_store %arg10[%swap3A_325, %swap3A_326], %swap3A_329 {strides = array<i32>} : memref<200x64xf32, #tpu.memory_space<vmem>>, vector<1x16xf32>,
      %add3A_330 = arith.constant 3 : i32
      %add3A_331 = arith.addi %mul3A_162, %add3A_330 : i32
      %get3A_332 = arith.index_cast %add3A_331 : i32 to index
      %get3A_333 = arith.constant 16 : index
      %get3A_334 = tpu.vector_load %arg7[%get3A_332, %get3A_333] {strides = array<i32>} : memref<200x64xf32, #tpu.memory_space<vmem>>, vector<1x16xf32>,
      %get3A_335 = vector.shape_cast %get3A_334 : vector<1x16xf32> to vector<16xf32>
      %add3A_336 = arith.constant 3 : i32
      %add3A_337 = arith.addi %mul3A_162, %add3A_336 : i32
      %swap3A_338 = arith.index_cast %add3A_337 : i32 to index
      %swap3A_339 = arith.constant 16 : index
      %swap3A_340 = tpu.vector_load %arg10[%swap3A_338, %swap3A_339] {strides = array<i32>} : memref<200x64xf32, #tpu.memory_space<vmem>>, vector<1x16xf32>,
      %swap3A_341 = vector.shape_cast %swap3A_340 : vector<1x16xf32> to vector<16xf32>
      %swap3A_342 = vector.shape_cast %get3A_335 : vector<16xf32> to vector<1x16xf32>
      tpu.vector_store %arg10[%swap3A_338, %swap3A_339], %swap3A_342 {strides = array<i32>} : memref<200x64xf32, #tpu.memory_space<vmem>>, vector<1x16xf32>,
      %add3A_343 = arith.constant 3 : i32
      %add3A_344 = arith.addi %mul3A_162, %add3A_343 : i32
      %get3A_345 = arith.index_cast %add3A_344 : i32 to index
      %get3A_346 = arith.constant 32 : index
      %get3A_347 = tpu.vector_load %arg7[%get3A_345, %get3A_346] {strides = array<i32>} : memref<200x64xf32, #tpu.memory_space<vmem>>, vector<1x16xf32>,
      %get3A_348 = vector.shape_cast %get3A_347 : vector<1x16xf32> to vector<16xf32>
      %add3A_349 = arith.constant 3 : i32
      %add3A_350 = arith.addi %mul3A_162, %add3A_349 : i32
      %swap3A_351 = arith.index_cast %add3A_350 : i32 to index
      %swap3A_352 = arith.constant 32 : index
      %swap3A_353 = tpu.vector_load %arg10[%swap3A_351, %swap3A_352] {strides = array<i32>} : memref<200x64xf32, #tpu.memory_space<vmem>>, vector<1x16xf32>,
      %swap3A_354 = vector.shape_cast %swap3A_353 : vector<1x16xf32> to vector<16xf32>
      %swap3A_355 = vector.shape_cast %get3A_348 : vector<16xf32> to vector<1x16xf32>
      tpu.vector_store %arg10[%swap3A_351, %swap3A_352], %swap3A_355 {strides = array<i32>} : memref<200x64xf32, #tpu.memory_space<vmem>>, vector<1x16xf32>,
      %add3A_356 = arith.constant 3 : i32
      %add3A_357 = arith.addi %mul3A_162, %add3A_356 : i32
      %get3A_358 = arith.index_cast %add3A_357 : i32 to index
      %get3A_359 = arith.constant 48 : index
      %get3A_360 = tpu.vector_load %arg7[%get3A_358, %get3A_359] {strides = array<i32>} : memref<200x64xf32, #tpu.memory_space<vmem>>, vector<1x16xf32>,
      %get3A_361 = vector.shape_cast %get3A_360 : vector<1x16xf32> to vector<16xf32>
      %add3A_362 = arith.constant 3 : i32
      %add3A_363 = arith.addi %mul3A_162, %add3A_362 : i32
      %swap3A_364 = arith.index_cast %add3A_363 : i32 to index
      %swap3A_365 = arith.constant 48 : index
      %swap3A_366 = tpu.vector_load %arg10[%swap3A_364, %swap3A_365] {strides = array<i32>} : memref<200x64xf32, #tpu.memory_space<vmem>>, vector<1x16xf32>,
      %swap3A_367 = vector.shape_cast %swap3A_366 : vector<1x16xf32> to vector<16xf32>
      %swap3A_368 = vector.shape_cast %get3A_361 : vector<16xf32> to vector<1x16xf32>
      tpu.vector_store %arg10[%swap3A_364, %swap3A_365], %swap3A_368 {strides = array<i32>} : memref<200x64xf32, #tpu.memory_space<vmem>>, vector<1x16xf32>,
    }
    %scan3A_52 = arith.constant 50 : i32
    %dma_start3A_53 = arith.constant 0 : i32
    %dma_start3A_54 = arith.constant 0 : i32
    %dma_start3A_55 = tpu.memref_slice %arg10[%dma_start3A_53, %dma_start3A_54] : memref<200x64xf32, #tpu.memory_space<vmem>> -> memref<104x64xf32, #tpu.memory_space<vmem>>
    %dma_start3A_56 = arith.constant 400 : i32
    %dma_start3A_57 = tpu.memref_slice %arg6[%dma_start3A_56] : memref<6400xi32, #tpu.memory_space<vmem>> -> memref<104xi32, #tpu.memory_space<vmem>>
    %dma_start3A_58 = arith.constant 0 : i32
    %dma_start3A_59 = arith.constant 0 : i32
    %dma_start3A_60 = tpu.memref_slice %arg3[%dma_start3A_58, %dma_start3A_59] : memref<100352x64xf32, #tpu.memory_space<hbm>> -> memref<100352x64xf32, #tpu.memory_space<hbm>>
    tpu.enqueue_indirect_dma source(%dma_start3A_60 : memref<100352x64xf32, #tpu.memory_space<hbm>>) target(%dma_start3A_55 : memref<104x64xf32, #tpu.memory_space<vmem>>) offsets(%dma_start3A_57 : memref<104xi32, #tpu.memory_space<vmem>>) semaphore(%arg14 : memref<!tpu.dma_semaphore, #tpu.memory_space<semaphore_mem>>) {add = true}
    %dma_start3A_61 = arith.constant 104 : i32
    %dma_start3A_62 = arith.constant 0 : i32
    %dma_start3A_63 = tpu.memref_slice %arg10[%dma_start3A_61, %dma_start3A_62] : memref<200x64xf32, #tpu.memory_space<vmem>> -> memref<96x64xf32, #tpu.memory_space<vmem>>
    %dma_start3A_64 = arith.constant 504 : i32
    %dma_start3A_65 = tpu.memref_slice %arg6[%dma_start3A_64] : memref<6400xi32, #tpu.memory_space<vmem>> -> memref<96xi32, #tpu.memory_space<vmem>>
    %dma_start3A_66 = arith.constant 0 : i32
    %dma_start3A_67 = arith.constant 0 : i32
    %dma_start3A_68 = tpu.memref_slice %arg3[%dma_start3A_66, %dma_start3A_67] : memref<100352x64xf32, #tpu.memory_space<hbm>> -> memref<100352x64xf32, #tpu.memory_space<hbm>>
    tpu.enqueue_indirect_dma source(%dma_start3A_68 : memref<100352x64xf32, #tpu.memory_space<hbm>>) target(%dma_start3A_63 : memref<96x64xf32, #tpu.memory_space<vmem>>) offsets(%dma_start3A_65 : memref<96xi32, #tpu.memory_space<vmem>>) semaphore(%arg14 : memref<!tpu.dma_semaphore, #tpu.memory_space<semaphore_mem>>) {add = true}
    %scan3A_69 = arith.constant 0 : i32
    %scan3A_70 = arith.constant 0 : i32
    %scan3A_71 = arith.constant 50 : i32
    %scan3A_72 = arith.addi %scan3A_70, %scan3A_71 : i32
    %scan3A_73 = arith.constant 1 : i32
    scf.for %scan3A_160 = %scan3A_70 to %scan3A_72 step %scan3A_73  : i32 {
      %mul3A_161 = arith.constant 4 : i32
      %mul3A_162 = arith.muli %scan3A_160, %mul3A_161 : i32
      %add3A_163 = arith.constant 0 : i32
      %add3A_164 = arith.addi %mul3A_162, %add3A_163 : i32
      %get3A = arith.index_cast %add3A_164 : i32 to index
      %get3A_165 = arith.constant 0 : index
      %get3A_166 = tpu.vector_load %arg7[%get3A, %get3A_165] {strides = array<i32>} : memref<200x64xf32, #tpu.memory_space<vmem>>, vector<1x16xf32>,
      %get3A_167 = vector.shape_cast %get3A_166 : vector<1x16xf32> to vector<16xf32>
      %add3A_168 = arith.constant 0 : i32
      %add3A_169 = arith.addi %mul3A_162, %add3A_168 : i32
      %swap3A = arith.index_cast %add3A_169 : i32 to index
      %swap3A_170 = arith.constant 0 : index
      %swap3A_171 = tpu.vector_load %arg11[%swap3A, %swap3A_170] {strides = array<i32>} : memref<200x64xf32, #tpu.memory_space<vmem>>, vector<1x16xf32>,
      %swap3A_172 = vector.shape_cast %swap3A_171 : vector<1x16xf32> to vector<16xf32>
      %swap3A_173 = vector.shape_cast %get3A_167 : vector<16xf32> to vector<1x16xf32>
      tpu.vector_store %arg11[%swap3A, %swap3A_170], %swap3A_173 {strides = array<i32>} : memref<200x64xf32, #tpu.memory_space<vmem>>, vector<1x16xf32>,
      %add3A_174 = arith.constant 0 : i32
      %add3A_175 = arith.addi %mul3A_162, %add3A_174 : i32
      %get3A_176 = arith.index_cast %add3A_175 : i32 to index
      %get3A_177 = arith.constant 16 : index
      %get3A_178 = tpu.vector_load %arg7[%get3A_176, %get3A_177] {strides = array<i32>} : memref<200x64xf32, #tpu.memory_space<vmem>>, vector<1x16xf32>,
      %get3A_179 = vector.shape_cast %get3A_178 : vector<1x16xf32> to vector<16xf32>
      %add3A_180 = arith.constant 0 : i32
      %add3A_181 = arith.addi %mul3A_162, %add3A_180 : i32
      %swap3A_182 = arith.index_cast %add3A_181 : i32 to index
      %swap3A_183 = arith.constant 16 : index
      %swap3A_184 = tpu.vector_load %arg11[%swap3A_182, %swap3A_183] {strides = array<i32>} : memref<200x64xf32, #tpu.memory_space<vmem>>, vector<1x16xf32>,
      %swap3A_185 = vector.shape_cast %swap3A_184 : vector<1x16xf32> to vector<16xf32>
      %swap3A_186 = vector.shape_cast %get3A_179 : vector<16xf32> to vector<1x16xf32>
      tpu.vector_store %arg11[%swap3A_182, %swap3A_183], %swap3A_186 {strides = array<i32>} : memref<200x64xf32, #tpu.memory_space<vmem>>, vector<1x16xf32>,
      %add3A_187 = arith.constant 0 : i32
      %add3A_188 = arith.addi %mul3A_162, %add3A_187 : i32
      %get3A_189 = arith.index_cast %add3A_188 : i32 to index
      %get3A_190 = arith.constant 32 : index
      %get3A_191 = tpu.vector_load %arg7[%get3A_189, %get3A_190] {strides = array<i32>} : memref<200x64xf32, #tpu.memory_space<vmem>>, vector<1x16xf32>,
      %get3A_192 = vector.shape_cast %get3A_191 : vector<1x16xf32> to vector<16xf32>
      %add3A_193 = arith.constant 0 : i32
      %add3A_194 = arith.addi %mul3A_162, %add3A_193 : i32
      %swap3A_195 = arith.index_cast %add3A_194 : i32 to index
      %swap3A_196 = arith.constant 32 : index
      %swap3A_197 = tpu.vector_load %arg11[%swap3A_195, %swap3A_196] {strides = array<i32>} : memref<200x64xf32, #tpu.memory_space<vmem>>, vector<1x16xf32>,
      %swap3A_198 = vector.shape_cast %swap3A_197 : vector<1x16xf32> to vector<16xf32>
      %swap3A_199 = vector.shape_cast %get3A_192 : vector<16xf32> to vector<1x16xf32>
      tpu.vector_store %arg11[%swap3A_195, %swap3A_196], %swap3A_199 {strides = array<i32>} : memref<200x64xf32, #tpu.memory_space<vmem>>, vector<1x16xf32>,
      %add3A_200 = arith.constant 0 : i32
      %add3A_201 = arith.addi %mul3A_162, %add3A_200 : i32
      %get3A_202 = arith.index_cast %add3A_201 : i32 to index
      %get3A_203 = arith.constant 48 : index
      %get3A_204 = tpu.vector_load %arg7[%get3A_202, %get3A_203] {strides = array<i32>} : memref<200x64xf32, #tpu.memory_space<vmem>>, vector<1x16xf32>,
      %get3A_205 = vector.shape_cast %get3A_204 : vector<1x16xf32> to vector<16xf32>
      %add3A_206 = arith.constant 0 : i32
      %add3A_207 = arith.addi %mul3A_162, %add3A_206 : i32
      %swap3A_208 = arith.index_cast %add3A_207 : i32 to index
      %swap3A_209 = arith.constant 48 : index
      %swap3A_210 = tpu.vector_load %arg11[%swap3A_208, %swap3A_209] {strides = array<i32>} : memref<200x64xf32, #tpu.memory_space<vmem>>, vector<1x16xf32>,
      %swap3A_211 = vector.shape_cast %swap3A_210 : vector<1x16xf32> to vector<16xf32>
      %swap3A_212 = vector.shape_cast %get3A_205 : vector<16xf32> to vector<1x16xf32>
      tpu.vector_store %arg11[%swap3A_208, %swap3A_209], %swap3A_212 {strides = array<i32>} : memref<200x64xf32, #tpu.memory_space<vmem>>, vector<1x16xf32>,
      %add3A_213 = arith.constant 1 : i32
      %add3A_214 = arith.addi %mul3A_162, %add3A_213 : i32
      %get3A_215 = arith.index_cast %add3A_214 : i32 to index
      %get3A_216 = arith.constant 0 : index
      %get3A_217 = tpu.vector_load %arg7[%get3A_215, %get3A_216] {strides = array<i32>} : memref<200x64xf32, #tpu.memory_space<vmem>>, vector<1x16xf32>,
      %get3A_218 = vector.shape_cast %get3A_217 : vector<1x16xf32> to vector<16xf32>
      %add3A_219 = arith.constant 1 : i32
      %add3A_220 = arith.addi %mul3A_162, %add3A_219 : i32
      %swap3A_221 = arith.index_cast %add3A_220 : i32 to index
      %swap3A_222 = arith.constant 0 : index
      %swap3A_223 = tpu.vector_load %arg11[%swap3A_221, %swap3A_222] {strides = array<i32>} : memref<200x64xf32, #tpu.memory_space<vmem>>, vector<1x16xf32>,
      %swap3A_224 = vector.shape_cast %swap3A_223 : vector<1x16xf32> to vector<16xf32>
      %swap3A_225 = vector.shape_cast %get3A_218 : vector<16xf32> to vector<1x16xf32>
      tpu.vector_store %arg11[%swap3A_221, %swap3A_222], %swap3A_225 {strides = array<i32>} : memref<200x64xf32, #tpu.memory_space<vmem>>, vector<1x16xf32>,
      %add3A_226 = arith.constant 1 : i32
      %add3A_227 = arith.addi %mul3A_162, %add3A_226 : i32
      %get3A_228 = arith.index_cast %add3A_227 : i32 to index
      %get3A_229 = arith.constant 16 : index
      %get3A_230 = tpu.vector_load %arg7[%get3A_228, %get3A_229] {strides = array<i32>} : memref<200x64xf32, #tpu.memory_space<vmem>>, vector<1x16xf32>,
      %get3A_231 = vector.shape_cast %get3A_230 : vector<1x16xf32> to vector<16xf32>
      %add3A_232 = arith.constant 1 : i32
      %add3A_233 = arith.addi %mul3A_162, %add3A_232 : i32
      %swap3A_234 = arith.index_cast %add3A_233 : i32 to index
      %swap3A_235 = arith.constant 16 : index
      %swap3A_236 = tpu.vector_load %arg11[%swap3A_234, %swap3A_235] {strides = array<i32>} : memref<200x64xf32, #tpu.memory_space<vmem>>, vector<1x16xf32>,
      %swap3A_237 = vector.shape_cast %swap3A_236 : vector<1x16xf32> to vector<16xf32>
      %swap3A_238 = vector.shape_cast %get3A_231 : vector<16xf32> to vector<1x16xf32>
      tpu.vector_store %arg11[%swap3A_234, %swap3A_235], %swap3A_238 {strides = array<i32>} : memref<200x64xf32, #tpu.memory_space<vmem>>, vector<1x16xf32>,
      %add3A_239 = arith.constant 1 : i32
      %add3A_240 = arith.addi %mul3A_162, %add3A_239 : i32
      %get3A_241 = arith.index_cast %add3A_240 : i32 to index
      %get3A_242 = arith.constant 32 : index
      %get3A_243 = tpu.vector_load %arg7[%get3A_241, %get3A_242] {strides = array<i32>} : memref<200x64xf32, #tpu.memory_space<vmem>>, vector<1x16xf32>,
      %get3A_244 = vector.shape_cast %get3A_243 : vector<1x16xf32> to vector<16xf32>
      %add3A_245 = arith.constant 1 : i32
      %add3A_246 = arith.addi %mul3A_162, %add3A_245 : i32
      %swap3A_247 = arith.index_cast %add3A_246 : i32 to index
      %swap3A_248 = arith.constant 32 : index
      %swap3A_249 = tpu.vector_load %arg11[%swap3A_247, %swap3A_248] {strides = array<i32>} : memref<200x64xf32, #tpu.memory_space<vmem>>, vector<1x16xf32>,
      %swap3A_250 = vector.shape_cast %swap3A_249 : vector<1x16xf32> to vector<16xf32>
      %swap3A_251 = vector.shape_cast %get3A_244 : vector<16xf32> to vector<1x16xf32>
      tpu.vector_store %arg11[%swap3A_247, %swap3A_248], %swap3A_251 {strides = array<i32>} : memref<200x64xf32, #tpu.memory_space<vmem>>, vector<1x16xf32>,
      %add3A_252 = arith.constant 1 : i32
      %add3A_253 = arith.addi %mul3A_162, %add3A_252 : i32
      %get3A_254 = arith.index_cast %add3A_253 : i32 to index
      %get3A_255 = arith.constant 48 : index
      %get3A_256 = tpu.vector_load %arg7[%get3A_254, %get3A_255] {strides = array<i32>} : memref<200x64xf32, #tpu.memory_space<vmem>>, vector<1x16xf32>,
      %get3A_257 = vector.shape_cast %get3A_256 : vector<1x16xf32> to vector<16xf32>
      %add3A_258 = arith.constant 1 : i32
      %add3A_259 = arith.addi %mul3A_162, %add3A_258 : i32
      %swap3A_260 = arith.index_cast %add3A_259 : i32 to index
      %swap3A_261 = arith.constant 48 : index
      %swap3A_262 = tpu.vector_load %arg11[%swap3A_260, %swap3A_261] {strides = array<i32>} : memref<200x64xf32, #tpu.memory_space<vmem>>, vector<1x16xf32>,
      %swap3A_263 = vector.shape_cast %swap3A_262 : vector<1x16xf32> to vector<16xf32>
      %swap3A_264 = vector.shape_cast %get3A_257 : vector<16xf32> to vector<1x16xf32>
      tpu.vector_store %arg11[%swap3A_260, %swap3A_261], %swap3A_264 {strides = array<i32>} : memref<200x64xf32, #tpu.memory_space<vmem>>, vector<1x16xf32>,
      %add3A_265 = arith.constant 2 : i32
      %add3A_266 = arith.addi %mul3A_162, %add3A_265 : i32
      %get3A_267 = arith.index_cast %add3A_266 : i32 to index
      %get3A_268 = arith.constant 0 : index
      %get3A_269 = tpu.vector_load %arg7[%get3A_267, %get3A_268] {strides = array<i32>} : memref<200x64xf32, #tpu.memory_space<vmem>>, vector<1x16xf32>,
      %get3A_270 = vector.shape_cast %get3A_269 : vector<1x16xf32> to vector<16xf32>
      %add3A_271 = arith.constant 2 : i32
      %add3A_272 = arith.addi %mul3A_162, %add3A_271 : i32
      %swap3A_273 = arith.index_cast %add3A_272 : i32 to index
      %swap3A_274 = arith.constant 0 : index
      %swap3A_275 = tpu.vector_load %arg11[%swap3A_273, %swap3A_274] {strides = array<i32>} : memref<200x64xf32, #tpu.memory_space<vmem>>, vector<1x16xf32>,
      %swap3A_276 = vector.shape_cast %swap3A_275 : vector<1x16xf32> to vector<16xf32>
      %swap3A_277 = vector.shape_cast %get3A_270 : vector<16xf32> to vector<1x16xf32>
      tpu.vector_store %arg11[%swap3A_273, %swap3A_274], %swap3A_277 {strides = array<i32>} : memref<200x64xf32, #tpu.memory_space<vmem>>, vector<1x16xf32>,
      %add3A_278 = arith.constant 2 : i32
      %add3A_279 = arith.addi %mul3A_162, %add3A_278 : i32
      %get3A_280 = arith.index_cast %add3A_279 : i32 to index
      %get3A_281 = arith.constant 16 : index
      %get3A_282 = tpu.vector_load %arg7[%get3A_280, %get3A_281] {strides = array<i32>} : memref<200x64xf32, #tpu.memory_space<vmem>>, vector<1x16xf32>,
      %get3A_283 = vector.shape_cast %get3A_282 : vector<1x16xf32> to vector<16xf32>
      %add3A_284 = arith.constant 2 : i32
      %add3A_285 = arith.addi %mul3A_162, %add3A_284 : i32
      %swap3A_286 = arith.index_cast %add3A_285 : i32 to index
      %swap3A_287 = arith.constant 16 : index
      %swap3A_288 = tpu.vector_load %arg11[%swap3A_286, %swap3A_287] {strides = array<i32>} : memref<200x64xf32, #tpu.memory_space<vmem>>, vector<1x16xf32>,
      %swap3A_289 = vector.shape_cast %swap3A_288 : vector<1x16xf32> to vector<16xf32>
      %swap3A_290 = vector.shape_cast %get3A_283 : vector<16xf32> to vector<1x16xf32>
      tpu.vector_store %arg11[%swap3A_286, %swap3A_287], %swap3A_290 {strides = array<i32>} : memref<200x64xf32, #tpu.memory_space<vmem>>, vector<1x16xf32>,
      %add3A_291 = arith.constant 2 : i32
      %add3A_292 = arith.addi %mul3A_162, %add3A_291 : i32
      %get3A_293 = arith.index_cast %add3A_292 : i32 to index
      %get3A_294 = arith.constant 32 : index
      %get3A_295 = tpu.vector_load %arg7[%get3A_293, %get3A_294] {strides = array<i32>} : memref<200x64xf32, #tpu.memory_space<vmem>>, vector<1x16xf32>,
      %get3A_296 = vector.shape_cast %get3A_295 : vector<1x16xf32> to vector<16xf32>
      %add3A_297 = arith.constant 2 : i32
      %add3A_298 = arith.addi %mul3A_162, %add3A_297 : i32
      %swap3A_299 = arith.index_cast %add3A_298 : i32 to index
      %swap3A_300 = arith.constant 32 : index
      %swap3A_301 = tpu.vector_load %arg11[%swap3A_299, %swap3A_300] {strides = array<i32>} : memref<200x64xf32, #tpu.memory_space<vmem>>, vector<1x16xf32>,
      %swap3A_302 = vector.shape_cast %swap3A_301 : vector<1x16xf32> to vector<16xf32>
      %swap3A_303 = vector.shape_cast %get3A_296 : vector<16xf32> to vector<1x16xf32>
      tpu.vector_store %arg11[%swap3A_299, %swap3A_300], %swap3A_303 {strides = array<i32>} : memref<200x64xf32, #tpu.memory_space<vmem>>, vector<1x16xf32>,
      %add3A_304 = arith.constant 2 : i32
      %add3A_305 = arith.addi %mul3A_162, %add3A_304 : i32
      %get3A_306 = arith.index_cast %add3A_305 : i32 to index
      %get3A_307 = arith.constant 48 : index
      %get3A_308 = tpu.vector_load %arg7[%get3A_306, %get3A_307] {strides = array<i32>} : memref<200x64xf32, #tpu.memory_space<vmem>>, vector<1x16xf32>,
      %get3A_309 = vector.shape_cast %get3A_308 : vector<1x16xf32> to vector<16xf32>
      %add3A_310 = arith.constant 2 : i32
      %add3A_311 = arith.addi %mul3A_162, %add3A_310 : i32
      %swap3A_312 = arith.index_cast %add3A_311 : i32 to index
      %swap3A_313 = arith.constant 48 : index
      %swap3A_314 = tpu.vector_load %arg11[%swap3A_312, %swap3A_313] {strides = array<i32>} : memref<200x64xf32, #tpu.memory_space<vmem>>, vector<1x16xf32>,
      %swap3A_315 = vector.shape_cast %swap3A_314 : vector<1x16xf32> to vector<16xf32>
      %swap3A_316 = vector.shape_cast %get3A_309 : vector<16xf32> to vector<1x16xf32>
      tpu.vector_store %arg11[%swap3A_312, %swap3A_313], %swap3A_316 {strides = array<i32>} : memref<200x64xf32, #tpu.memory_space<vmem>>, vector<1x16xf32>,
      %add3A_317 = arith.constant 3 : i32
      %add3A_318 = arith.addi %mul3A_162, %add3A_317 : i32
      %get3A_319 = arith.index_cast %add3A_318 : i32 to index
      %get3A_320 = arith.constant 0 : index
      %get3A_321 = tpu.vector_load %arg7[%get3A_319, %get3A_320] {strides = array<i32>} : memref<200x64xf32, #tpu.memory_space<vmem>>, vector<1x16xf32>,
      %get3A_322 = vector.shape_cast %get3A_321 : vector<1x16xf32> to vector<16xf32>
      %add3A_323 = arith.constant 3 : i32
      %add3A_324 = arith.addi %mul3A_162, %add3A_323 : i32
      %swap3A_325 = arith.index_cast %add3A_324 : i32 to index
      %swap3A_326 = arith.constant 0 : index
      %swap3A_327 = tpu.vector_load %arg11[%swap3A_325, %swap3A_326] {strides = array<i32>} : memref<200x64xf32, #tpu.memory_space<vmem>>, vector<1x16xf32>,
      %swap3A_328 = vector.shape_cast %swap3A_327 : vector<1x16xf32> to vector<16xf32>
      %swap3A_329 = vector.shape_cast %get3A_322 : vector<16xf32> to vector<1x16xf32>
      tpu.vector_store %arg11[%swap3A_325, %swap3A_326], %swap3A_329 {strides = array<i32>} : memref<200x64xf32, #tpu.memory_space<vmem>>, vector<1x16xf32>,
      %add3A_330 = arith.constant 3 : i32
      %add3A_331 = arith.addi %mul3A_162, %add3A_330 : i32
      %get3A_332 = arith.index_cast %add3A_331 : i32 to index
      %get3A_333 = arith.constant 16 : index
      %get3A_334 = tpu.vector_load %arg7[%get3A_332, %get3A_333] {strides = array<i32>} : memref<200x64xf32, #tpu.memory_space<vmem>>, vector<1x16xf32>,
      %get3A_335 = vector.shape_cast %get3A_334 : vector<1x16xf32> to vector<16xf32>
      %add3A_336 = arith.constant 3 : i32
      %add3A_337 = arith.addi %mul3A_162, %add3A_336 : i32
      %swap3A_338 = arith.index_cast %add3A_337 : i32 to index
      %swap3A_339 = arith.constant 16 : index
      %swap3A_340 = tpu.vector_load %arg11[%swap3A_338, %swap3A_339] {strides = array<i32>} : memref<200x64xf32, #tpu.memory_space<vmem>>, vector<1x16xf32>,
      %swap3A_341 = vector.shape_cast %swap3A_340 : vector<1x16xf32> to vector<16xf32>
      %swap3A_342 = vector.shape_cast %get3A_335 : vector<16xf32> to vector<1x16xf32>
      tpu.vector_store %arg11[%swap3A_338, %swap3A_339], %swap3A_342 {strides = array<i32>} : memref<200x64xf32, #tpu.memory_space<vmem>>, vector<1x16xf32>,
      %add3A_343 = arith.constant 3 : i32
      %add3A_344 = arith.addi %mul3A_162, %add3A_343 : i32
      %get3A_345 = arith.index_cast %add3A_344 : i32 to index
      %get3A_346 = arith.constant 32 : index
      %get3A_347 = tpu.vector_load %arg7[%get3A_345, %get3A_346] {strides = array<i32>} : memref<200x64xf32, #tpu.memory_space<vmem>>, vector<1x16xf32>,
      %get3A_348 = vector.shape_cast %get3A_347 : vector<1x16xf32> to vector<16xf32>
      %add3A_349 = arith.constant 3 : i32
      %add3A_350 = arith.addi %mul3A_162, %add3A_349 : i32
      %swap3A_351 = arith.index_cast %add3A_350 : i32 to index
      %swap3A_352 = arith.constant 32 : index
      %swap3A_353 = tpu.vector_load %arg11[%swap3A_351, %swap3A_352] {strides = array<i32>} : memref<200x64xf32, #tpu.memory_space<vmem>>, vector<1x16xf32>,
      %swap3A_354 = vector.shape_cast %swap3A_353 : vector<1x16xf32> to vector<16xf32>
      %swap3A_355 = vector.shape_cast %get3A_348 : vector<16xf32> to vector<1x16xf32>
      tpu.vector_store %arg11[%swap3A_351, %swap3A_352], %swap3A_355 {strides = array<i32>} : memref<200x64xf32, #tpu.memory_space<vmem>>, vector<1x16xf32>,
      %add3A_356 = arith.constant 3 : i32
      %add3A_357 = arith.addi %mul3A_162, %add3A_356 : i32
      %get3A_358 = arith.index_cast %add3A_357 : i32 to index
      %get3A_359 = arith.constant 48 : index
      %get3A_360 = tpu.vector_load %arg7[%get3A_358, %get3A_359] {strides = array<i32>} : memref<200x64xf32, #tpu.memory_space<vmem>>, vector<1x16xf32>,
      %get3A_361 = vector.shape_cast %get3A_360 : vector<1x16xf32> to vector<16xf32>
      %add3A_362 = arith.constant 3 : i32
      %add3A_363 = arith.addi %mul3A_162, %add3A_362 : i32
      %swap3A_364 = arith.index_cast %add3A_363 : i32 to index
      %swap3A_365 = arith.constant 48 : index
      %swap3A_366 = tpu.vector_load %arg11[%swap3A_364, %swap3A_365] {strides = array<i32>} : memref<200x64xf32, #tpu.memory_space<vmem>>, vector<1x16xf32>,
      %swap3A_367 = vector.shape_cast %swap3A_366 : vector<1x16xf32> to vector<16xf32>
      %swap3A_368 = vector.shape_cast %get3A_361 : vector<16xf32> to vector<1x16xf32>
      tpu.vector_store %arg11[%swap3A_364, %swap3A_365], %swap3A_368 {strides = array<i32>} : memref<200x64xf32, #tpu.memory_space<vmem>>, vector<1x16xf32>,
    }
    %scan3A_74 = arith.constant 50 : i32
    %dma_start3A_75 = arith.constant 0 : i32
    %dma_start3A_76 = arith.constant 0 : i32
    %dma_start3A_77 = tpu.memref_slice %arg11[%dma_start3A_75, %dma_start3A_76] : memref<200x64xf32, #tpu.memory_space<vmem>> -> memref<104x64xf32, #tpu.memory_space<vmem>>
    %dma_start3A_78 = arith.constant 600 : i32
    %dma_start3A_79 = tpu.memref_slice %arg6[%dma_start3A_78] : memref<6400xi32, #tpu.memory_space<vmem>> -> memref<104xi32, #tpu.memory_space<vmem>>
    %dma_start3A_80 = arith.constant 0 : i32
    %dma_start3A_81 = arith.constant 0 : i32
    %dma_start3A_82 = tpu.memref_slice %arg3[%dma_start3A_80, %dma_start3A_81] : memref<100352x64xf32, #tpu.memory_space<hbm>> -> memref<100352x64xf32, #tpu.memory_space<hbm>>
    tpu.enqueue_indirect_dma source(%dma_start3A_82 : memref<100352x64xf32, #tpu.memory_space<hbm>>) target(%dma_start3A_77 : memref<104x64xf32, #tpu.memory_space<vmem>>) offsets(%dma_start3A_79 : memref<104xi32, #tpu.memory_space<vmem>>) semaphore(%arg15 : memref<!tpu.dma_semaphore, #tpu.memory_space<semaphore_mem>>) {add = true}
    %dma_start3A_83 = arith.constant 104 : i32
    %dma_start3A_84 = arith.constant 0 : i32
    %dma_start3A_85 = tpu.memref_slice %arg11[%dma_start3A_83, %dma_start3A_84] : memref<200x64xf32, #tpu.memory_space<vmem>> -> memref<96x64xf32, #tpu.memory_space<vmem>>
    %dma_start3A_86 = arith.constant 704 : i32
    %dma_start3A_87 = tpu.memref_slice %arg6[%dma_start3A_86] : memref<6400xi32, #tpu.memory_space<vmem>> -> memref<96xi32, #tpu.memory_space<vmem>>
    %dma_start3A_88 = arith.constant 0 : i32
    %dma_start3A_89 = arith.constant 0 : i32
    %dma_start3A_90 = tpu.memref_slice %arg3[%dma_start3A_88, %dma_start3A_89] : memref<100352x64xf32, #tpu.memory_space<hbm>> -> memref<100352x64xf32, #tpu.memory_space<hbm>>
    tpu.enqueue_indirect_dma source(%dma_start3A_90 : memref<100352x64xf32, #tpu.memory_space<hbm>>) target(%dma_start3A_85 : memref<96x64xf32, #tpu.memory_space<vmem>>) offsets(%dma_start3A_87 : memref<96xi32, #tpu.memory_space<vmem>>) semaphore(%arg15 : memref<!tpu.dma_semaphore, #tpu.memory_space<semaphore_mem>>) {add = true}
    %scan3A_91 = arith.constant 0 : i32
    %scan3A_92 = arith.constant 0 : i32
    %scan3A_93 = arith.constant 8 : i32
    %scan3A_94 = arith.addi %scan3A_92, %scan3A_93 : i32
    %scan3A_95 = arith.constant 1 : i32
    scf.for %scan3A_160 = %scan3A_92 to %scan3A_94 step %scan3A_95  : i32 {
      %mul3A_161 = arith.constant 4 : i32
      %mul3A_162 = arith.muli %mul3A_161, %scan3A_160 : i32
      %add3A_163 = arith.constant 0 : i32
      %add3A_164 = arith.addi %mul3A_162, %add3A_163 : i32
      %mul3A_165 = arith.constant 200 : i32
      %mul3A_166 = arith.muli %add3A_164, %mul3A_165 : i32
      %add3A_167 = arith.constant 0 : i32
      %add3A_168 = arith.addi %mul3A_166, %add3A_167 : i32
      %dma_wait3A_169 = arith.constant 0 : i32
      %dma_wait3A_170 = arith.constant 0 : i32
      %dma_wait3A_171 = tpu.memref_slice %arg8[%dma_wait3A_169, %dma_wait3A_170] : memref<200x64xf32, #tpu.memory_space<vmem>> -> memref<104x64xf32, #tpu.memory_space<vmem>>
      %dma_wait3A_172 = tpu.memref_slice %arg6[%add3A_168] : memref<6400xi32, #tpu.memory_space<vmem>> -> memref<104xi32, #tpu.memory_space<vmem>>
      %dma_wait3A_173 = arith.constant 0 : i32
      %dma_wait3A_174 = arith.constant 0 : i32
      %dma_wait3A_175 = tpu.memref_slice %arg3[%dma_wait3A_173, %dma_wait3A_174] : memref<100352x64xf32, #tpu.memory_space<hbm>> -> memref<100352x64xf32, #tpu.memory_space<hbm>>
      tpu.wait_indirect_dma semaphore(%arg12 : memref<!tpu.dma_semaphore, #tpu.memory_space<semaphore_mem>>) src(%dma_wait3A_175 : memref<100352x64xf32, #tpu.memory_space<hbm>>) dst(%dma_wait3A_171 : memref<104x64xf32, #tpu.memory_space<vmem>>)
      %mul3A_176 = arith.constant 200 : i32
      %mul3A_177 = arith.muli %add3A_164, %mul3A_176 : i32
      %add3A_178 = arith.constant 104 : i32
      %add3A_179 = arith.addi %mul3A_177, %add3A_178 : i32
      %dma_wait3A_180 = arith.constant 104 : i32
      %dma_wait3A_181 = arith.constant 0 : i32
      %dma_wait3A_182 = tpu.memref_slice %arg8[%dma_wait3A_180, %dma_wait3A_181] : memref<200x64xf32, #tpu.memory_space<vmem>> -> memref<96x64xf32, #tpu.memory_space<vmem>>
      %dma_wait3A_183 = tpu.memref_slice %arg6[%add3A_179] : memref<6400xi32, #tpu.memory_space<vmem>> -> memref<96xi32, #tpu.memory_space<vmem>>
      %dma_wait3A_184 = arith.constant 0 : i32
      %dma_wait3A_185 = arith.constant 0 : i32
      %dma_wait3A_186 = tpu.memref_slice %arg3[%dma_wait3A_184, %dma_wait3A_185] : memref<100352x64xf32, #tpu.memory_space<hbm>> -> memref<100352x64xf32, #tpu.memory_space<hbm>>
      tpu.wait_indirect_dma semaphore(%arg12 : memref<!tpu.dma_semaphore, #tpu.memory_space<semaphore_mem>>) src(%dma_wait3A_186 : memref<100352x64xf32, #tpu.memory_space<hbm>>) dst(%dma_wait3A_182 : memref<96x64xf32, #tpu.memory_space<vmem>>)
      %add3A_187 = arith.addi %mul3A_2, %add3A_164 : i32
      %dma_start3A_188 = arith.constant 0 : i32
      %dma_start3A_189 = arith.constant 0 : i32
      %dma_start3A_190 = tpu.memref_slice %arg5[%add3A_187, %dma_start3A_188, %dma_start3A_189] : memref<1024x200x128xf32, #tpu.memory_space<hbm>> -> memref<1x200x128xf32, #tpu.memory_space<hbm>>
      %dma_start3A_191 = tpu.memref_squeeze %dma_start3A_190 : memref<1x200x128xf32, #tpu.memory_space<hbm>> -> memref<200x128xf32, #tpu.memory_space<hbm>>
      %dma_start3A_192 = arith.constant 0 : i32
      %dma_start3A_193 = arith.constant 0 : i32
      %dma_start3A_194 = tpu.memref_slice %dma_start3A_191[%dma_start3A_192, %dma_start3A_193] : memref<200x128xf32, #tpu.memory_space<hbm>> -> memref<200x64xf32, #tpu.memory_space<hbm>>
      %dma_start3A_195 = arith.constant 0 : i32
      %dma_start3A_196 = arith.constant 0 : i32
      %dma_start3A_197 = tpu.memref_slice %arg5[%add3A_187, %dma_start3A_195, %dma_start3A_196] : memref<1024x200x128xf32, #tpu.memory_space<hbm>> -> memref<1x200x128xf32, #tpu.memory_space<hbm>>
      %dma_start3A_198 = tpu.memref_squeeze %dma_start3A_197 : memref<1x200x128xf32, #tpu.memory_space<hbm>> -> memref<200x128xf32, #tpu.memory_space<hbm>>
      %dma_start3A_199 = arith.constant 0 : i32
      %dma_start3A_200 = arith.constant 0 : i32
      %dma_start3A_201 = tpu.memref_slice %dma_start3A_198[%dma_start3A_199, %dma_start3A_200] : memref<200x128xf32, #tpu.memory_space<hbm>> -> memref<200x64xf32, #tpu.memory_space<hbm>>
      tpu.enqueue_dma source(%arg8 : memref<200x64xf32, #tpu.memory_space<vmem>>) target(%dma_start3A_201 : memref<200x64xf32, #tpu.memory_space<hbm>>) target_semaphore(%arg16 : memref<!tpu.dma_semaphore, #tpu.memory_space<semaphore_mem>>)
      %add3A_202 = arith.constant 4 : i32
      %add3A_203 = arith.addi %add3A_164, %add3A_202 : i32
      %lt3A = arith.constant 32 : i32
      %lt3A_204 = arith.cmpi slt, %add3A_203, %lt3A : i32
      %convert_element_type3A = arith.extui %lt3A_204 : i1 to i32
      %cond3A = arith.constant 0 : i32
      %cond3A_205 = arith.cmpi ne, %convert_element_type3A, %cond3A : i32
      scf.if %cond3A_205 {
        %add3A_350 = arith.addi %mul3A_2, %add3A_164 : i32
        %dma_wait3A_351 = arith.constant 0 : i32
        %dma_wait3A_352 = arith.constant 0 : i32
        %dma_wait3A_353 = tpu.memref_slice %arg5[%add3A_350, %dma_wait3A_351, %dma_wait3A_352] : memref<1024x200x128xf32, #tpu.memory_space<hbm>> -> memref<1x200x128xf32, #tpu.memory_space<hbm>>
        %dma_wait3A_354 = tpu.memref_squeeze %dma_wait3A_353 : memref<1x200x128xf32, #tpu.memory_space<hbm>> -> memref<200x128xf32, #tpu.memory_space<hbm>>
        %dma_wait3A_355 = arith.constant 0 : i32
        %dma_wait3A_356 = arith.constant 0 : i32
        %dma_wait3A_357 = tpu.memref_slice %dma_wait3A_354[%dma_wait3A_355, %dma_wait3A_356] : memref<200x128xf32, #tpu.memory_space<hbm>> -> memref<200x64xf32, #tpu.memory_space<hbm>>
        %dma_wait3A_358 = arith.constant 0 : i32
        %dma_wait3A_359 = arith.constant 0 : i32
        %dma_wait3A_360 = tpu.memref_slice %arg5[%add3A_350, %dma_wait3A_358, %dma_wait3A_359] : memref<1024x200x128xf32, #tpu.memory_space<hbm>> -> memref<1x200x128xf32, #tpu.memory_space<hbm>>
        %dma_wait3A_361 = tpu.memref_squeeze %dma_wait3A_360 : memref<1x200x128xf32, #tpu.memory_space<hbm>> -> memref<200x128xf32, #tpu.memory_space<hbm>>
        %dma_wait3A_362 = arith.constant 0 : i32
        %dma_wait3A_363 = arith.constant 0 : i32
        %dma_wait3A_364 = tpu.memref_slice %dma_wait3A_361[%dma_wait3A_362, %dma_wait3A_363] : memref<200x128xf32, #tpu.memory_space<hbm>> -> memref<200x64xf32, #tpu.memory_space<hbm>>
        tpu.wait_dma2 semaphore(%arg16 : memref<!tpu.dma_semaphore, #tpu.memory_space<semaphore_mem>>) src(%arg8 : memref<200x64xf32, #tpu.memory_space<vmem>>) dst(%dma_wait3A_364 : memref<200x64xf32, #tpu.memory_space<hbm>>)
        %scan3A_365 = arith.constant 0 : i32
        %scan3A_366 = arith.constant 0 : i32
        %scan3A_367 = arith.constant 50 : i32
        %scan3A_368 = arith.addi %scan3A_366, %scan3A_367 : i32
        %scan3A_369 = arith.constant 1 : i32
        scf.for %scan3A_393 = %scan3A_366 to %scan3A_368 step %scan3A_369  : i32 {
          %mul3A_394 = arith.constant 4 : i32
          %mul3A_395 = arith.muli %scan3A_393, %mul3A_394 : i32
          %add3A_396 = arith.constant 0 : i32
          %add3A_397 = arith.addi %mul3A_395, %add3A_396 : i32
          %get3A = arith.index_cast %add3A_397 : i32 to index
          %get3A_398 = arith.constant 0 : index
          %get3A_399 = tpu.vector_load %arg7[%get3A, %get3A_398] {strides = array<i32>} : memref<200x64xf32, #tpu.memory_space<vmem>>, vector<1x16xf32>,
          %get3A_400 = vector.shape_cast %get3A_399 : vector<1x16xf32> to vector<16xf32>
          %add3A_401 = arith.constant 0 : i32
          %add3A_402 = arith.addi %mul3A_395, %add3A_401 : i32
          %swap3A = arith.index_cast %add3A_402 : i32 to index
          %swap3A_403 = arith.constant 0 : index
          %swap3A_404 = tpu.vector_load %arg8[%swap3A, %swap3A_403] {strides = array<i32>} : memref<200x64xf32, #tpu.memory_space<vmem>>, vector<1x16xf32>,
          %swap3A_405 = vector.shape_cast %swap3A_404 : vector<1x16xf32> to vector<16xf32>
          %swap3A_406 = vector.shape_cast %get3A_400 : vector<16xf32> to vector<1x16xf32>
          tpu.vector_store %arg8[%swap3A, %swap3A_403], %swap3A_406 {strides = array<i32>} : memref<200x64xf32, #tpu.memory_space<vmem>>, vector<1x16xf32>,
          %add3A_407 = arith.constant 0 : i32
          %add3A_408 = arith.addi %mul3A_395, %add3A_407 : i32
          %get3A_409 = arith.index_cast %add3A_408 : i32 to index
          %get3A_410 = arith.constant 16 : index
          %get3A_411 = tpu.vector_load %arg7[%get3A_409, %get3A_410] {strides = array<i32>} : memref<200x64xf32, #tpu.memory_space<vmem>>, vector<1x16xf32>,
          %get3A_412 = vector.shape_cast %get3A_411 : vector<1x16xf32> to vector<16xf32>
          %add3A_413 = arith.constant 0 : i32
          %add3A_414 = arith.addi %mul3A_395, %add3A_413 : i32
          %swap3A_415 = arith.index_cast %add3A_414 : i32 to index
          %swap3A_416 = arith.constant 16 : index
          %swap3A_417 = tpu.vector_load %arg8[%swap3A_415, %swap3A_416] {strides = array<i32>} : memref<200x64xf32, #tpu.memory_space<vmem>>, vector<1x16xf32>,
          %swap3A_418 = vector.shape_cast %swap3A_417 : vector<1x16xf32> to vector<16xf32>
          %swap3A_419 = vector.shape_cast %get3A_412 : vector<16xf32> to vector<1x16xf32>
          tpu.vector_store %arg8[%swap3A_415, %swap3A_416], %swap3A_419 {strides = array<i32>} : memref<200x64xf32, #tpu.memory_space<vmem>>, vector<1x16xf32>,
          %add3A_420 = arith.constant 0 : i32
          %add3A_421 = arith.addi %mul3A_395, %add3A_420 : i32
          %get3A_422 = arith.index_cast %add3A_421 : i32 to index
          %get3A_423 = arith.constant 32 : index
          %get3A_424 = tpu.vector_load %arg7[%get3A_422, %get3A_423] {strides = array<i32>} : memref<200x64xf32, #tpu.memory_space<vmem>>, vector<1x16xf32>,
          %get3A_425 = vector.shape_cast %get3A_424 : vector<1x16xf32> to vector<16xf32>
          %add3A_426 = arith.constant 0 : i32
          %add3A_427 = arith.addi %mul3A_395, %add3A_426 : i32
          %swap3A_428 = arith.index_cast %add3A_427 : i32 to index
          %swap3A_429 = arith.constant 32 : index
          %swap3A_430 = tpu.vector_load %arg8[%swap3A_428, %swap3A_429] {strides = array<i32>} : memref<200x64xf32, #tpu.memory_space<vmem>>, vector<1x16xf32>,
          %swap3A_431 = vector.shape_cast %swap3A_430 : vector<1x16xf32> to vector<16xf32>
          %swap3A_432 = vector.shape_cast %get3A_425 : vector<16xf32> to vector<1x16xf32>
          tpu.vector_store %arg8[%swap3A_428, %swap3A_429], %swap3A_432 {strides = array<i32>} : memref<200x64xf32, #tpu.memory_space<vmem>>, vector<1x16xf32>,
          %add3A_433 = arith.constant 0 : i32
          %add3A_434 = arith.addi %mul3A_395, %add3A_433 : i32
          %get3A_435 = arith.index_cast %add3A_434 : i32 to index
          %get3A_436 = arith.constant 48 : index
          %get3A_437 = tpu.vector_load %arg7[%get3A_435, %get3A_436] {strides = array<i32>} : memref<200x64xf32, #tpu.memory_space<vmem>>, vector<1x16xf32>,
          %get3A_438 = vector.shape_cast %get3A_437 : vector<1x16xf32> to vector<16xf32>
          %add3A_439 = arith.constant 0 : i32
          %add3A_440 = arith.addi %mul3A_395, %add3A_439 : i32
          %swap3A_441 = arith.index_cast %add3A_440 : i32 to index
          %swap3A_442 = arith.constant 48 : index
          %swap3A_443 = tpu.vector_load %arg8[%swap3A_441, %swap3A_442] {strides = array<i32>} : memref<200x64xf32, #tpu.memory_space<vmem>>, vector<1x16xf32>,
          %swap3A_444 = vector.shape_cast %swap3A_443 : vector<1x16xf32> to vector<16xf32>
          %swap3A_445 = vector.shape_cast %get3A_438 : vector<16xf32> to vector<1x16xf32>
          tpu.vector_store %arg8[%swap3A_441, %swap3A_442], %swap3A_445 {strides = array<i32>} : memref<200x64xf32, #tpu.memory_space<vmem>>, vector<1x16xf32>,
          %add3A_446 = arith.constant 1 : i32
          %add3A_447 = arith.addi %mul3A_395, %add3A_446 : i32
          %get3A_448 = arith.index_cast %add3A_447 : i32 to index
          %get3A_449 = arith.constant 0 : index
          %get3A_450 = tpu.vector_load %arg7[%get3A_448, %get3A_449] {strides = array<i32>} : memref<200x64xf32, #tpu.memory_space<vmem>>, vector<1x16xf32>,
          %get3A_451 = vector.shape_cast %get3A_450 : vector<1x16xf32> to vector<16xf32>
          %add3A_452 = arith.constant 1 : i32
          %add3A_453 = arith.addi %mul3A_395, %add3A_452 : i32
          %swap3A_454 = arith.index_cast %add3A_453 : i32 to index
          %swap3A_455 = arith.constant 0 : index
          %swap3A_456 = tpu.vector_load %arg8[%swap3A_454, %swap3A_455] {strides = array<i32>} : memref<200x64xf32, #tpu.memory_space<vmem>>, vector<1x16xf32>,
          %swap3A_457 = vector.shape_cast %swap3A_456 : vector<1x16xf32> to vector<16xf32>
          %swap3A_458 = vector.shape_cast %get3A_451 : vector<16xf32> to vector<1x16xf32>
          tpu.vector_store %arg8[%swap3A_454, %swap3A_455], %swap3A_458 {strides = array<i32>} : memref<200x64xf32, #tpu.memory_space<vmem>>, vector<1x16xf32>,
          %add3A_459 = arith.constant 1 : i32
          %add3A_460 = arith.addi %mul3A_395, %add3A_459 : i32
          %get3A_461 = arith.index_cast %add3A_460 : i32 to index
          %get3A_462 = arith.constant 16 : index
          %get3A_463 = tpu.vector_load %arg7[%get3A_461, %get3A_462] {strides = array<i32>} : memref<200x64xf32, #tpu.memory_space<vmem>>, vector<1x16xf32>,
          %get3A_464 = vector.shape_cast %get3A_463 : vector<1x16xf32> to vector<16xf32>
          %add3A_465 = arith.constant 1 : i32
          %add3A_466 = arith.addi %mul3A_395, %add3A_465 : i32
          %swap3A_467 = arith.index_cast %add3A_466 : i32 to index
          %swap3A_468 = arith.constant 16 : index
          %swap3A_469 = tpu.vector_load %arg8[%swap3A_467, %swap3A_468] {strides = array<i32>} : memref<200x64xf32, #tpu.memory_space<vmem>>, vector<1x16xf32>,
          %swap3A_470 = vector.shape_cast %swap3A_469 : vector<1x16xf32> to vector<16xf32>
          %swap3A_471 = vector.shape_cast %get3A_464 : vector<16xf32> to vector<1x16xf32>
          tpu.vector_store %arg8[%swap3A_467, %swap3A_468], %swap3A_471 {strides = array<i32>} : memref<200x64xf32, #tpu.memory_space<vmem>>, vector<1x16xf32>,
          %add3A_472 = arith.constant 1 : i32
          %add3A_473 = arith.addi %mul3A_395, %add3A_472 : i32
          %get3A_474 = arith.index_cast %add3A_473 : i32 to index
          %get3A_475 = arith.constant 32 : index
          %get3A_476 = tpu.vector_load %arg7[%get3A_474, %get3A_475] {strides = array<i32>} : memref<200x64xf32, #tpu.memory_space<vmem>>, vector<1x16xf32>,
          %get3A_477 = vector.shape_cast %get3A_476 : vector<1x16xf32> to vector<16xf32>
          %add3A_478 = arith.constant 1 : i32
          %add3A_479 = arith.addi %mul3A_395, %add3A_478 : i32
          %swap3A_480 = arith.index_cast %add3A_479 : i32 to index
          %swap3A_481 = arith.constant 32 : index
          %swap3A_482 = tpu.vector_load %arg8[%swap3A_480, %swap3A_481] {strides = array<i32>} : memref<200x64xf32, #tpu.memory_space<vmem>>, vector<1x16xf32>,
          %swap3A_483 = vector.shape_cast %swap3A_482 : vector<1x16xf32> to vector<16xf32>
          %swap3A_484 = vector.shape_cast %get3A_477 : vector<16xf32> to vector<1x16xf32>
          tpu.vector_store %arg8[%swap3A_480, %swap3A_481], %swap3A_484 {strides = array<i32>} : memref<200x64xf32, #tpu.memory_space<vmem>>, vector<1x16xf32>,
          %add3A_485 = arith.constant 1 : i32
          %add3A_486 = arith.addi %mul3A_395, %add3A_485 : i32
          %get3A_487 = arith.index_cast %add3A_486 : i32 to index
          %get3A_488 = arith.constant 48 : index
          %get3A_489 = tpu.vector_load %arg7[%get3A_487, %get3A_488] {strides = array<i32>} : memref<200x64xf32, #tpu.memory_space<vmem>>, vector<1x16xf32>,
          %get3A_490 = vector.shape_cast %get3A_489 : vector<1x16xf32> to vector<16xf32>
          %add3A_491 = arith.constant 1 : i32
          %add3A_492 = arith.addi %mul3A_395, %add3A_491 : i32
          %swap3A_493 = arith.index_cast %add3A_492 : i32 to index
          %swap3A_494 = arith.constant 48 : index
          %swap3A_495 = tpu.vector_load %arg8[%swap3A_493, %swap3A_494] {strides = array<i32>} : memref<200x64xf32, #tpu.memory_space<vmem>>, vector<1x16xf32>,
          %swap3A_496 = vector.shape_cast %swap3A_495 : vector<1x16xf32> to vector<16xf32>
          %swap3A_497 = vector.shape_cast %get3A_490 : vector<16xf32> to vector<1x16xf32>
          tpu.vector_store %arg8[%swap3A_493, %swap3A_494], %swap3A_497 {strides = array<i32>} : memref<200x64xf32, #tpu.memory_space<vmem>>, vector<1x16xf32>,
          %add3A_498 = arith.constant 2 : i32
          %add3A_499 = arith.addi %mul3A_395, %add3A_498 : i32
          %get3A_500 = arith.index_cast %add3A_499 : i32 to index
          %get3A_501 = arith.constant 0 : index
          %get3A_502 = tpu.vector_load %arg7[%get3A_500, %get3A_501] {strides = array<i32>} : memref<200x64xf32, #tpu.memory_space<vmem>>, vector<1x16xf32>,
          %get3A_503 = vector.shape_cast %get3A_502 : vector<1x16xf32> to vector<16xf32>
          %add3A_504 = arith.constant 2 : i32
          %add3A_505 = arith.addi %mul3A_395, %add3A_504 : i32
          %swap3A_506 = arith.index_cast %add3A_505 : i32 to index
          %swap3A_507 = arith.constant 0 : index
          %swap3A_508 = tpu.vector_load %arg8[%swap3A_506, %swap3A_507] {strides = array<i32>} : memref<200x64xf32, #tpu.memory_space<vmem>>, vector<1x16xf32>,
          %swap3A_509 = vector.shape_cast %swap3A_508 : vector<1x16xf32> to vector<16xf32>
          %swap3A_510 = vector.shape_cast %get3A_503 : vector<16xf32> to vector<1x16xf32>
          tpu.vector_store %arg8[%swap3A_506, %swap3A_507], %swap3A_510 {strides = array<i32>} : memref<200x64xf32, #tpu.memory_space<vmem>>, vector<1x16xf32>,
          %add3A_511 = arith.constant 2 : i32
          %add3A_512 = arith.addi %mul3A_395, %add3A_511 : i32
          %get3A_513 = arith.index_cast %add3A_512 : i32 to index
          %get3A_514 = arith.constant 16 : index
          %get3A_515 = tpu.vector_load %arg7[%get3A_513, %get3A_514] {strides = array<i32>} : memref<200x64xf32, #tpu.memory_space<vmem>>, vector<1x16xf32>,
          %get3A_516 = vector.shape_cast %get3A_515 : vector<1x16xf32> to vector<16xf32>
          %add3A_517 = arith.constant 2 : i32
          %add3A_518 = arith.addi %mul3A_395, %add3A_517 : i32
          %swap3A_519 = arith.index_cast %add3A_518 : i32 to index
          %swap3A_520 = arith.constant 16 : index
          %swap3A_521 = tpu.vector_load %arg8[%swap3A_519, %swap3A_520] {strides = array<i32>} : memref<200x64xf32, #tpu.memory_space<vmem>>, vector<1x16xf32>,
          %swap3A_522 = vector.shape_cast %swap3A_521 : vector<1x16xf32> to vector<16xf32>
          %swap3A_523 = vector.shape_cast %get3A_516 : vector<16xf32> to vector<1x16xf32>
          tpu.vector_store %arg8[%swap3A_519, %swap3A_520], %swap3A_523 {strides = array<i32>} : memref<200x64xf32, #tpu.memory_space<vmem>>, vector<1x16xf32>,
          %add3A_524 = arith.constant 2 : i32
          %add3A_525 = arith.addi %mul3A_395, %add3A_524 : i32
          %get3A_526 = arith.index_cast %add3A_525 : i32 to index
          %get3A_527 = arith.constant 32 : index
          %get3A_528 = tpu.vector_load %arg7[%get3A_526, %get3A_527] {strides = array<i32>} : memref<200x64xf32, #tpu.memory_space<vmem>>, vector<1x16xf32>,
          %get3A_529 = vector.shape_cast %get3A_528 : vector<1x16xf32> to vector<16xf32>
          %add3A_530 = arith.constant 2 : i32
          %add3A_531 = arith.addi %mul3A_395, %add3A_530 : i32
          %swap3A_532 = arith.index_cast %add3A_531 : i32 to index
          %swap3A_533 = arith.constant 32 : index
          %swap3A_534 = tpu.vector_load %arg8[%swap3A_532, %swap3A_533] {strides = array<i32>} : memref<200x64xf32, #tpu.memory_space<vmem>>, vector<1x16xf32>,
          %swap3A_535 = vector.shape_cast %swap3A_534 : vector<1x16xf32> to vector<16xf32>
          %swap3A_536 = vector.shape_cast %get3A_529 : vector<16xf32> to vector<1x16xf32>
          tpu.vector_store %arg8[%swap3A_532, %swap3A_533], %swap3A_536 {strides = array<i32>} : memref<200x64xf32, #tpu.memory_space<vmem>>, vector<1x16xf32>,
          %add3A_537 = arith.constant 2 : i32
          %add3A_538 = arith.addi %mul3A_395, %add3A_537 : i32
          %get3A_539 = arith.index_cast %add3A_538 : i32 to index
          %get3A_540 = arith.constant 48 : index
          %get3A_541 = tpu.vector_load %arg7[%get3A_539, %get3A_540] {strides = array<i32>} : memref<200x64xf32, #tpu.memory_space<vmem>>, vector<1x16xf32>,
          %get3A_542 = vector.shape_cast %get3A_541 : vector<1x16xf32> to vector<16xf32>
          %add3A_543 = arith.constant 2 : i32
          %add3A_544 = arith.addi %mul3A_395, %add3A_543 : i32
          %swap3A_545 = arith.index_cast %add3A_544 : i32 to index
          %swap3A_546 = arith.constant 48 : index
          %swap3A_547 = tpu.vector_load %arg8[%swap3A_545, %swap3A_546] {strides = array<i32>} : memref<200x64xf32, #tpu.memory_space<vmem>>, vector<1x16xf32>,
          %swap3A_548 = vector.shape_cast %swap3A_547 : vector<1x16xf32> to vector<16xf32>
          %swap3A_549 = vector.shape_cast %get3A_542 : vector<16xf32> to vector<1x16xf32>
          tpu.vector_store %arg8[%swap3A_545, %swap3A_546], %swap3A_549 {strides = array<i32>} : memref<200x64xf32, #tpu.memory_space<vmem>>, vector<1x16xf32>,
          %add3A_550 = arith.constant 3 : i32
          %add3A_551 = arith.addi %mul3A_395, %add3A_550 : i32
          %get3A_552 = arith.index_cast %add3A_551 : i32 to index
          %get3A_553 = arith.constant 0 : index
          %get3A_554 = tpu.vector_load %arg7[%get3A_552, %get3A_553] {strides = array<i32>} : memref<200x64xf32, #tpu.memory_space<vmem>>, vector<1x16xf32>,
          %get3A_555 = vector.shape_cast %get3A_554 : vector<1x16xf32> to vector<16xf32>
          %add3A_556 = arith.constant 3 : i32
          %add3A_557 = arith.addi %mul3A_395, %add3A_556 : i32
          %swap3A_558 = arith.index_cast %add3A_557 : i32 to index
          %swap3A_559 = arith.constant 0 : index
          %swap3A_560 = tpu.vector_load %arg8[%swap3A_558, %swap3A_559] {strides = array<i32>} : memref<200x64xf32, #tpu.memory_space<vmem>>, vector<1x16xf32>,
          %swap3A_561 = vector.shape_cast %swap3A_560 : vector<1x16xf32> to vector<16xf32>
          %swap3A_562 = vector.shape_cast %get3A_555 : vector<16xf32> to vector<1x16xf32>
          tpu.vector_store %arg8[%swap3A_558, %swap3A_559], %swap3A_562 {strides = array<i32>} : memref<200x64xf32, #tpu.memory_space<vmem>>, vector<1x16xf32>,
          %add3A_563 = arith.constant 3 : i32
          %add3A_564 = arith.addi %mul3A_395, %add3A_563 : i32
          %get3A_565 = arith.index_cast %add3A_564 : i32 to index
          %get3A_566 = arith.constant 16 : index
          %get3A_567 = tpu.vector_load %arg7[%get3A_565, %get3A_566] {strides = array<i32>} : memref<200x64xf32, #tpu.memory_space<vmem>>, vector<1x16xf32>,
          %get3A_568 = vector.shape_cast %get3A_567 : vector<1x16xf32> to vector<16xf32>
          %add3A_569 = arith.constant 3 : i32
          %add3A_570 = arith.addi %mul3A_395, %add3A_569 : i32
          %swap3A_571 = arith.index_cast %add3A_570 : i32 to index
          %swap3A_572 = arith.constant 16 : index
          %swap3A_573 = tpu.vector_load %arg8[%swap3A_571, %swap3A_572] {strides = array<i32>} : memref<200x64xf32, #tpu.memory_space<vmem>>, vector<1x16xf32>,
          %swap3A_574 = vector.shape_cast %swap3A_573 : vector<1x16xf32> to vector<16xf32>
          %swap3A_575 = vector.shape_cast %get3A_568 : vector<16xf32> to vector<1x16xf32>
          tpu.vector_store %arg8[%swap3A_571, %swap3A_572], %swap3A_575 {strides = array<i32>} : memref<200x64xf32, #tpu.memory_space<vmem>>, vector<1x16xf32>,
          %add3A_576 = arith.constant 3 : i32
          %add3A_577 = arith.addi %mul3A_395, %add3A_576 : i32
          %get3A_578 = arith.index_cast %add3A_577 : i32 to index
          %get3A_579 = arith.constant 32 : index
          %get3A_580 = tpu.vector_load %arg7[%get3A_578, %get3A_579] {strides = array<i32>} : memref<200x64xf32, #tpu.memory_space<vmem>>, vector<1x16xf32>,
          %get3A_581 = vector.shape_cast %get3A_580 : vector<1x16xf32> to vector<16xf32>
          %add3A_582 = arith.constant 3 : i32
          %add3A_583 = arith.addi %mul3A_395, %add3A_582 : i32
          %swap3A_584 = arith.index_cast %add3A_583 : i32 to index
          %swap3A_585 = arith.constant 32 : index
          %swap3A_586 = tpu.vector_load %arg8[%swap3A_584, %swap3A_585] {strides = array<i32>} : memref<200x64xf32, #tpu.memory_space<vmem>>, vector<1x16xf32>,
          %swap3A_587 = vector.shape_cast %swap3A_586 : vector<1x16xf32> to vector<16xf32>
          %swap3A_588 = vector.shape_cast %get3A_581 : vector<16xf32> to vector<1x16xf32>
          tpu.vector_store %arg8[%swap3A_584, %swap3A_585], %swap3A_588 {strides = array<i32>} : memref<200x64xf32, #tpu.memory_space<vmem>>, vector<1x16xf32>,
          %add3A_589 = arith.constant 3 : i32
          %add3A_590 = arith.addi %mul3A_395, %add3A_589 : i32
          %get3A_591 = arith.index_cast %add3A_590 : i32 to index
          %get3A_592 = arith.constant 48 : index
          %get3A_593 = tpu.vector_load %arg7[%get3A_591, %get3A_592] {strides = array<i32>} : memref<200x64xf32, #tpu.memory_space<vmem>>, vector<1x16xf32>,
          %get3A_594 = vector.shape_cast %get3A_593 : vector<1x16xf32> to vector<16xf32>
          %add3A_595 = arith.constant 3 : i32
          %add3A_596 = arith.addi %mul3A_395, %add3A_595 : i32
          %swap3A_597 = arith.index_cast %add3A_596 : i32 to index
          %swap3A_598 = arith.constant 48 : index
          %swap3A_599 = tpu.vector_load %arg8[%swap3A_597, %swap3A_598] {strides = array<i32>} : memref<200x64xf32, #tpu.memory_space<vmem>>, vector<1x16xf32>,
          %swap3A_600 = vector.shape_cast %swap3A_599 : vector<1x16xf32> to vector<16xf32>
          %swap3A_601 = vector.shape_cast %get3A_594 : vector<16xf32> to vector<1x16xf32>
          tpu.vector_store %arg8[%swap3A_597, %swap3A_598], %swap3A_601 {strides = array<i32>} : memref<200x64xf32, #tpu.memory_space<vmem>>, vector<1x16xf32>,
        }
        %scan3A_370 = arith.constant 50 : i32
        %mul3A_371 = arith.constant 200 : i32
        %mul3A_372 = arith.muli %add3A_203, %mul3A_371 : i32
        %add3A_373 = arith.constant 0 : i32
        %add3A_374 = arith.addi %mul3A_372, %add3A_373 : i32
        %dma_start3A_375 = arith.constant 0 : i32
        %dma_start3A_376 = arith.constant 0 : i32
        %dma_start3A_377 = tpu.memref_slice %arg8[%dma_start3A_375, %dma_start3A_376] : memref<200x64xf32, #tpu.memory_space<vmem>> -> memref<104x64xf32, #tpu.memory_space<vmem>>
        %dma_start3A_378 = tpu.memref_slice %arg6[%add3A_374] : memref<6400xi32, #tpu.memory_space<vmem>> -> memref<104xi32, #tpu.memory_space<vmem>>
        %dma_start3A_379 = arith.constant 0 : i32
        %dma_start3A_380 = arith.constant 0 : i32
        %dma_start3A_381 = tpu.memref_slice %arg3[%dma_start3A_379, %dma_start3A_380] : memref<100352x64xf32, #tpu.memory_space<hbm>> -> memref<100352x64xf32, #tpu.memory_space<hbm>>
        tpu.enqueue_indirect_dma source(%dma_start3A_381 : memref<100352x64xf32, #tpu.memory_space<hbm>>) target(%dma_start3A_377 : memref<104x64xf32, #tpu.memory_space<vmem>>) offsets(%dma_start3A_378 : memref<104xi32, #tpu.memory_space<vmem>>) semaphore(%arg12 : memref<!tpu.dma_semaphore, #tpu.memory_space<semaphore_mem>>) {add = true}
        %mul3A_382 = arith.constant 200 : i32
        %mul3A_383 = arith.muli %add3A_203, %mul3A_382 : i32
        %add3A_384 = arith.constant 104 : i32
        %add3A_385 = arith.addi %mul3A_383, %add3A_384 : i32
        %dma_start3A_386 = arith.constant 104 : i32
        %dma_start3A_387 = arith.constant 0 : i32
        %dma_start3A_388 = tpu.memref_slice %arg8[%dma_start3A_386, %dma_start3A_387] : memref<200x64xf32, #tpu.memory_space<vmem>> -> memref<96x64xf32, #tpu.memory_space<vmem>>
        %dma_start3A_389 = tpu.memref_slice %arg6[%add3A_385] : memref<6400xi32, #tpu.memory_space<vmem>> -> memref<96xi32, #tpu.memory_space<vmem>>
        %dma_start3A_390 = arith.constant 0 : i32
        %dma_start3A_391 = arith.constant 0 : i32
        %dma_start3A_392 = tpu.memref_slice %arg3[%dma_start3A_390, %dma_start3A_391] : memref<100352x64xf32, #tpu.memory_space<hbm>> -> memref<100352x64xf32, #tpu.memory_space<hbm>>
        tpu.enqueue_indirect_dma source(%dma_start3A_392 : memref<100352x64xf32, #tpu.memory_space<hbm>>) target(%dma_start3A_388 : memref<96x64xf32, #tpu.memory_space<vmem>>) offsets(%dma_start3A_389 : memref<96xi32, #tpu.memory_space<vmem>>) semaphore(%arg12 : memref<!tpu.dma_semaphore, #tpu.memory_space<semaphore_mem>>) {add = true}
      } else {
      }
      %mul3A_206 = arith.constant 4 : i32
      %mul3A_207 = arith.muli %mul3A_206, %scan3A_160 : i32
      %add3A_208 = arith.constant 1 : i32
      %add3A_209 = arith.addi %mul3A_207, %add3A_208 : i32
      %mul3A_210 = arith.constant 200 : i32
      %mul3A_211 = arith.muli %add3A_209, %mul3A_210 : i32
      %add3A_212 = arith.constant 0 : i32
      %add3A_213 = arith.addi %mul3A_211, %add3A_212 : i32
      %dma_wait3A_214 = arith.constant 0 : i32
      %dma_wait3A_215 = arith.constant 0 : i32
      %dma_wait3A_216 = tpu.memref_slice %arg9[%dma_wait3A_214, %dma_wait3A_215] : memref<200x64xf32, #tpu.memory_space<vmem>> -> memref<104x64xf32, #tpu.memory_space<vmem>>
      %dma_wait3A_217 = tpu.memref_slice %arg6[%add3A_213] : memref<6400xi32, #tpu.memory_space<vmem>> -> memref<104xi32, #tpu.memory_space<vmem>>
      %dma_wait3A_218 = arith.constant 0 : i32
      %dma_wait3A_219 = arith.constant 0 : i32
      %dma_wait3A_220 = tpu.memref_slice %arg3[%dma_wait3A_218, %dma_wait3A_219] : memref<100352x64xf32, #tpu.memory_space<hbm>> -> memref<100352x64xf32, #tpu.memory_space<hbm>>
      tpu.wait_indirect_dma semaphore(%arg13 : memref<!tpu.dma_semaphore, #tpu.memory_space<semaphore_mem>>) src(%dma_wait3A_220 : memref<100352x64xf32, #tpu.memory_space<hbm>>) dst(%dma_wait3A_216 : memref<104x64xf32, #tpu.memory_space<vmem>>)
      %mul3A_221 = arith.constant 200 : i32
      %mul3A_222 = arith.muli %add3A_209, %mul3A_221 : i32
      %add3A_223 = arith.constant 104 : i32
      %add3A_224 = arith.addi %mul3A_222, %add3A_223 : i32
      %dma_wait3A_225 = arith.constant 104 : i32
      %dma_wait3A_226 = arith.constant 0 : i32
      %dma_wait3A_227 = tpu.memref_slice %arg9[%dma_wait3A_225, %dma_wait3A_226] : memref<200x64xf32, #tpu.memory_space<vmem>> -> memref<96x64xf32, #tpu.memory_space<vmem>>
      %dma_wait3A_228 = tpu.memref_slice %arg6[%add3A_224] : memref<6400xi32, #tpu.memory_space<vmem>> -> memref<96xi32, #tpu.memory_space<vmem>>
      %dma_wait3A_229 = arith.constant 0 : i32
      %dma_wait3A_230 = arith.constant 0 : i32
      %dma_wait3A_231 = tpu.memref_slice %arg3[%dma_wait3A_229, %dma_wait3A_230] : memref<100352x64xf32, #tpu.memory_space<hbm>> -> memref<100352x64xf32, #tpu.memory_space<hbm>>
      tpu.wait_indirect_dma semaphore(%arg13 : memref<!tpu.dma_semaphore, #tpu.memory_space<semaphore_mem>>) src(%dma_wait3A_231 : memref<100352x64xf32, #tpu.memory_space<hbm>>) dst(%dma_wait3A_227 : memref<96x64xf32, #tpu.memory_space<vmem>>)
      %add3A_232 = arith.addi %mul3A_2, %add3A_209 : i32
      %dma_start3A_233 = arith.constant 0 : i32
      %dma_start3A_234 = arith.constant 0 : i32
      %dma_start3A_235 = tpu.memref_slice %arg5[%add3A_232, %dma_start3A_233, %dma_start3A_234] : memref<1024x200x128xf32, #tpu.memory_space<hbm>> -> memref<1x200x128xf32, #tpu.memory_space<hbm>>
      %dma_start3A_236 = tpu.memref_squeeze %dma_start3A_235 : memref<1x200x128xf32, #tpu.memory_space<hbm>> -> memref<200x128xf32, #tpu.memory_space<hbm>>
      %dma_start3A_237 = arith.constant 0 : i32
      %dma_start3A_238 = arith.constant 0 : i32
      %dma_start3A_239 = tpu.memref_slice %dma_start3A_236[%dma_start3A_237, %dma_start3A_238] : memref<200x128xf32, #tpu.memory_space<hbm>> -> memref<200x64xf32, #tpu.memory_space<hbm>>
      %dma_start3A_240 = arith.constant 0 : i32
      %dma_start3A_241 = arith.constant 0 : i32
      %dma_start3A_242 = tpu.memref_slice %arg5[%add3A_232, %dma_start3A_240, %dma_start3A_241] : memref<1024x200x128xf32, #tpu.memory_space<hbm>> -> memref<1x200x128xf32, #tpu.memory_space<hbm>>
      %dma_start3A_243 = tpu.memref_squeeze %dma_start3A_242 : memref<1x200x128xf32, #tpu.memory_space<hbm>> -> memref<200x128xf32, #tpu.memory_space<hbm>>
      %dma_start3A_244 = arith.constant 0 : i32
      %dma_start3A_245 = arith.constant 0 : i32
      %dma_start3A_246 = tpu.memref_slice %dma_start3A_243[%dma_start3A_244, %dma_start3A_245] : memref<200x128xf32, #tpu.memory_space<hbm>> -> memref<200x64xf32, #tpu.memory_space<hbm>>
      tpu.enqueue_dma source(%arg9 : memref<200x64xf32, #tpu.memory_space<vmem>>) target(%dma_start3A_246 : memref<200x64xf32, #tpu.memory_space<hbm>>) target_semaphore(%arg17 : memref<!tpu.dma_semaphore, #tpu.memory_space<semaphore_mem>>)
      %add3A_247 = arith.constant 4 : i32
      %add3A_248 = arith.addi %add3A_209, %add3A_247 : i32
      %lt3A_249 = arith.constant 32 : i32
      %lt3A_250 = arith.cmpi slt, %add3A_248, %lt3A_249 : i32
      %convert_element_type3A_251 = arith.extui %lt3A_250 : i1 to i32
      %cond3A_252 = arith.constant 0 : i32
      %cond3A_253 = arith.cmpi ne, %convert_element_type3A_251, %cond3A_252 : i32
      scf.if %cond3A_253 {
        %add3A_350 = arith.addi %mul3A_2, %add3A_209 : i32
        %dma_wait3A_351 = arith.constant 0 : i32
        %dma_wait3A_352 = arith.constant 0 : i32
        %dma_wait3A_353 = tpu.memref_slice %arg5[%add3A_350, %dma_wait3A_351, %dma_wait3A_352] : memref<1024x200x128xf32, #tpu.memory_space<hbm>> -> memref<1x200x128xf32, #tpu.memory_space<hbm>>
        %dma_wait3A_354 = tpu.memref_squeeze %dma_wait3A_353 : memref<1x200x128xf32, #tpu.memory_space<hbm>> -> memref<200x128xf32, #tpu.memory_space<hbm>>
        %dma_wait3A_355 = arith.constant 0 : i32
        %dma_wait3A_356 = arith.constant 0 : i32
        %dma_wait3A_357 = tpu.memref_slice %dma_wait3A_354[%dma_wait3A_355, %dma_wait3A_356] : memref<200x128xf32, #tpu.memory_space<hbm>> -> memref<200x64xf32, #tpu.memory_space<hbm>>
        %dma_wait3A_358 = arith.constant 0 : i32
        %dma_wait3A_359 = arith.constant 0 : i32
        %dma_wait3A_360 = tpu.memref_slice %arg5[%add3A_350, %dma_wait3A_358, %dma_wait3A_359] : memref<1024x200x128xf32, #tpu.memory_space<hbm>> -> memref<1x200x128xf32, #tpu.memory_space<hbm>>
        %dma_wait3A_361 = tpu.memref_squeeze %dma_wait3A_360 : memref<1x200x128xf32, #tpu.memory_space<hbm>> -> memref<200x128xf32, #tpu.memory_space<hbm>>
        %dma_wait3A_362 = arith.constant 0 : i32
        %dma_wait3A_363 = arith.constant 0 : i32
        %dma_wait3A_364 = tpu.memref_slice %dma_wait3A_361[%dma_wait3A_362, %dma_wait3A_363] : memref<200x128xf32, #tpu.memory_space<hbm>> -> memref<200x64xf32, #tpu.memory_space<hbm>>
        tpu.wait_dma2 semaphore(%arg17 : memref<!tpu.dma_semaphore, #tpu.memory_space<semaphore_mem>>) src(%arg9 : memref<200x64xf32, #tpu.memory_space<vmem>>) dst(%dma_wait3A_364 : memref<200x64xf32, #tpu.memory_space<hbm>>)
        %scan3A_365 = arith.constant 0 : i32
        %scan3A_366 = arith.constant 0 : i32
        %scan3A_367 = arith.constant 50 : i32
        %scan3A_368 = arith.addi %scan3A_366, %scan3A_367 : i32
        %scan3A_369 = arith.constant 1 : i32
        scf.for %scan3A_393 = %scan3A_366 to %scan3A_368 step %scan3A_369  : i32 {
          %mul3A_394 = arith.constant 4 : i32
          %mul3A_395 = arith.muli %scan3A_393, %mul3A_394 : i32
          %add3A_396 = arith.constant 0 : i32
          %add3A_397 = arith.addi %mul3A_395, %add3A_396 : i32
          %get3A = arith.index_cast %add3A_397 : i32 to index
          %get3A_398 = arith.constant 0 : index
          %get3A_399 = tpu.vector_load %arg7[%get3A, %get3A_398] {strides = array<i32>} : memref<200x64xf32, #tpu.memory_space<vmem>>, vector<1x16xf32>,
          %get3A_400 = vector.shape_cast %get3A_399 : vector<1x16xf32> to vector<16xf32>
          %add3A_401 = arith.constant 0 : i32
          %add3A_402 = arith.addi %mul3A_395, %add3A_401 : i32
          %swap3A = arith.index_cast %add3A_402 : i32 to index
          %swap3A_403 = arith.constant 0 : index
          %swap3A_404 = tpu.vector_load %arg9[%swap3A, %swap3A_403] {strides = array<i32>} : memref<200x64xf32, #tpu.memory_space<vmem>>, vector<1x16xf32>,
          %swap3A_405 = vector.shape_cast %swap3A_404 : vector<1x16xf32> to vector<16xf32>
          %swap3A_406 = vector.shape_cast %get3A_400 : vector<16xf32> to vector<1x16xf32>
          tpu.vector_store %arg9[%swap3A, %swap3A_403], %swap3A_406 {strides = array<i32>} : memref<200x64xf32, #tpu.memory_space<vmem>>, vector<1x16xf32>,
          %add3A_407 = arith.constant 0 : i32
          %add3A_408 = arith.addi %mul3A_395, %add3A_407 : i32
          %get3A_409 = arith.index_cast %add3A_408 : i32 to index
          %get3A_410 = arith.constant 16 : index
          %get3A_411 = tpu.vector_load %arg7[%get3A_409, %get3A_410] {strides = array<i32>} : memref<200x64xf32, #tpu.memory_space<vmem>>, vector<1x16xf32>,
          %get3A_412 = vector.shape_cast %get3A_411 : vector<1x16xf32> to vector<16xf32>
          %add3A_413 = arith.constant 0 : i32
          %add3A_414 = arith.addi %mul3A_395, %add3A_413 : i32
          %swap3A_415 = arith.index_cast %add3A_414 : i32 to index
          %swap3A_416 = arith.constant 16 : index
          %swap3A_417 = tpu.vector_load %arg9[%swap3A_415, %swap3A_416] {strides = array<i32>} : memref<200x64xf32, #tpu.memory_space<vmem>>, vector<1x16xf32>,
          %swap3A_418 = vector.shape_cast %swap3A_417 : vector<1x16xf32> to vector<16xf32>
          %swap3A_419 = vector.shape_cast %get3A_412 : vector<16xf32> to vector<1x16xf32>
          tpu.vector_store %arg9[%swap3A_415, %swap3A_416], %swap3A_419 {strides = array<i32>} : memref<200x64xf32, #tpu.memory_space<vmem>>, vector<1x16xf32>,
          %add3A_420 = arith.constant 0 : i32
          %add3A_421 = arith.addi %mul3A_395, %add3A_420 : i32
          %get3A_422 = arith.index_cast %add3A_421 : i32 to index
          %get3A_423 = arith.constant 32 : index
          %get3A_424 = tpu.vector_load %arg7[%get3A_422, %get3A_423] {strides = array<i32>} : memref<200x64xf32, #tpu.memory_space<vmem>>, vector<1x16xf32>,
          %get3A_425 = vector.shape_cast %get3A_424 : vector<1x16xf32> to vector<16xf32>
          %add3A_426 = arith.constant 0 : i32
          %add3A_427 = arith.addi %mul3A_395, %add3A_426 : i32
          %swap3A_428 = arith.index_cast %add3A_427 : i32 to index
          %swap3A_429 = arith.constant 32 : index
          %swap3A_430 = tpu.vector_load %arg9[%swap3A_428, %swap3A_429] {strides = array<i32>} : memref<200x64xf32, #tpu.memory_space<vmem>>, vector<1x16xf32>,
          %swap3A_431 = vector.shape_cast %swap3A_430 : vector<1x16xf32> to vector<16xf32>
          %swap3A_432 = vector.shape_cast %get3A_425 : vector<16xf32> to vector<1x16xf32>
          tpu.vector_store %arg9[%swap3A_428, %swap3A_429], %swap3A_432 {strides = array<i32>} : memref<200x64xf32, #tpu.memory_space<vmem>>, vector<1x16xf32>,
          %add3A_433 = arith.constant 0 : i32
          %add3A_434 = arith.addi %mul3A_395, %add3A_433 : i32
          %get3A_435 = arith.index_cast %add3A_434 : i32 to index
          %get3A_436 = arith.constant 48 : index
          %get3A_437 = tpu.vector_load %arg7[%get3A_435, %get3A_436] {strides = array<i32>} : memref<200x64xf32, #tpu.memory_space<vmem>>, vector<1x16xf32>,
          %get3A_438 = vector.shape_cast %get3A_437 : vector<1x16xf32> to vector<16xf32>
          %add3A_439 = arith.constant 0 : i32
          %add3A_440 = arith.addi %mul3A_395, %add3A_439 : i32
          %swap3A_441 = arith.index_cast %add3A_440 : i32 to index
          %swap3A_442 = arith.constant 48 : index
          %swap3A_443 = tpu.vector_load %arg9[%swap3A_441, %swap3A_442] {strides = array<i32>} : memref<200x64xf32, #tpu.memory_space<vmem>>, vector<1x16xf32>,
          %swap3A_444 = vector.shape_cast %swap3A_443 : vector<1x16xf32> to vector<16xf32>
          %swap3A_445 = vector.shape_cast %get3A_438 : vector<16xf32> to vector<1x16xf32>
          tpu.vector_store %arg9[%swap3A_441, %swap3A_442], %swap3A_445 {strides = array<i32>} : memref<200x64xf32, #tpu.memory_space<vmem>>, vector<1x16xf32>,
          %add3A_446 = arith.constant 1 : i32
          %add3A_447 = arith.addi %mul3A_395, %add3A_446 : i32
          %get3A_448 = arith.index_cast %add3A_447 : i32 to index
          %get3A_449 = arith.constant 0 : index
          %get3A_450 = tpu.vector_load %arg7[%get3A_448, %get3A_449] {strides = array<i32>} : memref<200x64xf32, #tpu.memory_space<vmem>>, vector<1x16xf32>,
          %get3A_451 = vector.shape_cast %get3A_450 : vector<1x16xf32> to vector<16xf32>
          %add3A_452 = arith.constant 1 : i32
          %add3A_453 = arith.addi %mul3A_395, %add3A_452 : i32
          %swap3A_454 = arith.index_cast %add3A_453 : i32 to index
          %swap3A_455 = arith.constant 0 : index
          %swap3A_456 = tpu.vector_load %arg9[%swap3A_454, %swap3A_455] {strides = array<i32>} : memref<200x64xf32, #tpu.memory_space<vmem>>, vector<1x16xf32>,
          %swap3A_457 = vector.shape_cast %swap3A_456 : vector<1x16xf32> to vector<16xf32>
          %swap3A_458 = vector.shape_cast %get3A_451 : vector<16xf32> to vector<1x16xf32>
          tpu.vector_store %arg9[%swap3A_454, %swap3A_455], %swap3A_458 {strides = array<i32>} : memref<200x64xf32, #tpu.memory_space<vmem>>, vector<1x16xf32>,
          %add3A_459 = arith.constant 1 : i32
          %add3A_460 = arith.addi %mul3A_395, %add3A_459 : i32
          %get3A_461 = arith.index_cast %add3A_460 : i32 to index
          %get3A_462 = arith.constant 16 : index
          %get3A_463 = tpu.vector_load %arg7[%get3A_461, %get3A_462] {strides = array<i32>} : memref<200x64xf32, #tpu.memory_space<vmem>>, vector<1x16xf32>,
          %get3A_464 = vector.shape_cast %get3A_463 : vector<1x16xf32> to vector<16xf32>
          %add3A_465 = arith.constant 1 : i32
          %add3A_466 = arith.addi %mul3A_395, %add3A_465 : i32
          %swap3A_467 = arith.index_cast %add3A_466 : i32 to index
          %swap3A_468 = arith.constant 16 : index
          %swap3A_469 = tpu.vector_load %arg9[%swap3A_467, %swap3A_468] {strides = array<i32>} : memref<200x64xf32, #tpu.memory_space<vmem>>, vector<1x16xf32>,
          %swap3A_470 = vector.shape_cast %swap3A_469 : vector<1x16xf32> to vector<16xf32>
          %swap3A_471 = vector.shape_cast %get3A_464 : vector<16xf32> to vector<1x16xf32>
          tpu.vector_store %arg9[%swap3A_467, %swap3A_468], %swap3A_471 {strides = array<i32>} : memref<200x64xf32, #tpu.memory_space<vmem>>, vector<1x16xf32>,
          %add3A_472 = arith.constant 1 : i32
          %add3A_473 = arith.addi %mul3A_395, %add3A_472 : i32
          %get3A_474 = arith.index_cast %add3A_473 : i32 to index
          %get3A_475 = arith.constant 32 : index
          %get3A_476 = tpu.vector_load %arg7[%get3A_474, %get3A_475] {strides = array<i32>} : memref<200x64xf32, #tpu.memory_space<vmem>>, vector<1x16xf32>,
          %get3A_477 = vector.shape_cast %get3A_476 : vector<1x16xf32> to vector<16xf32>
          %add3A_478 = arith.constant 1 : i32
          %add3A_479 = arith.addi %mul3A_395, %add3A_478 : i32
          %swap3A_480 = arith.index_cast %add3A_479 : i32 to index
          %swap3A_481 = arith.constant 32 : index
          %swap3A_482 = tpu.vector_load %arg9[%swap3A_480, %swap3A_481] {strides = array<i32>} : memref<200x64xf32, #tpu.memory_space<vmem>>, vector<1x16xf32>,
          %swap3A_483 = vector.shape_cast %swap3A_482 : vector<1x16xf32> to vector<16xf32>
          %swap3A_484 = vector.shape_cast %get3A_477 : vector<16xf32> to vector<1x16xf32>
          tpu.vector_store %arg9[%swap3A_480, %swap3A_481], %swap3A_484 {strides = array<i32>} : memref<200x64xf32, #tpu.memory_space<vmem>>, vector<1x16xf32>,
          %add3A_485 = arith.constant 1 : i32
          %add3A_486 = arith.addi %mul3A_395, %add3A_485 : i32
          %get3A_487 = arith.index_cast %add3A_486 : i32 to index
          %get3A_488 = arith.constant 48 : index
          %get3A_489 = tpu.vector_load %arg7[%get3A_487, %get3A_488] {strides = array<i32>} : memref<200x64xf32, #tpu.memory_space<vmem>>, vector<1x16xf32>,
          %get3A_490 = vector.shape_cast %get3A_489 : vector<1x16xf32> to vector<16xf32>
          %add3A_491 = arith.constant 1 : i32
          %add3A_492 = arith.addi %mul3A_395, %add3A_491 : i32
          %swap3A_493 = arith.index_cast %add3A_492 : i32 to index
          %swap3A_494 = arith.constant 48 : index
          %swap3A_495 = tpu.vector_load %arg9[%swap3A_493, %swap3A_494] {strides = array<i32>} : memref<200x64xf32, #tpu.memory_space<vmem>>, vector<1x16xf32>,
          %swap3A_496 = vector.shape_cast %swap3A_495 : vector<1x16xf32> to vector<16xf32>
          %swap3A_497 = vector.shape_cast %get3A_490 : vector<16xf32> to vector<1x16xf32>
          tpu.vector_store %arg9[%swap3A_493, %swap3A_494], %swap3A_497 {strides = array<i32>} : memref<200x64xf32, #tpu.memory_space<vmem>>, vector<1x16xf32>,
          %add3A_498 = arith.constant 2 : i32
          %add3A_499 = arith.addi %mul3A_395, %add3A_498 : i32
          %get3A_500 = arith.index_cast %add3A_499 : i32 to index
          %get3A_501 = arith.constant 0 : index
          %get3A_502 = tpu.vector_load %arg7[%get3A_500, %get3A_501] {strides = array<i32>} : memref<200x64xf32, #tpu.memory_space<vmem>>, vector<1x16xf32>,
          %get3A_503 = vector.shape_cast %get3A_502 : vector<1x16xf32> to vector<16xf32>
          %add3A_504 = arith.constant 2 : i32
          %add3A_505 = arith.addi %mul3A_395, %add3A_504 : i32
          %swap3A_506 = arith.index_cast %add3A_505 : i32 to index
          %swap3A_507 = arith.constant 0 : index
          %swap3A_508 = tpu.vector_load %arg9[%swap3A_506, %swap3A_507] {strides = array<i32>} : memref<200x64xf32, #tpu.memory_space<vmem>>, vector<1x16xf32>,
          %swap3A_509 = vector.shape_cast %swap3A_508 : vector<1x16xf32> to vector<16xf32>
          %swap3A_510 = vector.shape_cast %get3A_503 : vector<16xf32> to vector<1x16xf32>
          tpu.vector_store %arg9[%swap3A_506, %swap3A_507], %swap3A_510 {strides = array<i32>} : memref<200x64xf32, #tpu.memory_space<vmem>>, vector<1x16xf32>,
          %add3A_511 = arith.constant 2 : i32
          %add3A_512 = arith.addi %mul3A_395, %add3A_511 : i32
          %get3A_513 = arith.index_cast %add3A_512 : i32 to index
          %get3A_514 = arith.constant 16 : index
          %get3A_515 = tpu.vector_load %arg7[%get3A_513, %get3A_514] {strides = array<i32>} : memref<200x64xf32, #tpu.memory_space<vmem>>, vector<1x16xf32>,
          %get3A_516 = vector.shape_cast %get3A_515 : vector<1x16xf32> to vector<16xf32>
          %add3A_517 = arith.constant 2 : i32
          %add3A_518 = arith.addi %mul3A_395, %add3A_517 : i32
          %swap3A_519 = arith.index_cast %add3A_518 : i32 to index
          %swap3A_520 = arith.constant 16 : index
          %swap3A_521 = tpu.vector_load %arg9[%swap3A_519, %swap3A_520] {strides = array<i32>} : memref<200x64xf32, #tpu.memory_space<vmem>>, vector<1x16xf32>,
          %swap3A_522 = vector.shape_cast %swap3A_521 : vector<1x16xf32> to vector<16xf32>
          %swap3A_523 = vector.shape_cast %get3A_516 : vector<16xf32> to vector<1x16xf32>
          tpu.vector_store %arg9[%swap3A_519, %swap3A_520], %swap3A_523 {strides = array<i32>} : memref<200x64xf32, #tpu.memory_space<vmem>>, vector<1x16xf32>,
          %add3A_524 = arith.constant 2 : i32
          %add3A_525 = arith.addi %mul3A_395, %add3A_524 : i32
          %get3A_526 = arith.index_cast %add3A_525 : i32 to index
          %get3A_527 = arith.constant 32 : index
          %get3A_528 = tpu.vector_load %arg7[%get3A_526, %get3A_527] {strides = array<i32>} : memref<200x64xf32, #tpu.memory_space<vmem>>, vector<1x16xf32>,
          %get3A_529 = vector.shape_cast %get3A_528 : vector<1x16xf32> to vector<16xf32>
          %add3A_530 = arith.constant 2 : i32
          %add3A_531 = arith.addi %mul3A_395, %add3A_530 : i32
          %swap3A_532 = arith.index_cast %add3A_531 : i32 to index
          %swap3A_533 = arith.constant 32 : index
          %swap3A_534 = tpu.vector_load %arg9[%swap3A_532, %swap3A_533] {strides = array<i32>} : memref<200x64xf32, #tpu.memory_space<vmem>>, vector<1x16xf32>,
          %swap3A_535 = vector.shape_cast %swap3A_534 : vector<1x16xf32> to vector<16xf32>
          %swap3A_536 = vector.shape_cast %get3A_529 : vector<16xf32> to vector<1x16xf32>
          tpu.vector_store %arg9[%swap3A_532, %swap3A_533], %swap3A_536 {strides = array<i32>} : memref<200x64xf32, #tpu.memory_space<vmem>>, vector<1x16xf32>,
          %add3A_537 = arith.constant 2 : i32
          %add3A_538 = arith.addi %mul3A_395, %add3A_537 : i32
          %get3A_539 = arith.index_cast %add3A_538 : i32 to index
          %get3A_540 = arith.constant 48 : index
          %get3A_541 = tpu.vector_load %arg7[%get3A_539, %get3A_540] {strides = array<i32>} : memref<200x64xf32, #tpu.memory_space<vmem>>, vector<1x16xf32>,
          %get3A_542 = vector.shape_cast %get3A_541 : vector<1x16xf32> to vector<16xf32>
          %add3A_543 = arith.constant 2 : i32
          %add3A_544 = arith.addi %mul3A_395, %add3A_543 : i32
          %swap3A_545 = arith.index_cast %add3A_544 : i32 to index
          %swap3A_546 = arith.constant 48 : index
          %swap3A_547 = tpu.vector_load %arg9[%swap3A_545, %swap3A_546] {strides = array<i32>} : memref<200x64xf32, #tpu.memory_space<vmem>>, vector<1x16xf32>,
          %swap3A_548 = vector.shape_cast %swap3A_547 : vector<1x16xf32> to vector<16xf32>
          %swap3A_549 = vector.shape_cast %get3A_542 : vector<16xf32> to vector<1x16xf32>
          tpu.vector_store %arg9[%swap3A_545, %swap3A_546], %swap3A_549 {strides = array<i32>} : memref<200x64xf32, #tpu.memory_space<vmem>>, vector<1x16xf32>,
          %add3A_550 = arith.constant 3 : i32
          %add3A_551 = arith.addi %mul3A_395, %add3A_550 : i32
          %get3A_552 = arith.index_cast %add3A_551 : i32 to index
          %get3A_553 = arith.constant 0 : index
          %get3A_554 = tpu.vector_load %arg7[%get3A_552, %get3A_553] {strides = array<i32>} : memref<200x64xf32, #tpu.memory_space<vmem>>, vector<1x16xf32>,
          %get3A_555 = vector.shape_cast %get3A_554 : vector<1x16xf32> to vector<16xf32>
          %add3A_556 = arith.constant 3 : i32
          %add3A_557 = arith.addi %mul3A_395, %add3A_556 : i32
          %swap3A_558 = arith.index_cast %add3A_557 : i32 to index
          %swap3A_559 = arith.constant 0 : index
          %swap3A_560 = tpu.vector_load %arg9[%swap3A_558, %swap3A_559] {strides = array<i32>} : memref<200x64xf32, #tpu.memory_space<vmem>>, vector<1x16xf32>,
          %swap3A_561 = vector.shape_cast %swap3A_560 : vector<1x16xf32> to vector<16xf32>
          %swap3A_562 = vector.shape_cast %get3A_555 : vector<16xf32> to vector<1x16xf32>
          tpu.vector_store %arg9[%swap3A_558, %swap3A_559], %swap3A_562 {strides = array<i32>} : memref<200x64xf32, #tpu.memory_space<vmem>>, vector<1x16xf32>,
          %add3A_563 = arith.constant 3 : i32
          %add3A_564 = arith.addi %mul3A_395, %add3A_563 : i32
          %get3A_565 = arith.index_cast %add3A_564 : i32 to index
          %get3A_566 = arith.constant 16 : index
          %get3A_567 = tpu.vector_load %arg7[%get3A_565, %get3A_566] {strides = array<i32>} : memref<200x64xf32, #tpu.memory_space<vmem>>, vector<1x16xf32>,
          %get3A_568 = vector.shape_cast %get3A_567 : vector<1x16xf32> to vector<16xf32>
          %add3A_569 = arith.constant 3 : i32
          %add3A_570 = arith.addi %mul3A_395, %add3A_569 : i32
          %swap3A_571 = arith.index_cast %add3A_570 : i32 to index
          %swap3A_572 = arith.constant 16 : index
          %swap3A_573 = tpu.vector_load %arg9[%swap3A_571, %swap3A_572] {strides = array<i32>} : memref<200x64xf32, #tpu.memory_space<vmem>>, vector<1x16xf32>,
          %swap3A_574 = vector.shape_cast %swap3A_573 : vector<1x16xf32> to vector<16xf32>
          %swap3A_575 = vector.shape_cast %get3A_568 : vector<16xf32> to vector<1x16xf32>
          tpu.vector_store %arg9[%swap3A_571, %swap3A_572], %swap3A_575 {strides = array<i32>} : memref<200x64xf32, #tpu.memory_space<vmem>>, vector<1x16xf32>,
          %add3A_576 = arith.constant 3 : i32
          %add3A_577 = arith.addi %mul3A_395, %add3A_576 : i32
          %get3A_578 = arith.index_cast %add3A_577 : i32 to index
          %get3A_579 = arith.constant 32 : index
          %get3A_580 = tpu.vector_load %arg7[%get3A_578, %get3A_579] {strides = array<i32>} : memref<200x64xf32, #tpu.memory_space<vmem>>, vector<1x16xf32>,
          %get3A_581 = vector.shape_cast %get3A_580 : vector<1x16xf32> to vector<16xf32>
          %add3A_582 = arith.constant 3 : i32
          %add3A_583 = arith.addi %mul3A_395, %add3A_582 : i32
          %swap3A_584 = arith.index_cast %add3A_583 : i32 to index
          %swap3A_585 = arith.constant 32 : index
          %swap3A_586 = tpu.vector_load %arg9[%swap3A_584, %swap3A_585] {strides = array<i32>} : memref<200x64xf32, #tpu.memory_space<vmem>>, vector<1x16xf32>,
          %swap3A_587 = vector.shape_cast %swap3A_586 : vector<1x16xf32> to vector<16xf32>
          %swap3A_588 = vector.shape_cast %get3A_581 : vector<16xf32> to vector<1x16xf32>
          tpu.vector_store %arg9[%swap3A_584, %swap3A_585], %swap3A_588 {strides = array<i32>} : memref<200x64xf32, #tpu.memory_space<vmem>>, vector<1x16xf32>,
          %add3A_589 = arith.constant 3 : i32
          %add3A_590 = arith.addi %mul3A_395, %add3A_589 : i32
          %get3A_591 = arith.index_cast %add3A_590 : i32 to index
          %get3A_592 = arith.constant 48 : index
          %get3A_593 = tpu.vector_load %arg7[%get3A_591, %get3A_592] {strides = array<i32>} : memref<200x64xf32, #tpu.memory_space<vmem>>, vector<1x16xf32>,
          %get3A_594 = vector.shape_cast %get3A_593 : vector<1x16xf32> to vector<16xf32>
          %add3A_595 = arith.constant 3 : i32
          %add3A_596 = arith.addi %mul3A_395, %add3A_595 : i32
          %swap3A_597 = arith.index_cast %add3A_596 : i32 to index
          %swap3A_598 = arith.constant 48 : index
          %swap3A_599 = tpu.vector_load %arg9[%swap3A_597, %swap3A_598] {strides = array<i32>} : memref<200x64xf32, #tpu.memory_space<vmem>>, vector<1x16xf32>,
          %swap3A_600 = vector.shape_cast %swap3A_599 : vector<1x16xf32> to vector<16xf32>
          %swap3A_601 = vector.shape_cast %get3A_594 : vector<16xf32> to vector<1x16xf32>
          tpu.vector_store %arg9[%swap3A_597, %swap3A_598], %swap3A_601 {strides = array<i32>} : memref<200x64xf32, #tpu.memory_space<vmem>>, vector<1x16xf32>,
        }
        %scan3A_370 = arith.constant 50 : i32
        %mul3A_371 = arith.constant 200 : i32
        %mul3A_372 = arith.muli %add3A_248, %mul3A_371 : i32
        %add3A_373 = arith.constant 0 : i32
        %add3A_374 = arith.addi %mul3A_372, %add3A_373 : i32
        %dma_start3A_375 = arith.constant 0 : i32
        %dma_start3A_376 = arith.constant 0 : i32
        %dma_start3A_377 = tpu.memref_slice %arg9[%dma_start3A_375, %dma_start3A_376] : memref<200x64xf32, #tpu.memory_space<vmem>> -> memref<104x64xf32, #tpu.memory_space<vmem>>
        %dma_start3A_378 = tpu.memref_slice %arg6[%add3A_374] : memref<6400xi32, #tpu.memory_space<vmem>> -> memref<104xi32, #tpu.memory_space<vmem>>
        %dma_start3A_379 = arith.constant 0 : i32
        %dma_start3A_380 = arith.constant 0 : i32
        %dma_start3A_381 = tpu.memref_slice %arg3[%dma_start3A_379, %dma_start3A_380] : memref<100352x64xf32, #tpu.memory_space<hbm>> -> memref<100352x64xf32, #tpu.memory_space<hbm>>
        tpu.enqueue_indirect_dma source(%dma_start3A_381 : memref<100352x64xf32, #tpu.memory_space<hbm>>) target(%dma_start3A_377 : memref<104x64xf32, #tpu.memory_space<vmem>>) offsets(%dma_start3A_378 : memref<104xi32, #tpu.memory_space<vmem>>) semaphore(%arg13 : memref<!tpu.dma_semaphore, #tpu.memory_space<semaphore_mem>>) {add = true}
        %mul3A_382 = arith.constant 200 : i32
        %mul3A_383 = arith.muli %add3A_248, %mul3A_382 : i32
        %add3A_384 = arith.constant 104 : i32
        %add3A_385 = arith.addi %mul3A_383, %add3A_384 : i32
        %dma_start3A_386 = arith.constant 104 : i32
        %dma_start3A_387 = arith.constant 0 : i32
        %dma_start3A_388 = tpu.memref_slice %arg9[%dma_start3A_386, %dma_start3A_387] : memref<200x64xf32, #tpu.memory_space<vmem>> -> memref<96x64xf32, #tpu.memory_space<vmem>>
        %dma_start3A_389 = tpu.memref_slice %arg6[%add3A_385] : memref<6400xi32, #tpu.memory_space<vmem>> -> memref<96xi32, #tpu.memory_space<vmem>>
        %dma_start3A_390 = arith.constant 0 : i32
        %dma_start3A_391 = arith.constant 0 : i32
        %dma_start3A_392 = tpu.memref_slice %arg3[%dma_start3A_390, %dma_start3A_391] : memref<100352x64xf32, #tpu.memory_space<hbm>> -> memref<100352x64xf32, #tpu.memory_space<hbm>>
        tpu.enqueue_indirect_dma source(%dma_start3A_392 : memref<100352x64xf32, #tpu.memory_space<hbm>>) target(%dma_start3A_388 : memref<96x64xf32, #tpu.memory_space<vmem>>) offsets(%dma_start3A_389 : memref<96xi32, #tpu.memory_space<vmem>>) semaphore(%arg13 : memref<!tpu.dma_semaphore, #tpu.memory_space<semaphore_mem>>) {add = true}
      } else {
      }
      %mul3A_254 = arith.constant 4 : i32
      %mul3A_255 = arith.muli %mul3A_254, %scan3A_160 : i32
      %add3A_256 = arith.constant 2 : i32
      %add3A_257 = arith.addi %mul3A_255, %add3A_256 : i32
      %mul3A_258 = arith.constant 200 : i32
      %mul3A_259 = arith.muli %add3A_257, %mul3A_258 : i32
      %add3A_260 = arith.constant 0 : i32
      %add3A_261 = arith.addi %mul3A_259, %add3A_260 : i32
      %dma_wait3A_262 = arith.constant 0 : i32
      %dma_wait3A_263 = arith.constant 0 : i32
      %dma_wait3A_264 = tpu.memref_slice %arg10[%dma_wait3A_262, %dma_wait3A_263] : memref<200x64xf32, #tpu.memory_space<vmem>> -> memref<104x64xf32, #tpu.memory_space<vmem>>
      %dma_wait3A_265 = tpu.memref_slice %arg6[%add3A_261] : memref<6400xi32, #tpu.memory_space<vmem>> -> memref<104xi32, #tpu.memory_space<vmem>>
      %dma_wait3A_266 = arith.constant 0 : i32
      %dma_wait3A_267 = arith.constant 0 : i32
      %dma_wait3A_268 = tpu.memref_slice %arg3[%dma_wait3A_266, %dma_wait3A_267] : memref<100352x64xf32, #tpu.memory_space<hbm>> -> memref<100352x64xf32, #tpu.memory_space<hbm>>
      tpu.wait_indirect_dma semaphore(%arg14 : memref<!tpu.dma_semaphore, #tpu.memory_space<semaphore_mem>>) src(%dma_wait3A_268 : memref<100352x64xf32, #tpu.memory_space<hbm>>) dst(%dma_wait3A_264 : memref<104x64xf32, #tpu.memory_space<vmem>>)
      %mul3A_269 = arith.constant 200 : i32
      %mul3A_270 = arith.muli %add3A_257, %mul3A_269 : i32
      %add3A_271 = arith.constant 104 : i32
      %add3A_272 = arith.addi %mul3A_270, %add3A_271 : i32
      %dma_wait3A_273 = arith.constant 104 : i32
      %dma_wait3A_274 = arith.constant 0 : i32
      %dma_wait3A_275 = tpu.memref_slice %arg10[%dma_wait3A_273, %dma_wait3A_274] : memref<200x64xf32, #tpu.memory_space<vmem>> -> memref<96x64xf32, #tpu.memory_space<vmem>>
      %dma_wait3A_276 = tpu.memref_slice %arg6[%add3A_272] : memref<6400xi32, #tpu.memory_space<vmem>> -> memref<96xi32, #tpu.memory_space<vmem>>
      %dma_wait3A_277 = arith.constant 0 : i32
      %dma_wait3A_278 = arith.constant 0 : i32
      %dma_wait3A_279 = tpu.memref_slice %arg3[%dma_wait3A_277, %dma_wait3A_278] : memref<100352x64xf32, #tpu.memory_space<hbm>> -> memref<100352x64xf32, #tpu.memory_space<hbm>>
      tpu.wait_indirect_dma semaphore(%arg14 : memref<!tpu.dma_semaphore, #tpu.memory_space<semaphore_mem>>) src(%dma_wait3A_279 : memref<100352x64xf32, #tpu.memory_space<hbm>>) dst(%dma_wait3A_275 : memref<96x64xf32, #tpu.memory_space<vmem>>)
      %add3A_280 = arith.addi %mul3A_2, %add3A_257 : i32
      %dma_start3A_281 = arith.constant 0 : i32
      %dma_start3A_282 = arith.constant 0 : i32
      %dma_start3A_283 = tpu.memref_slice %arg5[%add3A_280, %dma_start3A_281, %dma_start3A_282] : memref<1024x200x128xf32, #tpu.memory_space<hbm>> -> memref<1x200x128xf32, #tpu.memory_space<hbm>>
      %dma_start3A_284 = tpu.memref_squeeze %dma_start3A_283 : memref<1x200x128xf32, #tpu.memory_space<hbm>> -> memref<200x128xf32, #tpu.memory_space<hbm>>
      %dma_start3A_285 = arith.constant 0 : i32
      %dma_start3A_286 = arith.constant 0 : i32
      %dma_start3A_287 = tpu.memref_slice %dma_start3A_284[%dma_start3A_285, %dma_start3A_286] : memref<200x128xf32, #tpu.memory_space<hbm>> -> memref<200x64xf32, #tpu.memory_space<hbm>>
      %dma_start3A_288 = arith.constant 0 : i32
      %dma_start3A_289 = arith.constant 0 : i32
      %dma_start3A_290 = tpu.memref_slice %arg5[%add3A_280, %dma_start3A_288, %dma_start3A_289] : memref<1024x200x128xf32, #tpu.memory_space<hbm>> -> memref<1x200x128xf32, #tpu.memory_space<hbm>>
      %dma_start3A_291 = tpu.memref_squeeze %dma_start3A_290 : memref<1x200x128xf32, #tpu.memory_space<hbm>> -> memref<200x128xf32, #tpu.memory_space<hbm>>
      %dma_start3A_292 = arith.constant 0 : i32
      %dma_start3A_293 = arith.constant 0 : i32
      %dma_start3A_294 = tpu.memref_slice %dma_start3A_291[%dma_start3A_292, %dma_start3A_293] : memref<200x128xf32, #tpu.memory_space<hbm>> -> memref<200x64xf32, #tpu.memory_space<hbm>>
      tpu.enqueue_dma source(%arg10 : memref<200x64xf32, #tpu.memory_space<vmem>>) target(%dma_start3A_294 : memref<200x64xf32, #tpu.memory_space<hbm>>) target_semaphore(%arg18 : memref<!tpu.dma_semaphore, #tpu.memory_space<semaphore_mem>>)
      %add3A_295 = arith.constant 4 : i32
      %add3A_296 = arith.addi %add3A_257, %add3A_295 : i32
      %lt3A_297 = arith.constant 32 : i32
      %lt3A_298 = arith.cmpi slt, %add3A_296, %lt3A_297 : i32
      %convert_element_type3A_299 = arith.extui %lt3A_298 : i1 to i32
      %cond3A_300 = arith.constant 0 : i32
      %cond3A_301 = arith.cmpi ne, %convert_element_type3A_299, %cond3A_300 : i32
      scf.if %cond3A_301 {
        %add3A_350 = arith.addi %mul3A_2, %add3A_257 : i32
        %dma_wait3A_351 = arith.constant 0 : i32
        %dma_wait3A_352 = arith.constant 0 : i32
        %dma_wait3A_353 = tpu.memref_slice %arg5[%add3A_350, %dma_wait3A_351, %dma_wait3A_352] : memref<1024x200x128xf32, #tpu.memory_space<hbm>> -> memref<1x200x128xf32, #tpu.memory_space<hbm>>
        %dma_wait3A_354 = tpu.memref_squeeze %dma_wait3A_353 : memref<1x200x128xf32, #tpu.memory_space<hbm>> -> memref<200x128xf32, #tpu.memory_space<hbm>>
        %dma_wait3A_355 = arith.constant 0 : i32
        %dma_wait3A_356 = arith.constant 0 : i32
        %dma_wait3A_357 = tpu.memref_slice %dma_wait3A_354[%dma_wait3A_355, %dma_wait3A_356] : memref<200x128xf32, #tpu.memory_space<hbm>> -> memref<200x64xf32, #tpu.memory_space<hbm>>
        %dma_wait3A_358 = arith.constant 0 : i32
        %dma_wait3A_359 = arith.constant 0 : i32
        %dma_wait3A_360 = tpu.memref_slice %arg5[%add3A_350, %dma_wait3A_358, %dma_wait3A_359] : memref<1024x200x128xf32, #tpu.memory_space<hbm>> -> memref<1x200x128xf32, #tpu.memory_space<hbm>>
        %dma_wait3A_361 = tpu.memref_squeeze %dma_wait3A_360 : memref<1x200x128xf32, #tpu.memory_space<hbm>> -> memref<200x128xf32, #tpu.memory_space<hbm>>
        %dma_wait3A_362 = arith.constant 0 : i32
        %dma_wait3A_363 = arith.constant 0 : i32
        %dma_wait3A_364 = tpu.memref_slice %dma_wait3A_361[%dma_wait3A_362, %dma_wait3A_363] : memref<200x128xf32, #tpu.memory_space<hbm>> -> memref<200x64xf32, #tpu.memory_space<hbm>>
        tpu.wait_dma2 semaphore(%arg18 : memref<!tpu.dma_semaphore, #tpu.memory_space<semaphore_mem>>) src(%arg10 : memref<200x64xf32, #tpu.memory_space<vmem>>) dst(%dma_wait3A_364 : memref<200x64xf32, #tpu.memory_space<hbm>>)
        %scan3A_365 = arith.constant 0 : i32
        %scan3A_366 = arith.constant 0 : i32
        %scan3A_367 = arith.constant 50 : i32
        %scan3A_368 = arith.addi %scan3A_366, %scan3A_367 : i32
        %scan3A_369 = arith.constant 1 : i32
        scf.for %scan3A_393 = %scan3A_366 to %scan3A_368 step %scan3A_369  : i32 {
          %mul3A_394 = arith.constant 4 : i32
          %mul3A_395 = arith.muli %scan3A_393, %mul3A_394 : i32
          %add3A_396 = arith.constant 0 : i32
          %add3A_397 = arith.addi %mul3A_395, %add3A_396 : i32
          %get3A = arith.index_cast %add3A_397 : i32 to index
          %get3A_398 = arith.constant 0 : index
          %get3A_399 = tpu.vector_load %arg7[%get3A, %get3A_398] {strides = array<i32>} : memref<200x64xf32, #tpu.memory_space<vmem>>, vector<1x16xf32>,
          %get3A_400 = vector.shape_cast %get3A_399 : vector<1x16xf32> to vector<16xf32>
          %add3A_401 = arith.constant 0 : i32
          %add3A_402 = arith.addi %mul3A_395, %add3A_401 : i32
          %swap3A = arith.index_cast %add3A_402 : i32 to index
          %swap3A_403 = arith.constant 0 : index
          %swap3A_404 = tpu.vector_load %arg10[%swap3A, %swap3A_403] {strides = array<i32>} : memref<200x64xf32, #tpu.memory_space<vmem>>, vector<1x16xf32>,
          %swap3A_405 = vector.shape_cast %swap3A_404 : vector<1x16xf32> to vector<16xf32>
          %swap3A_406 = vector.shape_cast %get3A_400 : vector<16xf32> to vector<1x16xf32>
          tpu.vector_store %arg10[%swap3A, %swap3A_403], %swap3A_406 {strides = array<i32>} : memref<200x64xf32, #tpu.memory_space<vmem>>, vector<1x16xf32>,
          %add3A_407 = arith.constant 0 : i32
          %add3A_408 = arith.addi %mul3A_395, %add3A_407 : i32
          %get3A_409 = arith.index_cast %add3A_408 : i32 to index
          %get3A_410 = arith.constant 16 : index
          %get3A_411 = tpu.vector_load %arg7[%get3A_409, %get3A_410] {strides = array<i32>} : memref<200x64xf32, #tpu.memory_space<vmem>>, vector<1x16xf32>,
          %get3A_412 = vector.shape_cast %get3A_411 : vector<1x16xf32> to vector<16xf32>
          %add3A_413 = arith.constant 0 : i32
          %add3A_414 = arith.addi %mul3A_395, %add3A_413 : i32
          %swap3A_415 = arith.index_cast %add3A_414 : i32 to index
          %swap3A_416 = arith.constant 16 : index
          %swap3A_417 = tpu.vector_load %arg10[%swap3A_415, %swap3A_416] {strides = array<i32>} : memref<200x64xf32, #tpu.memory_space<vmem>>, vector<1x16xf32>,
          %swap3A_418 = vector.shape_cast %swap3A_417 : vector<1x16xf32> to vector<16xf32>
          %swap3A_419 = vector.shape_cast %get3A_412 : vector<16xf32> to vector<1x16xf32>
          tpu.vector_store %arg10[%swap3A_415, %swap3A_416], %swap3A_419 {strides = array<i32>} : memref<200x64xf32, #tpu.memory_space<vmem>>, vector<1x16xf32>,
          %add3A_420 = arith.constant 0 : i32
          %add3A_421 = arith.addi %mul3A_395, %add3A_420 : i32
          %get3A_422 = arith.index_cast %add3A_421 : i32 to index
          %get3A_423 = arith.constant 32 : index
          %get3A_424 = tpu.vector_load %arg7[%get3A_422, %get3A_423] {strides = array<i32>} : memref<200x64xf32, #tpu.memory_space<vmem>>, vector<1x16xf32>,
          %get3A_425 = vector.shape_cast %get3A_424 : vector<1x16xf32> to vector<16xf32>
          %add3A_426 = arith.constant 0 : i32
          %add3A_427 = arith.addi %mul3A_395, %add3A_426 : i32
          %swap3A_428 = arith.index_cast %add3A_427 : i32 to index
          %swap3A_429 = arith.constant 32 : index
          %swap3A_430 = tpu.vector_load %arg10[%swap3A_428, %swap3A_429] {strides = array<i32>} : memref<200x64xf32, #tpu.memory_space<vmem>>, vector<1x16xf32>,
          %swap3A_431 = vector.shape_cast %swap3A_430 : vector<1x16xf32> to vector<16xf32>
          %swap3A_432 = vector.shape_cast %get3A_425 : vector<16xf32> to vector<1x16xf32>
          tpu.vector_store %arg10[%swap3A_428, %swap3A_429], %swap3A_432 {strides = array<i32>} : memref<200x64xf32, #tpu.memory_space<vmem>>, vector<1x16xf32>,
          %add3A_433 = arith.constant 0 : i32
          %add3A_434 = arith.addi %mul3A_395, %add3A_433 : i32
          %get3A_435 = arith.index_cast %add3A_434 : i32 to index
          %get3A_436 = arith.constant 48 : index
          %get3A_437 = tpu.vector_load %arg7[%get3A_435, %get3A_436] {strides = array<i32>} : memref<200x64xf32, #tpu.memory_space<vmem>>, vector<1x16xf32>,
          %get3A_438 = vector.shape_cast %get3A_437 : vector<1x16xf32> to vector<16xf32>
          %add3A_439 = arith.constant 0 : i32
          %add3A_440 = arith.addi %mul3A_395, %add3A_439 : i32
          %swap3A_441 = arith.index_cast %add3A_440 : i32 to index
          %swap3A_442 = arith.constant 48 : index
          %swap3A_443 = tpu.vector_load %arg10[%swap3A_441, %swap3A_442] {strides = array<i32>} : memref<200x64xf32, #tpu.memory_space<vmem>>, vector<1x16xf32>,
          %swap3A_444 = vector.shape_cast %swap3A_443 : vector<1x16xf32> to vector<16xf32>
          %swap3A_445 = vector.shape_cast %get3A_438 : vector<16xf32> to vector<1x16xf32>
          tpu.vector_store %arg10[%swap3A_441, %swap3A_442], %swap3A_445 {strides = array<i32>} : memref<200x64xf32, #tpu.memory_space<vmem>>, vector<1x16xf32>,
          %add3A_446 = arith.constant 1 : i32
          %add3A_447 = arith.addi %mul3A_395, %add3A_446 : i32
          %get3A_448 = arith.index_cast %add3A_447 : i32 to index
          %get3A_449 = arith.constant 0 : index
          %get3A_450 = tpu.vector_load %arg7[%get3A_448, %get3A_449] {strides = array<i32>} : memref<200x64xf32, #tpu.memory_space<vmem>>, vector<1x16xf32>,
          %get3A_451 = vector.shape_cast %get3A_450 : vector<1x16xf32> to vector<16xf32>
          %add3A_452 = arith.constant 1 : i32
          %add3A_453 = arith.addi %mul3A_395, %add3A_452 : i32
          %swap3A_454 = arith.index_cast %add3A_453 : i32 to index
          %swap3A_455 = arith.constant 0 : index
          %swap3A_456 = tpu.vector_load %arg10[%swap3A_454, %swap3A_455] {strides = array<i32>} : memref<200x64xf32, #tpu.memory_space<vmem>>, vector<1x16xf32>,
          %swap3A_457 = vector.shape_cast %swap3A_456 : vector<1x16xf32> to vector<16xf32>
          %swap3A_458 = vector.shape_cast %get3A_451 : vector<16xf32> to vector<1x16xf32>
          tpu.vector_store %arg10[%swap3A_454, %swap3A_455], %swap3A_458 {strides = array<i32>} : memref<200x64xf32, #tpu.memory_space<vmem>>, vector<1x16xf32>,
          %add3A_459 = arith.constant 1 : i32
          %add3A_460 = arith.addi %mul3A_395, %add3A_459 : i32
          %get3A_461 = arith.index_cast %add3A_460 : i32 to index
          %get3A_462 = arith.constant 16 : index
          %get3A_463 = tpu.vector_load %arg7[%get3A_461, %get3A_462] {strides = array<i32>} : memref<200x64xf32, #tpu.memory_space<vmem>>, vector<1x16xf32>,
          %get3A_464 = vector.shape_cast %get3A_463 : vector<1x16xf32> to vector<16xf32>
          %add3A_465 = arith.constant 1 : i32
          %add3A_466 = arith.addi %mul3A_395, %add3A_465 : i32
          %swap3A_467 = arith.index_cast %add3A_466 : i32 to index
          %swap3A_468 = arith.constant 16 : index
          %swap3A_469 = tpu.vector_load %arg10[%swap3A_467, %swap3A_468] {strides = array<i32>} : memref<200x64xf32, #tpu.memory_space<vmem>>, vector<1x16xf32>,
          %swap3A_470 = vector.shape_cast %swap3A_469 : vector<1x16xf32> to vector<16xf32>
          %swap3A_471 = vector.shape_cast %get3A_464 : vector<16xf32> to vector<1x16xf32>
          tpu.vector_store %arg10[%swap3A_467, %swap3A_468], %swap3A_471 {strides = array<i32>} : memref<200x64xf32, #tpu.memory_space<vmem>>, vector<1x16xf32>,
          %add3A_472 = arith.constant 1 : i32
          %add3A_473 = arith.addi %mul3A_395, %add3A_472 : i32
          %get3A_474 = arith.index_cast %add3A_473 : i32 to index
          %get3A_475 = arith.constant 32 : index
          %get3A_476 = tpu.vector_load %arg7[%get3A_474, %get3A_475] {strides = array<i32>} : memref<200x64xf32, #tpu.memory_space<vmem>>, vector<1x16xf32>,
          %get3A_477 = vector.shape_cast %get3A_476 : vector<1x16xf32> to vector<16xf32>
          %add3A_478 = arith.constant 1 : i32
          %add3A_479 = arith.addi %mul3A_395, %add3A_478 : i32
          %swap3A_480 = arith.index_cast %add3A_479 : i32 to index
          %swap3A_481 = arith.constant 32 : index
          %swap3A_482 = tpu.vector_load %arg10[%swap3A_480, %swap3A_481] {strides = array<i32>} : memref<200x64xf32, #tpu.memory_space<vmem>>, vector<1x16xf32>,
          %swap3A_483 = vector.shape_cast %swap3A_482 : vector<1x16xf32> to vector<16xf32>
          %swap3A_484 = vector.shape_cast %get3A_477 : vector<16xf32> to vector<1x16xf32>
          tpu.vector_store %arg10[%swap3A_480, %swap3A_481], %swap3A_484 {strides = array<i32>} : memref<200x64xf32, #tpu.memory_space<vmem>>, vector<1x16xf32>,
          %add3A_485 = arith.constant 1 : i32
          %add3A_486 = arith.addi %mul3A_395, %add3A_485 : i32
          %get3A_487 = arith.index_cast %add3A_486 : i32 to index
          %get3A_488 = arith.constant 48 : index
          %get3A_489 = tpu.vector_load %arg7[%get3A_487, %get3A_488] {strides = array<i32>} : memref<200x64xf32, #tpu.memory_space<vmem>>, vector<1x16xf32>,
          %get3A_490 = vector.shape_cast %get3A_489 : vector<1x16xf32> to vector<16xf32>
          %add3A_491 = arith.constant 1 : i32
          %add3A_492 = arith.addi %mul3A_395, %add3A_491 : i32
          %swap3A_493 = arith.index_cast %add3A_492 : i32 to index
          %swap3A_494 = arith.constant 48 : index
          %swap3A_495 = tpu.vector_load %arg10[%swap3A_493, %swap3A_494] {strides = array<i32>} : memref<200x64xf32, #tpu.memory_space<vmem>>, vector<1x16xf32>,
          %swap3A_496 = vector.shape_cast %swap3A_495 : vector<1x16xf32> to vector<16xf32>
          %swap3A_497 = vector.shape_cast %get3A_490 : vector<16xf32> to vector<1x16xf32>
          tpu.vector_store %arg10[%swap3A_493, %swap3A_494], %swap3A_497 {strides = array<i32>} : memref<200x64xf32, #tpu.memory_space<vmem>>, vector<1x16xf32>,
          %add3A_498 = arith.constant 2 : i32
          %add3A_499 = arith.addi %mul3A_395, %add3A_498 : i32
          %get3A_500 = arith.index_cast %add3A_499 : i32 to index
          %get3A_501 = arith.constant 0 : index
          %get3A_502 = tpu.vector_load %arg7[%get3A_500, %get3A_501] {strides = array<i32>} : memref<200x64xf32, #tpu.memory_space<vmem>>, vector<1x16xf32>,
          %get3A_503 = vector.shape_cast %get3A_502 : vector<1x16xf32> to vector<16xf32>
          %add3A_504 = arith.constant 2 : i32
          %add3A_505 = arith.addi %mul3A_395, %add3A_504 : i32
          %swap3A_506 = arith.index_cast %add3A_505 : i32 to index
          %swap3A_507 = arith.constant 0 : index
          %swap3A_508 = tpu.vector_load %arg10[%swap3A_506, %swap3A_507] {strides = array<i32>} : memref<200x64xf32, #tpu.memory_space<vmem>>, vector<1x16xf32>,
          %swap3A_509 = vector.shape_cast %swap3A_508 : vector<1x16xf32> to vector<16xf32>
          %swap3A_510 = vector.shape_cast %get3A_503 : vector<16xf32> to vector<1x16xf32>
          tpu.vector_store %arg10[%swap3A_506, %swap3A_507], %swap3A_510 {strides = array<i32>} : memref<200x64xf32, #tpu.memory_space<vmem>>, vector<1x16xf32>,
          %add3A_511 = arith.constant 2 : i32
          %add3A_512 = arith.addi %mul3A_395, %add3A_511 : i32
          %get3A_513 = arith.index_cast %add3A_512 : i32 to index
          %get3A_514 = arith.constant 16 : index
          %get3A_515 = tpu.vector_load %arg7[%get3A_513, %get3A_514] {strides = array<i32>} : memref<200x64xf32, #tpu.memory_space<vmem>>, vector<1x16xf32>,
          %get3A_516 = vector.shape_cast %get3A_515 : vector<1x16xf32> to vector<16xf32>
          %add3A_517 = arith.constant 2 : i32
          %add3A_518 = arith.addi %mul3A_395, %add3A_517 : i32
          %swap3A_519 = arith.index_cast %add3A_518 : i32 to index
          %swap3A_520 = arith.constant 16 : index
          %swap3A_521 = tpu.vector_load %arg10[%swap3A_519, %swap3A_520] {strides = array<i32>} : memref<200x64xf32, #tpu.memory_space<vmem>>, vector<1x16xf32>,
          %swap3A_522 = vector.shape_cast %swap3A_521 : vector<1x16xf32> to vector<16xf32>
          %swap3A_523 = vector.shape_cast %get3A_516 : vector<16xf32> to vector<1x16xf32>
          tpu.vector_store %arg10[%swap3A_519, %swap3A_520], %swap3A_523 {strides = array<i32>} : memref<200x64xf32, #tpu.memory_space<vmem>>, vector<1x16xf32>,
          %add3A_524 = arith.constant 2 : i32
          %add3A_525 = arith.addi %mul3A_395, %add3A_524 : i32
          %get3A_526 = arith.index_cast %add3A_525 : i32 to index
          %get3A_527 = arith.constant 32 : index
          %get3A_528 = tpu.vector_load %arg7[%get3A_526, %get3A_527] {strides = array<i32>} : memref<200x64xf32, #tpu.memory_space<vmem>>, vector<1x16xf32>,
          %get3A_529 = vector.shape_cast %get3A_528 : vector<1x16xf32> to vector<16xf32>
          %add3A_530 = arith.constant 2 : i32
          %add3A_531 = arith.addi %mul3A_395, %add3A_530 : i32
          %swap3A_532 = arith.index_cast %add3A_531 : i32 to index
          %swap3A_533 = arith.constant 32 : index
          %swap3A_534 = tpu.vector_load %arg10[%swap3A_532, %swap3A_533] {strides = array<i32>} : memref<200x64xf32, #tpu.memory_space<vmem>>, vector<1x16xf32>,
          %swap3A_535 = vector.shape_cast %swap3A_534 : vector<1x16xf32> to vector<16xf32>
          %swap3A_536 = vector.shape_cast %get3A_529 : vector<16xf32> to vector<1x16xf32>
          tpu.vector_store %arg10[%swap3A_532, %swap3A_533], %swap3A_536 {strides = array<i32>} : memref<200x64xf32, #tpu.memory_space<vmem>>, vector<1x16xf32>,
          %add3A_537 = arith.constant 2 : i32
          %add3A_538 = arith.addi %mul3A_395, %add3A_537 : i32
          %get3A_539 = arith.index_cast %add3A_538 : i32 to index
          %get3A_540 = arith.constant 48 : index
          %get3A_541 = tpu.vector_load %arg7[%get3A_539, %get3A_540] {strides = array<i32>} : memref<200x64xf32, #tpu.memory_space<vmem>>, vector<1x16xf32>,
          %get3A_542 = vector.shape_cast %get3A_541 : vector<1x16xf32> to vector<16xf32>
          %add3A_543 = arith.constant 2 : i32
          %add3A_544 = arith.addi %mul3A_395, %add3A_543 : i32
          %swap3A_545 = arith.index_cast %add3A_544 : i32 to index
          %swap3A_546 = arith.constant 48 : index
          %swap3A_547 = tpu.vector_load %arg10[%swap3A_545, %swap3A_546] {strides = array<i32>} : memref<200x64xf32, #tpu.memory_space<vmem>>, vector<1x16xf32>,
          %swap3A_548 = vector.shape_cast %swap3A_547 : vector<1x16xf32> to vector<16xf32>
          %swap3A_549 = vector.shape_cast %get3A_542 : vector<16xf32> to vector<1x16xf32>
          tpu.vector_store %arg10[%swap3A_545, %swap3A_546], %swap3A_549 {strides = array<i32>} : memref<200x64xf32, #tpu.memory_space<vmem>>, vector<1x16xf32>,
          %add3A_550 = arith.constant 3 : i32
          %add3A_551 = arith.addi %mul3A_395, %add3A_550 : i32
          %get3A_552 = arith.index_cast %add3A_551 : i32 to index
          %get3A_553 = arith.constant 0 : index
          %get3A_554 = tpu.vector_load %arg7[%get3A_552, %get3A_553] {strides = array<i32>} : memref<200x64xf32, #tpu.memory_space<vmem>>, vector<1x16xf32>,
          %get3A_555 = vector.shape_cast %get3A_554 : vector<1x16xf32> to vector<16xf32>
          %add3A_556 = arith.constant 3 : i32
          %add3A_557 = arith.addi %mul3A_395, %add3A_556 : i32
          %swap3A_558 = arith.index_cast %add3A_557 : i32 to index
          %swap3A_559 = arith.constant 0 : index
          %swap3A_560 = tpu.vector_load %arg10[%swap3A_558, %swap3A_559] {strides = array<i32>} : memref<200x64xf32, #tpu.memory_space<vmem>>, vector<1x16xf32>,
          %swap3A_561 = vector.shape_cast %swap3A_560 : vector<1x16xf32> to vector<16xf32>
          %swap3A_562 = vector.shape_cast %get3A_555 : vector<16xf32> to vector<1x16xf32>
          tpu.vector_store %arg10[%swap3A_558, %swap3A_559], %swap3A_562 {strides = array<i32>} : memref<200x64xf32, #tpu.memory_space<vmem>>, vector<1x16xf32>,
          %add3A_563 = arith.constant 3 : i32
          %add3A_564 = arith.addi %mul3A_395, %add3A_563 : i32
          %get3A_565 = arith.index_cast %add3A_564 : i32 to index
          %get3A_566 = arith.constant 16 : index
          %get3A_567 = tpu.vector_load %arg7[%get3A_565, %get3A_566] {strides = array<i32>} : memref<200x64xf32, #tpu.memory_space<vmem>>, vector<1x16xf32>,
          %get3A_568 = vector.shape_cast %get3A_567 : vector<1x16xf32> to vector<16xf32>
          %add3A_569 = arith.constant 3 : i32
          %add3A_570 = arith.addi %mul3A_395, %add3A_569 : i32
          %swap3A_571 = arith.index_cast %add3A_570 : i32 to index
          %swap3A_572 = arith.constant 16 : index
          %swap3A_573 = tpu.vector_load %arg10[%swap3A_571, %swap3A_572] {strides = array<i32>} : memref<200x64xf32, #tpu.memory_space<vmem>>, vector<1x16xf32>,
          %swap3A_574 = vector.shape_cast %swap3A_573 : vector<1x16xf32> to vector<16xf32>
          %swap3A_575 = vector.shape_cast %get3A_568 : vector<16xf32> to vector<1x16xf32>
          tpu.vector_store %arg10[%swap3A_571, %swap3A_572], %swap3A_575 {strides = array<i32>} : memref<200x64xf32, #tpu.memory_space<vmem>>, vector<1x16xf32>,
          %add3A_576 = arith.constant 3 : i32
          %add3A_577 = arith.addi %mul3A_395, %add3A_576 : i32
          %get3A_578 = arith.index_cast %add3A_577 : i32 to index
          %get3A_579 = arith.constant 32 : index
          %get3A_580 = tpu.vector_load %arg7[%get3A_578, %get3A_579] {strides = array<i32>} : memref<200x64xf32, #tpu.memory_space<vmem>>, vector<1x16xf32>,
          %get3A_581 = vector.shape_cast %get3A_580 : vector<1x16xf32> to vector<16xf32>
          %add3A_582 = arith.constant 3 : i32
          %add3A_583 = arith.addi %mul3A_395, %add3A_582 : i32
          %swap3A_584 = arith.index_cast %add3A_583 : i32 to index
          %swap3A_585 = arith.constant 32 : index
          %swap3A_586 = tpu.vector_load %arg10[%swap3A_584, %swap3A_585] {strides = array<i32>} : memref<200x64xf32, #tpu.memory_space<vmem>>, vector<1x16xf32>,
          %swap3A_587 = vector.shape_cast %swap3A_586 : vector<1x16xf32> to vector<16xf32>
          %swap3A_588 = vector.shape_cast %get3A_581 : vector<16xf32> to vector<1x16xf32>
          tpu.vector_store %arg10[%swap3A_584, %swap3A_585], %swap3A_588 {strides = array<i32>} : memref<200x64xf32, #tpu.memory_space<vmem>>, vector<1x16xf32>,
          %add3A_589 = arith.constant 3 : i32
          %add3A_590 = arith.addi %mul3A_395, %add3A_589 : i32
          %get3A_591 = arith.index_cast %add3A_590 : i32 to index
          %get3A_592 = arith.constant 48 : index
          %get3A_593 = tpu.vector_load %arg7[%get3A_591, %get3A_592] {strides = array<i32>} : memref<200x64xf32, #tpu.memory_space<vmem>>, vector<1x16xf32>,
          %get3A_594 = vector.shape_cast %get3A_593 : vector<1x16xf32> to vector<16xf32>
          %add3A_595 = arith.constant 3 : i32
          %add3A_596 = arith.addi %mul3A_395, %add3A_595 : i32
          %swap3A_597 = arith.index_cast %add3A_596 : i32 to index
          %swap3A_598 = arith.constant 48 : index
          %swap3A_599 = tpu.vector_load %arg10[%swap3A_597, %swap3A_598] {strides = array<i32>} : memref<200x64xf32, #tpu.memory_space<vmem>>, vector<1x16xf32>,
          %swap3A_600 = vector.shape_cast %swap3A_599 : vector<1x16xf32> to vector<16xf32>
          %swap3A_601 = vector.shape_cast %get3A_594 : vector<16xf32> to vector<1x16xf32>
          tpu.vector_store %arg10[%swap3A_597, %swap3A_598], %swap3A_601 {strides = array<i32>} : memref<200x64xf32, #tpu.memory_space<vmem>>, vector<1x16xf32>,
        }
        %scan3A_370 = arith.constant 50 : i32
        %mul3A_371 = arith.constant 200 : i32
        %mul3A_372 = arith.muli %add3A_296, %mul3A_371 : i32
        %add3A_373 = arith.constant 0 : i32
        %add3A_374 = arith.addi %mul3A_372, %add3A_373 : i32
        %dma_start3A_375 = arith.constant 0 : i32
        %dma_start3A_376 = arith.constant 0 : i32
        %dma_start3A_377 = tpu.memref_slice %arg10[%dma_start3A_375, %dma_start3A_376] : memref<200x64xf32, #tpu.memory_space<vmem>> -> memref<104x64xf32, #tpu.memory_space<vmem>>
        %dma_start3A_378 = tpu.memref_slice %arg6[%add3A_374] : memref<6400xi32, #tpu.memory_space<vmem>> -> memref<104xi32, #tpu.memory_space<vmem>>
        %dma_start3A_379 = arith.constant 0 : i32
        %dma_start3A_380 = arith.constant 0 : i32
        %dma_start3A_381 = tpu.memref_slice %arg3[%dma_start3A_379, %dma_start3A_380] : memref<100352x64xf32, #tpu.memory_space<hbm>> -> memref<100352x64xf32, #tpu.memory_space<hbm>>
        tpu.enqueue_indirect_dma source(%dma_start3A_381 : memref<100352x64xf32, #tpu.memory_space<hbm>>) target(%dma_start3A_377 : memref<104x64xf32, #tpu.memory_space<vmem>>) offsets(%dma_start3A_378 : memref<104xi32, #tpu.memory_space<vmem>>) semaphore(%arg14 : memref<!tpu.dma_semaphore, #tpu.memory_space<semaphore_mem>>) {add = true}
        %mul3A_382 = arith.constant 200 : i32
        %mul3A_383 = arith.muli %add3A_296, %mul3A_382 : i32
        %add3A_384 = arith.constant 104 : i32
        %add3A_385 = arith.addi %mul3A_383, %add3A_384 : i32
        %dma_start3A_386 = arith.constant 104 : i32
        %dma_start3A_387 = arith.constant 0 : i32
        %dma_start3A_388 = tpu.memref_slice %arg10[%dma_start3A_386, %dma_start3A_387] : memref<200x64xf32, #tpu.memory_space<vmem>> -> memref<96x64xf32, #tpu.memory_space<vmem>>
        %dma_start3A_389 = tpu.memref_slice %arg6[%add3A_385] : memref<6400xi32, #tpu.memory_space<vmem>> -> memref<96xi32, #tpu.memory_space<vmem>>
        %dma_start3A_390 = arith.constant 0 : i32
        %dma_start3A_391 = arith.constant 0 : i32
        %dma_start3A_392 = tpu.memref_slice %arg3[%dma_start3A_390, %dma_start3A_391] : memref<100352x64xf32, #tpu.memory_space<hbm>> -> memref<100352x64xf32, #tpu.memory_space<hbm>>
        tpu.enqueue_indirect_dma source(%dma_start3A_392 : memref<100352x64xf32, #tpu.memory_space<hbm>>) target(%dma_start3A_388 : memref<96x64xf32, #tpu.memory_space<vmem>>) offsets(%dma_start3A_389 : memref<96xi32, #tpu.memory_space<vmem>>) semaphore(%arg14 : memref<!tpu.dma_semaphore, #tpu.memory_space<semaphore_mem>>) {add = true}
      } else {
      }
      %mul3A_302 = arith.constant 4 : i32
      %mul3A_303 = arith.muli %mul3A_302, %scan3A_160 : i32
      %add3A_304 = arith.constant 3 : i32
      %add3A_305 = arith.addi %mul3A_303, %add3A_304 : i32
      %mul3A_306 = arith.constant 200 : i32
      %mul3A_307 = arith.muli %add3A_305, %mul3A_306 : i32
      %add3A_308 = arith.constant 0 : i32
      %add3A_309 = arith.addi %mul3A_307, %add3A_308 : i32
      %dma_wait3A_310 = arith.constant 0 : i32
      %dma_wait3A_311 = arith.constant 0 : i32
      %dma_wait3A_312 = tpu.memref_slice %arg11[%dma_wait3A_310, %dma_wait3A_311] : memref<200x64xf32, #tpu.memory_space<vmem>> -> memref<104x64xf32, #tpu.memory_space<vmem>>
      %dma_wait3A_313 = tpu.memref_slice %arg6[%add3A_309] : memref<6400xi32, #tpu.memory_space<vmem>> -> memref<104xi32, #tpu.memory_space<vmem>>
      %dma_wait3A_314 = arith.constant 0 : i32
      %dma_wait3A_315 = arith.constant 0 : i32
      %dma_wait3A_316 = tpu.memref_slice %arg3[%dma_wait3A_314, %dma_wait3A_315] : memref<100352x64xf32, #tpu.memory_space<hbm>> -> memref<100352x64xf32, #tpu.memory_space<hbm>>
      tpu.wait_indirect_dma semaphore(%arg15 : memref<!tpu.dma_semaphore, #tpu.memory_space<semaphore_mem>>) src(%dma_wait3A_316 : memref<100352x64xf32, #tpu.memory_space<hbm>>) dst(%dma_wait3A_312 : memref<104x64xf32, #tpu.memory_space<vmem>>)
      %mul3A_317 = arith.constant 200 : i32
      %mul3A_318 = arith.muli %add3A_305, %mul3A_317 : i32
      %add3A_319 = arith.constant 104 : i32
      %add3A_320 = arith.addi %mul3A_318, %add3A_319 : i32
      %dma_wait3A_321 = arith.constant 104 : i32
      %dma_wait3A_322 = arith.constant 0 : i32
      %dma_wait3A_323 = tpu.memref_slice %arg11[%dma_wait3A_321, %dma_wait3A_322] : memref<200x64xf32, #tpu.memory_space<vmem>> -> memref<96x64xf32, #tpu.memory_space<vmem>>
      %dma_wait3A_324 = tpu.memref_slice %arg6[%add3A_320] : memref<6400xi32, #tpu.memory_space<vmem>> -> memref<96xi32, #tpu.memory_space<vmem>>
      %dma_wait3A_325 = arith.constant 0 : i32
      %dma_wait3A_326 = arith.constant 0 : i32
      %dma_wait3A_327 = tpu.memref_slice %arg3[%dma_wait3A_325, %dma_wait3A_326] : memref<100352x64xf32, #tpu.memory_space<hbm>> -> memref<100352x64xf32, #tpu.memory_space<hbm>>
      tpu.wait_indirect_dma semaphore(%arg15 : memref<!tpu.dma_semaphore, #tpu.memory_space<semaphore_mem>>) src(%dma_wait3A_327 : memref<100352x64xf32, #tpu.memory_space<hbm>>) dst(%dma_wait3A_323 : memref<96x64xf32, #tpu.memory_space<vmem>>)
      %add3A_328 = arith.addi %mul3A_2, %add3A_305 : i32
      %dma_start3A_329 = arith.constant 0 : i32
      %dma_start3A_330 = arith.constant 0 : i32
      %dma_start3A_331 = tpu.memref_slice %arg5[%add3A_328, %dma_start3A_329, %dma_start3A_330] : memref<1024x200x128xf32, #tpu.memory_space<hbm>> -> memref<1x200x128xf32, #tpu.memory_space<hbm>>
      %dma_start3A_332 = tpu.memref_squeeze %dma_start3A_331 : memref<1x200x128xf32, #tpu.memory_space<hbm>> -> memref<200x128xf32, #tpu.memory_space<hbm>>
      %dma_start3A_333 = arith.constant 0 : i32
      %dma_start3A_334 = arith.constant 0 : i32
      %dma_start3A_335 = tpu.memref_slice %dma_start3A_332[%dma_start3A_333, %dma_start3A_334] : memref<200x128xf32, #tpu.memory_space<hbm>> -> memref<200x64xf32, #tpu.memory_space<hbm>>
      %dma_start3A_336 = arith.constant 0 : i32
      %dma_start3A_337 = arith.constant 0 : i32
      %dma_start3A_338 = tpu.memref_slice %arg5[%add3A_328, %dma_start3A_336, %dma_start3A_337] : memref<1024x200x128xf32, #tpu.memory_space<hbm>> -> memref<1x200x128xf32, #tpu.memory_space<hbm>>
      %dma_start3A_339 = tpu.memref_squeeze %dma_start3A_338 : memref<1x200x128xf32, #tpu.memory_space<hbm>> -> memref<200x128xf32, #tpu.memory_space<hbm>>
      %dma_start3A_340 = arith.constant 0 : i32
      %dma_start3A_341 = arith.constant 0 : i32
      %dma_start3A_342 = tpu.memref_slice %dma_start3A_339[%dma_start3A_340, %dma_start3A_341] : memref<200x128xf32, #tpu.memory_space<hbm>> -> memref<200x64xf32, #tpu.memory_space<hbm>>
      tpu.enqueue_dma source(%arg11 : memref<200x64xf32, #tpu.memory_space<vmem>>) target(%dma_start3A_342 : memref<200x64xf32, #tpu.memory_space<hbm>>) target_semaphore(%arg19 : memref<!tpu.dma_semaphore, #tpu.memory_space<semaphore_mem>>)
      %add3A_343 = arith.constant 4 : i32
      %add3A_344 = arith.addi %add3A_305, %add3A_343 : i32
      %lt3A_345 = arith.constant 32 : i32
      %lt3A_346 = arith.cmpi slt, %add3A_344, %lt3A_345 : i32
      %convert_element_type3A_347 = arith.extui %lt3A_346 : i1 to i32
      %cond3A_348 = arith.constant 0 : i32
      %cond3A_349 = arith.cmpi ne, %convert_element_type3A_347, %cond3A_348 : i32
      scf.if %cond3A_349 {
        %add3A_350 = arith.addi %mul3A_2, %add3A_305 : i32
        %dma_wait3A_351 = arith.constant 0 : i32
        %dma_wait3A_352 = arith.constant 0 : i32
        %dma_wait3A_353 = tpu.memref_slice %arg5[%add3A_350, %dma_wait3A_351, %dma_wait3A_352] : memref<1024x200x128xf32, #tpu.memory_space<hbm>> -> memref<1x200x128xf32, #tpu.memory_space<hbm>>
        %dma_wait3A_354 = tpu.memref_squeeze %dma_wait3A_353 : memref<1x200x128xf32, #tpu.memory_space<hbm>> -> memref<200x128xf32, #tpu.memory_space<hbm>>
        %dma_wait3A_355 = arith.constant 0 : i32
        %dma_wait3A_356 = arith.constant 0 : i32
        %dma_wait3A_357 = tpu.memref_slice %dma_wait3A_354[%dma_wait3A_355, %dma_wait3A_356] : memref<200x128xf32, #tpu.memory_space<hbm>> -> memref<200x64xf32, #tpu.memory_space<hbm>>
        %dma_wait3A_358 = arith.constant 0 : i32
        %dma_wait3A_359 = arith.constant 0 : i32
        %dma_wait3A_360 = tpu.memref_slice %arg5[%add3A_350, %dma_wait3A_358, %dma_wait3A_359] : memref<1024x200x128xf32, #tpu.memory_space<hbm>> -> memref<1x200x128xf32, #tpu.memory_space<hbm>>
        %dma_wait3A_361 = tpu.memref_squeeze %dma_wait3A_360 : memref<1x200x128xf32, #tpu.memory_space<hbm>> -> memref<200x128xf32, #tpu.memory_space<hbm>>
        %dma_wait3A_362 = arith.constant 0 : i32
        %dma_wait3A_363 = arith.constant 0 : i32
        %dma_wait3A_364 = tpu.memref_slice %dma_wait3A_361[%dma_wait3A_362, %dma_wait3A_363] : memref<200x128xf32, #tpu.memory_space<hbm>> -> memref<200x64xf32, #tpu.memory_space<hbm>>
        tpu.wait_dma2 semaphore(%arg19 : memref<!tpu.dma_semaphore, #tpu.memory_space<semaphore_mem>>) src(%arg11 : memref<200x64xf32, #tpu.memory_space<vmem>>) dst(%dma_wait3A_364 : memref<200x64xf32, #tpu.memory_space<hbm>>)
        %scan3A_365 = arith.constant 0 : i32
        %scan3A_366 = arith.constant 0 : i32
        %scan3A_367 = arith.constant 50 : i32
        %scan3A_368 = arith.addi %scan3A_366, %scan3A_367 : i32
        %scan3A_369 = arith.constant 1 : i32
        scf.for %scan3A_393 = %scan3A_366 to %scan3A_368 step %scan3A_369  : i32 {
          %mul3A_394 = arith.constant 4 : i32
          %mul3A_395 = arith.muli %scan3A_393, %mul3A_394 : i32
          %add3A_396 = arith.constant 0 : i32
          %add3A_397 = arith.addi %mul3A_395, %add3A_396 : i32
          %get3A = arith.index_cast %add3A_397 : i32 to index
          %get3A_398 = arith.constant 0 : index
          %get3A_399 = tpu.vector_load %arg7[%get3A, %get3A_398] {strides = array<i32>} : memref<200x64xf32, #tpu.memory_space<vmem>>, vector<1x16xf32>,
          %get3A_400 = vector.shape_cast %get3A_399 : vector<1x16xf32> to vector<16xf32>
          %add3A_401 = arith.constant 0 : i32
          %add3A_402 = arith.addi %mul3A_395, %add3A_401 : i32
          %swap3A = arith.index_cast %add3A_402 : i32 to index
          %swap3A_403 = arith.constant 0 : index
          %swap3A_404 = tpu.vector_load %arg11[%swap3A, %swap3A_403] {strides = array<i32>} : memref<200x64xf32, #tpu.memory_space<vmem>>, vector<1x16xf32>,
          %swap3A_405 = vector.shape_cast %swap3A_404 : vector<1x16xf32> to vector<16xf32>
          %swap3A_406 = vector.shape_cast %get3A_400 : vector<16xf32> to vector<1x16xf32>
          tpu.vector_store %arg11[%swap3A, %swap3A_403], %swap3A_406 {strides = array<i32>} : memref<200x64xf32, #tpu.memory_space<vmem>>, vector<1x16xf32>,
          %add3A_407 = arith.constant 0 : i32
          %add3A_408 = arith.addi %mul3A_395, %add3A_407 : i32
          %get3A_409 = arith.index_cast %add3A_408 : i32 to index
          %get3A_410 = arith.constant 16 : index
          %get3A_411 = tpu.vector_load %arg7[%get3A_409, %get3A_410] {strides = array<i32>} : memref<200x64xf32, #tpu.memory_space<vmem>>, vector<1x16xf32>,
          %get3A_412 = vector.shape_cast %get3A_411 : vector<1x16xf32> to vector<16xf32>
          %add3A_413 = arith.constant 0 : i32
          %add3A_414 = arith.addi %mul3A_395, %add3A_413 : i32
          %swap3A_415 = arith.index_cast %add3A_414 : i32 to index
          %swap3A_416 = arith.constant 16 : index
          %swap3A_417 = tpu.vector_load %arg11[%swap3A_415, %swap3A_416] {strides = array<i32>} : memref<200x64xf32, #tpu.memory_space<vmem>>, vector<1x16xf32>,
          %swap3A_418 = vector.shape_cast %swap3A_417 : vector<1x16xf32> to vector<16xf32>
          %swap3A_419 = vector.shape_cast %get3A_412 : vector<16xf32> to vector<1x16xf32>
          tpu.vector_store %arg11[%swap3A_415, %swap3A_416], %swap3A_419 {strides = array<i32>} : memref<200x64xf32, #tpu.memory_space<vmem>>, vector<1x16xf32>,
          %add3A_420 = arith.constant 0 : i32
          %add3A_421 = arith.addi %mul3A_395, %add3A_420 : i32
          %get3A_422 = arith.index_cast %add3A_421 : i32 to index
          %get3A_423 = arith.constant 32 : index
          %get3A_424 = tpu.vector_load %arg7[%get3A_422, %get3A_423] {strides = array<i32>} : memref<200x64xf32, #tpu.memory_space<vmem>>, vector<1x16xf32>,
          %get3A_425 = vector.shape_cast %get3A_424 : vector<1x16xf32> to vector<16xf32>
          %add3A_426 = arith.constant 0 : i32
          %add3A_427 = arith.addi %mul3A_395, %add3A_426 : i32
          %swap3A_428 = arith.index_cast %add3A_427 : i32 to index
          %swap3A_429 = arith.constant 32 : index
          %swap3A_430 = tpu.vector_load %arg11[%swap3A_428, %swap3A_429] {strides = array<i32>} : memref<200x64xf32, #tpu.memory_space<vmem>>, vector<1x16xf32>,
          %swap3A_431 = vector.shape_cast %swap3A_430 : vector<1x16xf32> to vector<16xf32>
          %swap3A_432 = vector.shape_cast %get3A_425 : vector<16xf32> to vector<1x16xf32>
          tpu.vector_store %arg11[%swap3A_428, %swap3A_429], %swap3A_432 {strides = array<i32>} : memref<200x64xf32, #tpu.memory_space<vmem>>, vector<1x16xf32>,
          %add3A_433 = arith.constant 0 : i32
          %add3A_434 = arith.addi %mul3A_395, %add3A_433 : i32
          %get3A_435 = arith.index_cast %add3A_434 : i32 to index
          %get3A_436 = arith.constant 48 : index
          %get3A_437 = tpu.vector_load %arg7[%get3A_435, %get3A_436] {strides = array<i32>} : memref<200x64xf32, #tpu.memory_space<vmem>>, vector<1x16xf32>,
          %get3A_438 = vector.shape_cast %get3A_437 : vector<1x16xf32> to vector<16xf32>
          %add3A_439 = arith.constant 0 : i32
          %add3A_440 = arith.addi %mul3A_395, %add3A_439 : i32
          %swap3A_441 = arith.index_cast %add3A_440 : i32 to index
          %swap3A_442 = arith.constant 48 : index
          %swap3A_443 = tpu.vector_load %arg11[%swap3A_441, %swap3A_442] {strides = array<i32>} : memref<200x64xf32, #tpu.memory_space<vmem>>, vector<1x16xf32>,
          %swap3A_444 = vector.shape_cast %swap3A_443 : vector<1x16xf32> to vector<16xf32>
          %swap3A_445 = vector.shape_cast %get3A_438 : vector<16xf32> to vector<1x16xf32>
          tpu.vector_store %arg11[%swap3A_441, %swap3A_442], %swap3A_445 {strides = array<i32>} : memref<200x64xf32, #tpu.memory_space<vmem>>, vector<1x16xf32>,
          %add3A_446 = arith.constant 1 : i32
          %add3A_447 = arith.addi %mul3A_395, %add3A_446 : i32
          %get3A_448 = arith.index_cast %add3A_447 : i32 to index
          %get3A_449 = arith.constant 0 : index
          %get3A_450 = tpu.vector_load %arg7[%get3A_448, %get3A_449] {strides = array<i32>} : memref<200x64xf32, #tpu.memory_space<vmem>>, vector<1x16xf32>,
          %get3A_451 = vector.shape_cast %get3A_450 : vector<1x16xf32> to vector<16xf32>
          %add3A_452 = arith.constant 1 : i32
          %add3A_453 = arith.addi %mul3A_395, %add3A_452 : i32
          %swap3A_454 = arith.index_cast %add3A_453 : i32 to index
          %swap3A_455 = arith.constant 0 : index
          %swap3A_456 = tpu.vector_load %arg11[%swap3A_454, %swap3A_455] {strides = array<i32>} : memref<200x64xf32, #tpu.memory_space<vmem>>, vector<1x16xf32>,
          %swap3A_457 = vector.shape_cast %swap3A_456 : vector<1x16xf32> to vector<16xf32>
          %swap3A_458 = vector.shape_cast %get3A_451 : vector<16xf32> to vector<1x16xf32>
          tpu.vector_store %arg11[%swap3A_454, %swap3A_455], %swap3A_458 {strides = array<i32>} : memref<200x64xf32, #tpu.memory_space<vmem>>, vector<1x16xf32>,
          %add3A_459 = arith.constant 1 : i32
          %add3A_460 = arith.addi %mul3A_395, %add3A_459 : i32
          %get3A_461 = arith.index_cast %add3A_460 : i32 to index
          %get3A_462 = arith.constant 16 : index
          %get3A_463 = tpu.vector_load %arg7[%get3A_461, %get3A_462] {strides = array<i32>} : memref<200x64xf32, #tpu.memory_space<vmem>>, vector<1x16xf32>,
          %get3A_464 = vector.shape_cast %get3A_463 : vector<1x16xf32> to vector<16xf32>
          %add3A_465 = arith.constant 1 : i32
          %add3A_466 = arith.addi %mul3A_395, %add3A_465 : i32
          %swap3A_467 = arith.index_cast %add3A_466 : i32 to index
          %swap3A_468 = arith.constant 16 : index
          %swap3A_469 = tpu.vector_load %arg11[%swap3A_467, %swap3A_468] {strides = array<i32>} : memref<200x64xf32, #tpu.memory_space<vmem>>, vector<1x16xf32>,
          %swap3A_470 = vector.shape_cast %swap3A_469 : vector<1x16xf32> to vector<16xf32>
          %swap3A_471 = vector.shape_cast %get3A_464 : vector<16xf32> to vector<1x16xf32>
          tpu.vector_store %arg11[%swap3A_467, %swap3A_468], %swap3A_471 {strides = array<i32>} : memref<200x64xf32, #tpu.memory_space<vmem>>, vector<1x16xf32>,
          %add3A_472 = arith.constant 1 : i32
          %add3A_473 = arith.addi %mul3A_395, %add3A_472 : i32
          %get3A_474 = arith.index_cast %add3A_473 : i32 to index
          %get3A_475 = arith.constant 32 : index
          %get3A_476 = tpu.vector_load %arg7[%get3A_474, %get3A_475] {strides = array<i32>} : memref<200x64xf32, #tpu.memory_space<vmem>>, vector<1x16xf32>,
          %get3A_477 = vector.shape_cast %get3A_476 : vector<1x16xf32> to vector<16xf32>
          %add3A_478 = arith.constant 1 : i32
          %add3A_479 = arith.addi %mul3A_395, %add3A_478 : i32
          %swap3A_480 = arith.index_cast %add3A_479 : i32 to index
          %swap3A_481 = arith.constant 32 : index
          %swap3A_482 = tpu.vector_load %arg11[%swap3A_480, %swap3A_481] {strides = array<i32>} : memref<200x64xf32, #tpu.memory_space<vmem>>, vector<1x16xf32>,
          %swap3A_483 = vector.shape_cast %swap3A_482 : vector<1x16xf32> to vector<16xf32>
          %swap3A_484 = vector.shape_cast %get3A_477 : vector<16xf32> to vector<1x16xf32>
          tpu.vector_store %arg11[%swap3A_480, %swap3A_481], %swap3A_484 {strides = array<i32>} : memref<200x64xf32, #tpu.memory_space<vmem>>, vector<1x16xf32>,
          %add3A_485 = arith.constant 1 : i32
          %add3A_486 = arith.addi %mul3A_395, %add3A_485 : i32
          %get3A_487 = arith.index_cast %add3A_486 : i32 to index
          %get3A_488 = arith.constant 48 : index
          %get3A_489 = tpu.vector_load %arg7[%get3A_487, %get3A_488] {strides = array<i32>} : memref<200x64xf32, #tpu.memory_space<vmem>>, vector<1x16xf32>,
          %get3A_490 = vector.shape_cast %get3A_489 : vector<1x16xf32> to vector<16xf32>
          %add3A_491 = arith.constant 1 : i32
          %add3A_492 = arith.addi %mul3A_395, %add3A_491 : i32
          %swap3A_493 = arith.index_cast %add3A_492 : i32 to index
          %swap3A_494 = arith.constant 48 : index
          %swap3A_495 = tpu.vector_load %arg11[%swap3A_493, %swap3A_494] {strides = array<i32>} : memref<200x64xf32, #tpu.memory_space<vmem>>, vector<1x16xf32>,
          %swap3A_496 = vector.shape_cast %swap3A_495 : vector<1x16xf32> to vector<16xf32>
          %swap3A_497 = vector.shape_cast %get3A_490 : vector<16xf32> to vector<1x16xf32>
          tpu.vector_store %arg11[%swap3A_493, %swap3A_494], %swap3A_497 {strides = array<i32>} : memref<200x64xf32, #tpu.memory_space<vmem>>, vector<1x16xf32>,
          %add3A_498 = arith.constant 2 : i32
          %add3A_499 = arith.addi %mul3A_395, %add3A_498 : i32
          %get3A_500 = arith.index_cast %add3A_499 : i32 to index
          %get3A_501 = arith.constant 0 : index
          %get3A_502 = tpu.vector_load %arg7[%get3A_500, %get3A_501] {strides = array<i32>} : memref<200x64xf32, #tpu.memory_space<vmem>>, vector<1x16xf32>,
          %get3A_503 = vector.shape_cast %get3A_502 : vector<1x16xf32> to vector<16xf32>
          %add3A_504 = arith.constant 2 : i32
          %add3A_505 = arith.addi %mul3A_395, %add3A_504 : i32
          %swap3A_506 = arith.index_cast %add3A_505 : i32 to index
          %swap3A_507 = arith.constant 0 : index
          %swap3A_508 = tpu.vector_load %arg11[%swap3A_506, %swap3A_507] {strides = array<i32>} : memref<200x64xf32, #tpu.memory_space<vmem>>, vector<1x16xf32>,
          %swap3A_509 = vector.shape_cast %swap3A_508 : vector<1x16xf32> to vector<16xf32>
          %swap3A_510 = vector.shape_cast %get3A_503 : vector<16xf32> to vector<1x16xf32>
          tpu.vector_store %arg11[%swap3A_506, %swap3A_507], %swap3A_510 {strides = array<i32>} : memref<200x64xf32, #tpu.memory_space<vmem>>, vector<1x16xf32>,
          %add3A_511 = arith.constant 2 : i32
          %add3A_512 = arith.addi %mul3A_395, %add3A_511 : i32
          %get3A_513 = arith.index_cast %add3A_512 : i32 to index
          %get3A_514 = arith.constant 16 : index
          %get3A_515 = tpu.vector_load %arg7[%get3A_513, %get3A_514] {strides = array<i32>} : memref<200x64xf32, #tpu.memory_space<vmem>>, vector<1x16xf32>,
          %get3A_516 = vector.shape_cast %get3A_515 : vector<1x16xf32> to vector<16xf32>
          %add3A_517 = arith.constant 2 : i32
          %add3A_518 = arith.addi %mul3A_395, %add3A_517 : i32
          %swap3A_519 = arith.index_cast %add3A_518 : i32 to index
          %swap3A_520 = arith.constant 16 : index
          %swap3A_521 = tpu.vector_load %arg11[%swap3A_519, %swap3A_520] {strides = array<i32>} : memref<200x64xf32, #tpu.memory_space<vmem>>, vector<1x16xf32>,
          %swap3A_522 = vector.shape_cast %swap3A_521 : vector<1x16xf32> to vector<16xf32>
          %swap3A_523 = vector.shape_cast %get3A_516 : vector<16xf32> to vector<1x16xf32>
          tpu.vector_store %arg11[%swap3A_519, %swap3A_520], %swap3A_523 {strides = array<i32>} : memref<200x64xf32, #tpu.memory_space<vmem>>, vector<1x16xf32>,
          %add3A_524 = arith.constant 2 : i32
          %add3A_525 = arith.addi %mul3A_395, %add3A_524 : i32
          %get3A_526 = arith.index_cast %add3A_525 : i32 to index
          %get3A_527 = arith.constant 32 : index
          %get3A_528 = tpu.vector_load %arg7[%get3A_526, %get3A_527] {strides = array<i32>} : memref<200x64xf32, #tpu.memory_space<vmem>>, vector<1x16xf32>,
          %get3A_529 = vector.shape_cast %get3A_528 : vector<1x16xf32> to vector<16xf32>
          %add3A_530 = arith.constant 2 : i32
          %add3A_531 = arith.addi %mul3A_395, %add3A_530 : i32
          %swap3A_532 = arith.index_cast %add3A_531 : i32 to index
          %swap3A_533 = arith.constant 32 : index
          %swap3A_534 = tpu.vector_load %arg11[%swap3A_532, %swap3A_533] {strides = array<i32>} : memref<200x64xf32, #tpu.memory_space<vmem>>, vector<1x16xf32>,
          %swap3A_535 = vector.shape_cast %swap3A_534 : vector<1x16xf32> to vector<16xf32>
          %swap3A_536 = vector.shape_cast %get3A_529 : vector<16xf32> to vector<1x16xf32>
          tpu.vector_store %arg11[%swap3A_532, %swap3A_533], %swap3A_536 {strides = array<i32>} : memref<200x64xf32, #tpu.memory_space<vmem>>, vector<1x16xf32>,
          %add3A_537 = arith.constant 2 : i32
          %add3A_538 = arith.addi %mul3A_395, %add3A_537 : i32
          %get3A_539 = arith.index_cast %add3A_538 : i32 to index
          %get3A_540 = arith.constant 48 : index
          %get3A_541 = tpu.vector_load %arg7[%get3A_539, %get3A_540] {strides = array<i32>} : memref<200x64xf32, #tpu.memory_space<vmem>>, vector<1x16xf32>,
          %get3A_542 = vector.shape_cast %get3A_541 : vector<1x16xf32> to vector<16xf32>
          %add3A_543 = arith.constant 2 : i32
          %add3A_544 = arith.addi %mul3A_395, %add3A_543 : i32
          %swap3A_545 = arith.index_cast %add3A_544 : i32 to index
          %swap3A_546 = arith.constant 48 : index
          %swap3A_547 = tpu.vector_load %arg11[%swap3A_545, %swap3A_546] {strides = array<i32>} : memref<200x64xf32, #tpu.memory_space<vmem>>, vector<1x16xf32>,
          %swap3A_548 = vector.shape_cast %swap3A_547 : vector<1x16xf32> to vector<16xf32>
          %swap3A_549 = vector.shape_cast %get3A_542 : vector<16xf32> to vector<1x16xf32>
          tpu.vector_store %arg11[%swap3A_545, %swap3A_546], %swap3A_549 {strides = array<i32>} : memref<200x64xf32, #tpu.memory_space<vmem>>, vector<1x16xf32>,
          %add3A_550 = arith.constant 3 : i32
          %add3A_551 = arith.addi %mul3A_395, %add3A_550 : i32
          %get3A_552 = arith.index_cast %add3A_551 : i32 to index
          %get3A_553 = arith.constant 0 : index
          %get3A_554 = tpu.vector_load %arg7[%get3A_552, %get3A_553] {strides = array<i32>} : memref<200x64xf32, #tpu.memory_space<vmem>>, vector<1x16xf32>,
          %get3A_555 = vector.shape_cast %get3A_554 : vector<1x16xf32> to vector<16xf32>
          %add3A_556 = arith.constant 3 : i32
          %add3A_557 = arith.addi %mul3A_395, %add3A_556 : i32
          %swap3A_558 = arith.index_cast %add3A_557 : i32 to index
          %swap3A_559 = arith.constant 0 : index
          %swap3A_560 = tpu.vector_load %arg11[%swap3A_558, %swap3A_559] {strides = array<i32>} : memref<200x64xf32, #tpu.memory_space<vmem>>, vector<1x16xf32>,
          %swap3A_561 = vector.shape_cast %swap3A_560 : vector<1x16xf32> to vector<16xf32>
          %swap3A_562 = vector.shape_cast %get3A_555 : vector<16xf32> to vector<1x16xf32>
          tpu.vector_store %arg11[%swap3A_558, %swap3A_559], %swap3A_562 {strides = array<i32>} : memref<200x64xf32, #tpu.memory_space<vmem>>, vector<1x16xf32>,
          %add3A_563 = arith.constant 3 : i32
          %add3A_564 = arith.addi %mul3A_395, %add3A_563 : i32
          %get3A_565 = arith.index_cast %add3A_564 : i32 to index
          %get3A_566 = arith.constant 16 : index
          %get3A_567 = tpu.vector_load %arg7[%get3A_565, %get3A_566] {strides = array<i32>} : memref<200x64xf32, #tpu.memory_space<vmem>>, vector<1x16xf32>,
          %get3A_568 = vector.shape_cast %get3A_567 : vector<1x16xf32> to vector<16xf32>
          %add3A_569 = arith.constant 3 : i32
          %add3A_570 = arith.addi %mul3A_395, %add3A_569 : i32
          %swap3A_571 = arith.index_cast %add3A_570 : i32 to index
          %swap3A_572 = arith.constant 16 : index
          %swap3A_573 = tpu.vector_load %arg11[%swap3A_571, %swap3A_572] {strides = array<i32>} : memref<200x64xf32, #tpu.memory_space<vmem>>, vector<1x16xf32>,
          %swap3A_574 = vector.shape_cast %swap3A_573 : vector<1x16xf32> to vector<16xf32>
          %swap3A_575 = vector.shape_cast %get3A_568 : vector<16xf32> to vector<1x16xf32>
          tpu.vector_store %arg11[%swap3A_571, %swap3A_572], %swap3A_575 {strides = array<i32>} : memref<200x64xf32, #tpu.memory_space<vmem>>, vector<1x16xf32>,
          %add3A_576 = arith.constant 3 : i32
          %add3A_577 = arith.addi %mul3A_395, %add3A_576 : i32
          %get3A_578 = arith.index_cast %add3A_577 : i32 to index
          %get3A_579 = arith.constant 32 : index
          %get3A_580 = tpu.vector_load %arg7[%get3A_578, %get3A_579] {strides = array<i32>} : memref<200x64xf32, #tpu.memory_space<vmem>>, vector<1x16xf32>,
          %get3A_581 = vector.shape_cast %get3A_580 : vector<1x16xf32> to vector<16xf32>
          %add3A_582 = arith.constant 3 : i32
          %add3A_583 = arith.addi %mul3A_395, %add3A_582 : i32
          %swap3A_584 = arith.index_cast %add3A_583 : i32 to index
          %swap3A_585 = arith.constant 32 : index
          %swap3A_586 = tpu.vector_load %arg11[%swap3A_584, %swap3A_585] {strides = array<i32>} : memref<200x64xf32, #tpu.memory_space<vmem>>, vector<1x16xf32>,
          %swap3A_587 = vector.shape_cast %swap3A_586 : vector<1x16xf32> to vector<16xf32>
          %swap3A_588 = vector.shape_cast %get3A_581 : vector<16xf32> to vector<1x16xf32>
          tpu.vector_store %arg11[%swap3A_584, %swap3A_585], %swap3A_588 {strides = array<i32>} : memref<200x64xf32, #tpu.memory_space<vmem>>, vector<1x16xf32>,
          %add3A_589 = arith.constant 3 : i32
          %add3A_590 = arith.addi %mul3A_395, %add3A_589 : i32
          %get3A_591 = arith.index_cast %add3A_590 : i32 to index
          %get3A_592 = arith.constant 48 : index
          %get3A_593 = tpu.vector_load %arg7[%get3A_591, %get3A_592] {strides = array<i32>} : memref<200x64xf32, #tpu.memory_space<vmem>>, vector<1x16xf32>,
          %get3A_594 = vector.shape_cast %get3A_593 : vector<1x16xf32> to vector<16xf32>
          %add3A_595 = arith.constant 3 : i32
          %add3A_596 = arith.addi %mul3A_395, %add3A_595 : i32
          %swap3A_597 = arith.index_cast %add3A_596 : i32 to index
          %swap3A_598 = arith.constant 48 : index
          %swap3A_599 = tpu.vector_load %arg11[%swap3A_597, %swap3A_598] {strides = array<i32>} : memref<200x64xf32, #tpu.memory_space<vmem>>, vector<1x16xf32>,
          %swap3A_600 = vector.shape_cast %swap3A_599 : vector<1x16xf32> to vector<16xf32>
          %swap3A_601 = vector.shape_cast %get3A_594 : vector<16xf32> to vector<1x16xf32>
          tpu.vector_store %arg11[%swap3A_597, %swap3A_598], %swap3A_601 {strides = array<i32>} : memref<200x64xf32, #tpu.memory_space<vmem>>, vector<1x16xf32>,
        }
        %scan3A_370 = arith.constant 50 : i32
        %mul3A_371 = arith.constant 200 : i32
        %mul3A_372 = arith.muli %add3A_344, %mul3A_371 : i32
        %add3A_373 = arith.constant 0 : i32
        %add3A_374 = arith.addi %mul3A_372, %add3A_373 : i32
        %dma_start3A_375 = arith.constant 0 : i32
        %dma_start3A_376 = arith.constant 0 : i32
        %dma_start3A_377 = tpu.memref_slice %arg11[%dma_start3A_375, %dma_start3A_376] : memref<200x64xf32, #tpu.memory_space<vmem>> -> memref<104x64xf32, #tpu.memory_space<vmem>>
        %dma_start3A_378 = tpu.memref_slice %arg6[%add3A_374] : memref<6400xi32, #tpu.memory_space<vmem>> -> memref<104xi32, #tpu.memory_space<vmem>>
        %dma_start3A_379 = arith.constant 0 : i32
        %dma_start3A_380 = arith.constant 0 : i32
        %dma_start3A_381 = tpu.memref_slice %arg3[%dma_start3A_379, %dma_start3A_380] : memref<100352x64xf32, #tpu.memory_space<hbm>> -> memref<100352x64xf32, #tpu.memory_space<hbm>>
        tpu.enqueue_indirect_dma source(%dma_start3A_381 : memref<100352x64xf32, #tpu.memory_space<hbm>>) target(%dma_start3A_377 : memref<104x64xf32, #tpu.memory_space<vmem>>) offsets(%dma_start3A_378 : memref<104xi32, #tpu.memory_space<vmem>>) semaphore(%arg15 : memref<!tpu.dma_semaphore, #tpu.memory_space<semaphore_mem>>) {add = true}
        %mul3A_382 = arith.constant 200 : i32
        %mul3A_383 = arith.muli %add3A_344, %mul3A_382 : i32
        %add3A_384 = arith.constant 104 : i32
        %add3A_385 = arith.addi %mul3A_383, %add3A_384 : i32
        %dma_start3A_386 = arith.constant 104 : i32
        %dma_start3A_387 = arith.constant 0 : i32
        %dma_start3A_388 = tpu.memref_slice %arg11[%dma_start3A_386, %dma_start3A_387] : memref<200x64xf32, #tpu.memory_space<vmem>> -> memref<96x64xf32, #tpu.memory_space<vmem>>
        %dma_start3A_389 = tpu.memref_slice %arg6[%add3A_385] : memref<6400xi32, #tpu.memory_space<vmem>> -> memref<96xi32, #tpu.memory_space<vmem>>
        %dma_start3A_390 = arith.constant 0 : i32
        %dma_start3A_391 = arith.constant 0 : i32
        %dma_start3A_392 = tpu.memref_slice %arg3[%dma_start3A_390, %dma_start3A_391] : memref<100352x64xf32, #tpu.memory_space<hbm>> -> memref<100352x64xf32, #tpu.memory_space<hbm>>
        tpu.enqueue_indirect_dma source(%dma_start3A_392 : memref<100352x64xf32, #tpu.memory_space<hbm>>) target(%dma_start3A_388 : memref<96x64xf32, #tpu.memory_space<vmem>>) offsets(%dma_start3A_389 : memref<96xi32, #tpu.memory_space<vmem>>) semaphore(%arg15 : memref<!tpu.dma_semaphore, #tpu.memory_space<semaphore_mem>>) {add = true}
      } else {
      }
    }
    %scan3A_96 = arith.constant 8 : i32
    %add3A_97 = arith.constant 28 : i32
    %add3A_98 = arith.addi %mul3A_2, %add3A_97 : i32
    %dma_wait3A = arith.constant 0 : i32
    %dma_wait3A_99 = arith.constant 0 : i32
    %dma_wait3A_100 = tpu.memref_slice %arg5[%add3A_98, %dma_wait3A, %dma_wait3A_99] : memref<1024x200x128xf32, #tpu.memory_space<hbm>> -> memref<1x200x128xf32, #tpu.memory_space<hbm>>
    %dma_wait3A_101 = tpu.memref_squeeze %dma_wait3A_100 : memref<1x200x128xf32, #tpu.memory_space<hbm>> -> memref<200x128xf32, #tpu.memory_space<hbm>>
    %dma_wait3A_102 = arith.constant 0 : i32
    %dma_wait3A_103 = arith.constant 0 : i32
    %dma_wait3A_104 = tpu.memref_slice %dma_wait3A_101[%dma_wait3A_102, %dma_wait3A_103] : memref<200x128xf32, #tpu.memory_space<hbm>> -> memref<200x64xf32, #tpu.memory_space<hbm>>
    %dma_wait3A_105 = arith.constant 0 : i32
    %dma_wait3A_106 = arith.constant 0 : i32
    %dma_wait3A_107 = tpu.memref_slice %arg5[%add3A_98, %dma_wait3A_105, %dma_wait3A_106] : memref<1024x200x128xf32, #tpu.memory_space<hbm>> -> memref<1x200x128xf32, #tpu.memory_space<hbm>>
    %dma_wait3A_108 = tpu.memref_squeeze %dma_wait3A_107 : memref<1x200x128xf32, #tpu.memory_space<hbm>> -> memref<200x128xf32, #tpu.memory_space<hbm>>
    %dma_wait3A_109 = arith.constant 0 : i32
    %dma_wait3A_110 = arith.constant 0 : i32
    %dma_wait3A_111 = tpu.memref_slice %dma_wait3A_108[%dma_wait3A_109, %dma_wait3A_110] : memref<200x128xf32, #tpu.memory_space<hbm>> -> memref<200x64xf32, #tpu.memory_space<hbm>>
    tpu.wait_dma2 semaphore(%arg16 : memref<!tpu.dma_semaphore, #tpu.memory_space<semaphore_mem>>) src(%arg8 : memref<200x64xf32, #tpu.memory_space<vmem>>) dst(%dma_wait3A_111 : memref<200x64xf32, #tpu.memory_space<hbm>>)
    %add3A_112 = arith.constant 29 : i32
    %add3A_113 = arith.addi %mul3A_2, %add3A_112 : i32
    %dma_wait3A_114 = arith.constant 0 : i32
    %dma_wait3A_115 = arith.constant 0 : i32
    %dma_wait3A_116 = tpu.memref_slice %arg5[%add3A_113, %dma_wait3A_114, %dma_wait3A_115] : memref<1024x200x128xf32, #tpu.memory_space<hbm>> -> memref<1x200x128xf32, #tpu.memory_space<hbm>>
    %dma_wait3A_117 = tpu.memref_squeeze %dma_wait3A_116 : memref<1x200x128xf32, #tpu.memory_space<hbm>> -> memref<200x128xf32, #tpu.memory_space<hbm>>
    %dma_wait3A_118 = arith.constant 0 : i32
    %dma_wait3A_119 = arith.constant 0 : i32
    %dma_wait3A_120 = tpu.memref_slice %dma_wait3A_117[%dma_wait3A_118, %dma_wait3A_119] : memref<200x128xf32, #tpu.memory_space<hbm>> -> memref<200x64xf32, #tpu.memory_space<hbm>>
    %dma_wait3A_121 = arith.constant 0 : i32
    %dma_wait3A_122 = arith.constant 0 : i32
    %dma_wait3A_123 = tpu.memref_slice %arg5[%add3A_113, %dma_wait3A_121, %dma_wait3A_122] : memref<1024x200x128xf32, #tpu.memory_space<hbm>> -> memref<1x200x128xf32, #tpu.memory_space<hbm>>
    %dma_wait3A_124 = tpu.memref_squeeze %dma_wait3A_123 : memref<1x200x128xf32, #tpu.memory_space<hbm>> -> memref<200x128xf32, #tpu.memory_space<hbm>>
    %dma_wait3A_125 = arith.constant 0 : i32
    %dma_wait3A_126 = arith.constant 0 : i32
    %dma_wait3A_127 = tpu.memref_slice %dma_wait3A_124[%dma_wait3A_125, %dma_wait3A_126] : memref<200x128xf32, #tpu.memory_space<hbm>> -> memref<200x64xf32, #tpu.memory_space<hbm>>
    tpu.wait_dma2 semaphore(%arg17 : memref<!tpu.dma_semaphore, #tpu.memory_space<semaphore_mem>>) src(%arg9 : memref<200x64xf32, #tpu.memory_space<vmem>>) dst(%dma_wait3A_127 : memref<200x64xf32, #tpu.memory_space<hbm>>)
    %add3A_128 = arith.constant 30 : i32
    %add3A_129 = arith.addi %mul3A_2, %add3A_128 : i32
    %dma_wait3A_130 = arith.constant 0 : i32
    %dma_wait3A_131 = arith.constant 0 : i32
    %dma_wait3A_132 = tpu.memref_slice %arg5[%add3A_129, %dma_wait3A_130, %dma_wait3A_131] : memref<1024x200x128xf32, #tpu.memory_space<hbm>> -> memref<1x200x128xf32, #tpu.memory_space<hbm>>
    %dma_wait3A_133 = tpu.memref_squeeze %dma_wait3A_132 : memref<1x200x128xf32, #tpu.memory_space<hbm>> -> memref<200x128xf32, #tpu.memory_space<hbm>>
    %dma_wait3A_134 = arith.constant 0 : i32
    %dma_wait3A_135 = arith.constant 0 : i32
    %dma_wait3A_136 = tpu.memref_slice %dma_wait3A_133[%dma_wait3A_134, %dma_wait3A_135] : memref<200x128xf32, #tpu.memory_space<hbm>> -> memref<200x64xf32, #tpu.memory_space<hbm>>
    %dma_wait3A_137 = arith.constant 0 : i32
    %dma_wait3A_138 = arith.constant 0 : i32
    %dma_wait3A_139 = tpu.memref_slice %arg5[%add3A_129, %dma_wait3A_137, %dma_wait3A_138] : memref<1024x200x128xf32, #tpu.memory_space<hbm>> -> memref<1x200x128xf32, #tpu.memory_space<hbm>>
    %dma_wait3A_140 = tpu.memref_squeeze %dma_wait3A_139 : memref<1x200x128xf32, #tpu.memory_space<hbm>> -> memref<200x128xf32, #tpu.memory_space<hbm>>
    %dma_wait3A_141 = arith.constant 0 : i32
    %dma_wait3A_142 = arith.constant 0 : i32
    %dma_wait3A_143 = tpu.memref_slice %dma_wait3A_140[%dma_wait3A_141, %dma_wait3A_142] : memref<200x128xf32, #tpu.memory_space<hbm>> -> memref<200x64xf32, #tpu.memory_space<hbm>>
    tpu.wait_dma2 semaphore(%arg18 : memref<!tpu.dma_semaphore, #tpu.memory_space<semaphore_mem>>) src(%arg10 : memref<200x64xf32, #tpu.memory_space<vmem>>) dst(%dma_wait3A_143 : memref<200x64xf32, #tpu.memory_space<hbm>>)
    %add3A_144 = arith.constant 31 : i32
    %add3A_145 = arith.addi %mul3A_2, %add3A_144 : i32
    %dma_wait3A_146 = arith.constant 0 : i32
    %dma_wait3A_147 = arith.constant 0 : i32
    %dma_wait3A_148 = tpu.memref_slice %arg5[%add3A_145, %dma_wait3A_146, %dma_wait3A_147] : memref<1024x200x128xf32, #tpu.memory_space<hbm>> -> memref<1x200x128xf32, #tpu.memory_space<hbm>>
    %dma_wait3A_149 = tpu.memref_squeeze %dma_wait3A_148 : memref<1x200x128xf32, #tpu.memory_space<hbm>> -> memref<200x128xf32, #tpu.memory_space<hbm>>
    %dma_wait3A_150 = arith.constant 0 : i32
    %dma_wait3A_151 = arith.constant 0 : i32
    %dma_wait3A_152 = tpu.memref_slice %dma_wait3A_149[%dma_wait3A_150, %dma_wait3A_151] : memref<200x128xf32, #tpu.memory_space<hbm>> -> memref<200x64xf32, #tpu.memory_space<hbm>>
    %dma_wait3A_153 = arith.constant 0 : i32
    %dma_wait3A_154 = arith.constant 0 : i32
    %dma_wait3A_155 = tpu.memref_slice %arg5[%add3A_145, %dma_wait3A_153, %dma_wait3A_154] : memref<1024x200x128xf32, #tpu.memory_space<hbm>> -> memref<1x200x128xf32, #tpu.memory_space<hbm>>
    %dma_wait3A_156 = tpu.memref_squeeze %dma_wait3A_155 : memref<1x200x128xf32, #tpu.memory_space<hbm>> -> memref<200x128xf32, #tpu.memory_space<hbm>>
    %dma_wait3A_157 = arith.constant 0 : i32
    %dma_wait3A_158 = arith.constant 0 : i32
    %dma_wait3A_159 = tpu.memref_slice %dma_wait3A_156[%dma_wait3A_157, %dma_wait3A_158] : memref<200x128xf32, #tpu.memory_space<hbm>> -> memref<200x64xf32, #tpu.memory_space<hbm>>
    tpu.wait_dma2 semaphore(%arg19 : memref<!tpu.dma_semaphore, #tpu.memory_space<semaphore_mem>>) src(%arg11 : memref<200x64xf32, #tpu.memory_space<vmem>>) dst(%dma_wait3A_159 : memref<200x64xf32, #tpu.memory_space<hbm>>)
    return
  }
}

module attributes {stable_mosaic.version = 14 : i64} {
  func.func @_transpose_body(%arg0: i32, %arg1: memref<64x2048xf32, #tpu.memory_space<vmem>>, %arg2: memref<1024x128xf32, #tpu.memory_space<vmem>>) attributes {dimension_semantics = [#tpu.dimension_semantics<arbitrary>], iteration_bounds = array<i64: 49>, scalar_prefetch = 0 : i64, scratch_operands = 0 : i64, tpu.core_type = #tpu.core_type<tc>, window_params = [{transform_indices = @transform_0, window_bounds = array<i64: 64, 2048>}, {transform_indices = @transform_1, window_bounds = array<i64: 1024, 128>}]} {
    %get3A = arith.constant 0 : index
    %get3A_0 = arith.constant 0 : index
    %get3A_1 = vector.load %arg1[%get3A, %get3A_0] : memref<64x2048xf32, #tpu.memory_space<vmem>>, vector<64x2048xf32>
    %slice3A = vector.extract_strided_slice %get3A_1 {offsets = [0, 0], sizes = [64, 1024], strides = [1, 1]} : vector<64x2048xf32> to vector<64x1024xf32>
    %transpose3A = tpu.transpose %slice3A, [1, 0] : vector<64x1024xf32> -> vector<1024x64xf32>
    %slice3A_2 = vector.extract_strided_slice %get3A_1 {offsets = [0, 1024], sizes = [64, 1024], strides = [1, 1]} : vector<64x2048xf32> to vector<64x1024xf32>
    %transpose3A_3 = tpu.transpose %slice3A_2, [1, 0] : vector<64x1024xf32> -> vector<1024x64xf32>
    %concatenate3A = tpu.concatenate %transpose3A, %transpose3A_3 in 1 : vector<1024x64xf32>, vector<1024x64xf32> -> vector<1024x128xf32>
    %swap3A = arith.constant 0 : index
    %swap3A_4 = arith.constant 0 : index
    %swap3A_5 = vector.load %arg2[%swap3A, %swap3A_4] : memref<1024x128xf32, #tpu.memory_space<vmem>>, vector<1024x128xf32>
    tpu.vector_store %arg2[%swap3A, %swap3A_4], %concatenate3A {strides = array<i32>} : memref<1024x128xf32, #tpu.memory_space<vmem>>, vector<1024x128xf32>,
    return
  }
  func.func @transform_0(%arg0: i32) -> (i32, i32) {
    %c0_i32 = arith.constant 0 : i32
    %c0_i32_0 = arith.constant 0 : i32
    return %c0_i32, %arg0 : i32, i32
  }
  func.func @transform_1(%arg0: i32) -> (i32, i32) {
    %c0_i32 = arith.constant 0 : i32
    %c0_i32_0 = arith.constant 0 : i32
    return %arg0, %c0_i32 : i32, i32
  }
}

</mosaic_0001>

<sc_bundles>
// kernel: kernel.4.cloned.1.call-start
scs
__scs_entry_jumppad:
0x0: {  	(pc) =	sbr.rel $0x88, $3  }
0x1: {  	(tag) =	ssettag $0x0;
	lr =	simm.s32 $0x1  }
0x2: {  	[smem:$0x3F9E] =	sst lr;
	_ =	strace $0xD0000000  }
0x3: {  	_ = 	snop  }
0x4: {  	_ = 	snop  }
0x5: {  	_ = 	snop  }
0x6: {  	_ = 	snop  }
0x7: {  	_ = 	snop  }
__scs_overlays_trampoline_lowered:
0x8: {  	[smem:$0x3FAD] =	sst s0  }
0x9: {  	[smem:$0x3FAE] =	sst s1  }
0xa: {  	[smem:$0x3FAF] =	sst s2  }
0xb: {  	[smem:$0x3FB0] =	sst s3  }
0xc: {  	[smem:$0x3FB1] =	sst s4  }
0xd: {  	[smem:$0x3FB2] =	sst s5  }
0xe: {  	[smem:$0x3FB3] =	sst s6  }
0xf: {  	[smem:$0x3FB4] =	sst s7  }
0x10: {  	[smem:$0x3FB5] =	sst s8  }
0x11: {  	[smem:$0x3FB6] =	sst s9;
	s0 =	simm.s32 @!p0 $0x0  }
0x12: {  	s1 =	sld [smem:$0x3F9C];
	s0 =	simm.s32 @p0 $0x1  }
0x13: {  	[smem:$0x3FB7] =	sst s0;
	s0 =	simm.s32 @!p1 $0x0  }
0x14: {  	s2 =	sld [smem:$0x3F9B];
	s0 =	simm.s32 @p1 $0x1  }
0x15: {  	[smem:$0x3FB8] =	sst s0;
	s0 =	simm.s32 @!p2 $0x0  }
0x16: {  	s3 =	sld [smem:$0x3FDB];
	s0 =	simm.s32 @p2 $0x1  }
0x17: {  	s4 =	simm.s32 $0x1BF5;
	[smem:$0x3FBA] =	sst s0  }
0x18: {  	s0 =	sld [smem:$0x3F9D];
	_ =	swait.ge [sflag:s4], $0x0  }
0x19: {  	s7 =	sld [smem:$0x3F9E]  }
0x1a: {  	s8 =	sadd.s32 $0xFFFFE003, lr  }
0x1b: {  	s9 =	sadd.s32 $0xFFFFFEF7, lr;
	s5 =	simm.s32 $0xFFFFFFFF;
	p2 =	slt.u32 s8, $0xFFFFF086  }
0x1c: {  	p1 =	slt.u32 s9, $0xF7A;
	s5 =	simm.s32 @!p2 $0x0  }
0x1d: {  	s5 =	simm.s32 @p1 $0x1;
	p0 =	seq.s32 s7, s2  }
0x1e: {  	s7 =	smul.u32 @!p0 $0xF7A, s2;
	p2 =	seq.s32 @!p0 s5, $0x0  }
0x1f: {  	s9 =	smul.u32 $0xF7A, s1;
	s8 =	simm.s32 @!p0 $0x1BF5;
	p2 =	por !p2, p0  }
0x20: {  	[sflag:s8] =	ssyncset.s32 @!p0 $0xFFFFF086;
	s6 =	sadd.s32 @!p0 s3, s7;
	s7 =	simm.s32 @!p0 $0x108  }
0x21: {  	s3 =	sadd.s32 s3, s9;
	s6 =	sadd.s32 @!p0 $0x88, s6;
	s7 =	simm.s32 @p2 $0x1082  }
0x22: {  	[simem:s7], [sflag:s8] =	dma.local @!p0 [hbm:s6], $0xF7A  }
0x23: {  	s9 =	sor.u32 $0xD0000000, s2;
	s6 =	simm.s32 $0x108;
	_ =	swait.ge @!p0 [sflag:s8], $0x0  }
0x24: {  	s3 =	sadd.s32 $0x88, s3;
	s6 =	simm.s32 @!p1 $0x1082;
	[sflag:s4] =	ssyncset.s32 $0xFFFFF086  }
0x25: {  	[simem:s6], [sflag:s4] =	dma.local [hbm:s3], $0xF7A  }
0x26: {  	[smem:$0x3F9E] =	sst s1;
	(tag) =	ssettag s2;
	_ =	strace s9  }
0x27: {  	s1 =	sld [smem:$0x3FAE]  }
0x28: {  	s2 =	sld [smem:$0x3FAF]  }
0x29: {  	s4 =	sld [smem:$0x3FB1]  }
0x2a: {  	p0 =	seq.s32 s5, $0x0;
	s5 =	sld [smem:$0x3FB2]  }
0x2b: {  	s6 =	sld [smem:$0x3FB3]  }
0x2c: {  	s7 =	sld [smem:$0x3FB4]  }
0x2d: {  	s3 =	simm.s32 $0x108;
	s8 =	sld [smem:$0x3FB5]  }
0x2e: {  	s3 =	simm.s32 @!p0 $0x1082;
	s9 =	sld [smem:$0x3FB6]  }
0x2f: {  	lr =	sadd.s32 s0, s3;
	s0 =	sld [smem:$0x3FAD]  }
0x30: {  	s3 =	sld [smem:$0x3FB0]  }
0x31: {  	[smem:$0x3FB9] =	sst s10  }
0x32: {  	s10 =	sld [smem:$0x3FB7];
	_ =	sdelay $0x3  }
0x33: {  	p0 =	seq.s32 s10, $0x1;
	s10 =	sld [smem:$0x3FB9];
	_ =	sdelay $0x3  }
0x34: {  	[smem:$0x3FB9] =	sst s10  }
0x35: {  	s10 =	sld [smem:$0x3FB8];
	_ =	sdelay $0x3  }
0x36: {  	p1 =	seq.s32 s10, $0x1;
	s10 =	sld [smem:$0x3FB9];
	_ =	sdelay $0x3  }
0x37: {  	[smem:$0x3FB9] =	sst s10  }
0x38: {  	s10 =	sld [smem:$0x3FBA]  }
0x39: {  	_ = 	snop;
	(pc) =	sbr.ind lr, $3  }
0x3a: {  	_ = 	snop  }
0x3b: {  	_ = 	snop  }
0x3c: {  	p2 =	seq.s32 s10, $0x1;
	s10 =	sld [smem:$0x3FB9]  }
0x3d: {  	_ =	shalt  }
0x3e: {  	_ =	shalt  }
0x3f: {  	_ =	shalt  }
0x40: {  	_ =	shalt  }
0x41: {  	_ =	shalt  }
0x42: {  	_ =	shalt  }
0x43: {  	_ =	shalt  }
0x44: {  	_ =	shalt  }
0x45: {  	_ =	shalt  }
0x46: {  	_ =	shalt  }
0x47: {  	_ =	shalt  }
0x48: {  	_ =	shalt  }
0x49: {  	_ =	shalt  }
0x4a: {  	_ =	shalt  }
0x4b: {  	_ =	shalt  }
0x4c: {  	_ =	shalt  }
0x4d: {  	_ =	shalt  }
0x4e: {  	_ =	shalt  }
0x4f: {  	_ =	shalt  }
0x50: {  	_ =	shalt  }
0x51: {  	_ =	shalt  }
0x52: {  	_ =	shalt  }
0x53: {  	_ =	shalt  }
0x54: {  	_ =	shalt  }
0x55: {  	_ =	shalt  }
0x56: {  	_ =	shalt  }
0x57: {  	_ =	shalt  }
0x58: {  	_ =	shalt  }
0x59: {  	_ =	shalt  }
0x5a: {  	_ =	shalt  }
0x5b: {  	_ =	shalt  }
0x5c: {  	_ =	shalt  }
0x5d: {  	_ =	shalt  }
0x5e: {  	_ =	shalt  }
0x5f: {  	_ =	shalt  }
0x60: {  	_ =	shalt  }
0x61: {  	_ =	shalt  }
0x62: {  	_ =	shalt  }
0x63: {  	_ =	shalt  }
0x64: {  	_ =	shalt  }
0x65: {  	_ =	shalt  }
0x66: {  	_ =	shalt  }
0x67: {  	_ =	shalt  }
0x68: {  	_ =	shalt  }
0x69: {  	_ =	shalt  }
0x6a: {  	_ =	shalt  }
0x6b: {  	_ =	shalt  }
0x6c: {  	_ =	shalt  }
0x6d: {  	_ =	shalt  }
0x6e: {  	_ =	shalt  }
0x6f: {  	_ =	shalt  }
0x70: {  	_ =	shalt  }
0x71: {  	_ =	shalt  }
0x72: {  	_ =	shalt  }
0x73: {  	_ =	shalt  }
0x74: {  	_ =	shalt  }
0x75: {  	_ =	shalt  }
0x76: {  	_ =	shalt  }
0x77: {  	_ =	shalt  }
0x78: {  	_ =	shalt  }
0x79: {  	_ =	shalt  }
0x7a: {  	_ =	shalt  }
0x7b: {  	_ =	shalt  }
0x7c: {  	_ =	shalt  }
0x7d: {  	_ =	shalt  }
0x7e: {  	_ =	shalt  }
0x7f: {  	_ =	shalt  }
0x80: {  	_ =	shalt  }
0x81: {  	_ =	shalt  }
0x82: {  	_ =	shalt  }
0x83: {  	_ =	shalt  }
0x84: {  	_ =	shalt  }
0x85: {  	_ =	shalt  }
0x86: {  	_ =	shalt  }
0x87: {  	_ =	shalt  }
.Lfunc_end0:
.L_simem_size_0:
called_computation.1_lowered:
.L_overlay_start_0:
0x88: {  	s2 =	sld [smem:$0x3FD9]  }
0x89: {  	s3 =	sld [smem:$0x3FFE];
	_ =	sdelay $0x1  }
0x8a: {  	s1 =	srdreg.scid  }
0x8b: {  	s0 =	sand.u32 $0x1, s1  }
0x8c: {  	s17 =	sshll.u32 s0, $0xA;
	s2 =	sadd.s32 s3, s2  }
0x8d: {  	s2 =	sadd.s32 s2, s17  }
0x8e: {  	[smem:$0x3FC5] =	sst s2  }
0x8f: {  	_ = 	snop  }
0x90: {  	s2 =	sld [smem:$0x3FD0];
	(tm) =	ssettm $0x1  }
0x91: {  	s18 =	sld [smem:$0x3FFB];
	_ =	sdelay $0x3  }
0x92: {  	_ =	strace s18  }
0x93: {  	s3 =	sld [smem:$0x3FFC];
	_ =	sdelay $0x3  }
0x94: {  	_ =	strace s3  }
0x95: {  	s3 =	sld [smem:$0x3FFD];
	_ =	sdelay $0x3  }
0x96: {  	_ =	strace s3  }
0x97: {  	_ =	strace $0x8FFFFFFF  }
0x98: {  	s19 =	sld [smem:$0x3FDB];
	_ =	sdelay $0x1  }
0x99: {  	s4 =	simm.s32 $_scs_section_size  }
0x9a: {  	s5 =	simm.s32 $_size__tile_overlayer_lowered;
	s6 =	simm.s32 $_tile_overlayer_lowered  }
0x9b: {  	s22 =	simm.s32 $0x1BFF;
	s21 =	sshll.u32 s6, $0x1;
	s3 =	sadd.s32 s4, s19  }
0x9c: {  	s7 =	simm.s32 $0x0;
	s20 =	sshll.u32 s5, $0x1;
	s5 =	sadd.s32 s21, s3  }
0x9d: {  	[timem:s7], [sflag:s22] =	dma.local [hbm:s5], s20  }
0x9e: {  	_ =	swait.ge [sflag:s22], s20  }
0x9f: {  	s4 =	ssub.s32 $0x0, s20;
	[sflag:s22] =	ssyncset.done $0x0  }
0xa0: {  	[sflag:s22] =	ssyncadd.s32 s4;
	_ =	sdelay $0x1  }
0xa1: {  	s23 =	simm.s32 $0x1B8B  }
0xa2: {  	_ =	swait.ge [sflag:s23], $0x1  }
0xa3: {  	[sflag:s23] =	ssyncset.done $0x0  }
0xa4: {  	s25 =	simm.s32 $0x1B8E;
	s24 =	sld [smem:$0x3FFE];
	[sflag:s23] =	ssyncadd.s32 $0xFFFFFFFF  }
0xa5: {  	s26 =	simm.s32 $execute0_lowered;
	[smem:$0x3FD2] =	sst s25  }
0xa6: {  	s5 =	sshll.u32 s26, $0x1;
	_ =	strace $0x80000046;
	[dreg:$0x1] =	wrdreg $0xFFFFFFFF  }
0xa7: {  	s28 =	simm.s32 $_size_execute0_lowered;
	s3 =	sadd.s32 s3, s5;
	[dreg:$0x0] =	wrdreg $0x0  }
0xa8: {  	s5 =	sshll.u32 s28, $0x1;
	[dreg:$0x2] =	wrdreg s3  }
0xa9: {  	[dreg:$0x3] =	wrdreg s5  }
0xaa: {  	[dreg:$0x4] =	wrdreg $0xC0  }
0xab: {  	_ =	task [dreg:s7], $0x5FFFF  }
0xac: {  	[dreg:$0x1] =	wrdreg $0xFFFFFFFF  }
0xad: {  	[dreg:$0x0] =	wrdreg $0x60  }
0xae: {  	[dreg:$0x2] =	wrdreg s24  }
0xaf: {  	[dreg:$0x3] =	wrdreg s2  }
0xb0: {  	[dreg:$0x4] =	wrdreg $0x9  }
0xb1: {  	_ =	task.clear_ibuf [dreg:s7], $0x5FFFF;
	_ =	strace $0x90000046  }
0xb2: {  	s29 =	simm.s32 $0x9;
	_ =	strace $0x80000048  }
0xb3: {  	_ =	swait.ge [sflag:s29], $0x1  }
0xb4: {  	[sflag:s29] =	ssyncadd.s32 $0xFFFFFFFF  }
0xb5: {  	_ =	strace $0x90000048  }
0xb6: {  	_ =	sfence  }
0xb7: {  	s30 =	sld [smem:$0x0];
	_ =	sdelay $0x2  }
0xb8: {  	s31 =	sshll.u32 s1, $0xD;
	s1 =	sshrl.u32 s1, $0x2  }
0xb9: {  	s3 =	sand.u32 $0x4000, s31;
	s1 =	sadd.s32 s1, s30  }
0xba: {  	s0 =	sor.u32 s3, s0;
	s1 =	sshll.u32 s1, $0x11  }
0xbb: {  	s0 =	sor.u32 s1, s0  }
0xbc: {  	s0 =	sadd.s32 $0x8F2B, s0  }
0xbd: {  	[sflag:s0] =	ssyncadd.remote.s32 $0x1  }
0xbe: {  	_ =	sfence.sel $0xFFFF  }
0xbf: {  	[dreg:$0x0] =	wrdreg $0xFFFFFFFF;
	(pc) =	sbr.abs _section_cstart, $3  }
0xc0: {  	[dreg:$0x1] =	wrdreg $0xFFFFFFFF  }
0xc1: {  	_ =	task.clear_ibuf [dreg:s7], $0x2FFFF;
	_ =	strace $0x9FFFFFFF  }
0xc2: {  	(tm) =	ssettm $0x7FFFFFFF  }
0xc3: {  	_ =	shalt  }
tec
execute0_lowered:
.L_overlay_start_1:
0x0: {  	(tag) =	ssettag $0x1  }
0x1: {  	s0 =	srdreg.scid  }
0x2: {  	s2 =	stileid.u32;
	s1 =	rddreg [dreg:$0x0]  }
0x3: {  	s5 =	simm.s32 $0x0;
	s9 =	simm.s32 $0x9;
	s11 =	simm.s32 $0x68  }
0x4: {  	s12 =	simm.s32 $0x4B00;
	s13 =	simm.s32 $0x60;
	s14 =	simm.s32 $0x6500  }
0x5: {  	s16 =	simm.s32 $0x7D00;
	s18 =	simm.s32 $0x9700;
	s20 =	simm.s32 $0xAF00  }
0x6: {  	s22 =	simm.s32 $0xC900;
	s28 =	simm.s32 $0x1;
	s29 =	simm.s32 $0x40  }
0x7: {  	s30 =	simm.s32 $0x80;
	s31 =	simm.s32 $0x2;
	s10 =	simm.s32 $0x5  }
0x8: {  	s15 =	simm.s32 $0x6;
	s17 =	simm.s32 $0x7;
	s19 =	simm.s32 $0x8  }
0x9: {  	s0 =	sand.u32 $0x1, s0;
	s3 =	sshll.u32 s2, $0x1;
	s2 =	rddreg [dreg:$0x1]  }
0xa: {  	s21 =	simm.s32 $0x0;
	[smem:$0x7FF] =	sst s5;
	s3 =	sor.u32 s0, s3  }
0xb: {  	s24 =	sadd.s32 $0x800, s1;
	s5 =	sadd.s32 $0x7400, s1;
	s4 =	smul.u32 $0x320, s3  }
.Ltmp0:
0xc: {  	_ =	strace $0x80000047;
	s0 =	ssub.s32 $0x2, s0;
	(pc) =	sbr.rel .LBB2_1-.Ltmp0, $4  }
0xd: {  	[dreg:$0x3] =	wrdreg s24;
	s24 =	simm.s32 $0xE100;
	s25 =	sshrl.u32 s0, $0x1  }
0xe: {  	s6 =	sshll.u32 s3, $0x5;
	s0 =	ssub.s32 s0, s25;
	s4 =	sadd.s32 s4, s1  }
0xf: {  	s8 =	smax.u32 s0, $0x1;
	s1 =	simm.s32 $0x3;
	s26 =	sadd.s32 $0x1000, s4  }
0x10: {  	s0 =	simm.s32 $0x4;
	[dreg:$0x4] =	wrdreg s26;
	s26 =	simm.s32 $0xFB00  }
.LBB2_26:
0x11: {  	_ =	swait.ge [sflag:s10], $0x3200  }
0x12: {  	[sflag:s10] =	ssyncset.done $0x0  }
0x13: {  	[sflag:s10] =	ssyncadd.s32 $0xFFFFCE00  }
0x14: {  	_ =	swait.ge [sflag:s15], $0x3200  }
0x15: {  	[sflag:s15] =	ssyncset.done $0x0  }
0x16: {  	s21 =	sadd.s32 $0x1, s21;
	[sflag:s15] =	ssyncadd.s32 $0xFFFFCE00  }
0x17: {  	p0 =	sne.s32 s21, s8;
	_ =	swait.ge [sflag:s17], $0x3200  }
.Ltmp1:
0x18: {  	[sflag:s17] =	ssyncset.done $0x0;
	(pc) =	sbr.rel @!p0 .LBB2_27-.Ltmp1, $4  }
0x19: {  	[sflag:s17] =	ssyncadd.s32 $0xFFFFCE00  }
0x1a: {  	_ =	swait.ge [sflag:s19], $0x3200  }
0x1b: {  	[sflag:s19] =	ssyncset.done $0x0  }
0x1c: {  	[sflag:s19] =	ssyncadd.s32 $0xFFFFCE00  }
.LBB2_1:
0x1d: {  	s3 =	simm.s32 $0x0;
	s4 =	rddreg [dreg:$0x4]  }
0x1e: {  	[tilespmem:s3], [sflag:$0x9] =	stream.linear.gather [hbm4b:s4+s3], $0x1900, $0x38;
	[tilespmem:$0x11300] =	vst v63  }
0x1f: {  	_ =	swait.ge [sflag:s9], $0x1900  }
0x20: {  	[sflag:s9] =	ssyncset.done $0x0  }
0x21: {  	s7 =	simm.s32 $0x1900;
	s25 =	rddreg [dreg:$0x3];
	[sflag:s9] =	ssyncadd.s32 $0xFFFFE700  }
0x22: {  	[tilespmem:s7], [sflag:$0x9] =	stream.linear.gather [hbm4b:s25+s3], $0x3200, $0x38;
	[tilespmem:$0x11300] =	vst v63  }
0x23: {  	_ =	swait.ge [sflag:s9], $0x3200  }
0x24: {  	[sflag:s9] =	ssyncset.done $0x0  }
0x25: {  	s23 =	simm.s32 $0x0;
	[sflag:s9] =	ssyncadd.s32 $0xFFFFCE00  }
0x26: {  	v0 =	vld [tilespmem:s23+$0x19F0]  }
0x27: {  	v1 =	vld [tilespmem:s23+$0x1900]  }
0x28: {  	v2 =	vld [tilespmem:s23+$0x1910]  }
0x29: {  	v3 =	vld [tilespmem:s23+$0x1920]  }
0x2a: {  	v4 =	vld [tilespmem:s23+$0x1930]  }
0x2b: {  	v5 =	vld [tilespmem:s23+$0x1940];
	[tilespmem:s23+$0x4BF0] =	vst v0  }
0x2c: {  	[tilespmem:s23+$0x4B00] =	vst v1;
	v0 =	vld [tilespmem:s23+$0x1950]  }
0x2d: {  	[tilespmem:s23+$0x4B10] =	vst v2;
	v1 =	vld [tilespmem:s23+$0x1960]  }
0x2e: {  	[tilespmem:s23+$0x4B20] =	vst v3;
	v2 =	vld [tilespmem:s23+$0x1970]  }
0x2f: {  	[tilespmem:s23+$0x4B30] =	vst v4;
	v3 =	vld [tilespmem:s23+$0x1980]  }
0x30: {  	[tilespmem:s23+$0x4B40] =	vst v5;
	v4 =	vld [tilespmem:s23+$0x1990]  }
0x31: {  	[tilespmem:s23+$0x4B50] =	vst v0;
	v0 =	vld [tilespmem:s23+$0x19A0]  }
0x32: {  	[tilespmem:s23+$0x4B60] =	vst v1;
	v1 =	vld [tilespmem:s23+$0x19B0]  }
0x33: {  	[tilespmem:s23+$0x4B70] =	vst v2;
	v2 =	vld [tilespmem:s23+$0x19C0]  }
0x34: {  	[tilespmem:s23+$0x4B80] =	vst v3;
	v3 =	vld [tilespmem:s23+$0x19D0]  }
0x35: {  	s4 =	simm.s32 $0x800;
	s3 =	simm.s32 $0x100;
	[tilespmem:s23+$0x4B90] =	vst v4;
	v4 =	vld [tilespmem:s23+$0x19E0]  }
.LBB2_2:
0x36: {  	p0 =	sne.s32 s4, $0xC400;
	v5 =	vld [tilespmem:s3+$0x19F0];
	[tilespmem:s23+$0x4BA0] =	vst v0  }
0x37: {  	v0 =	vld [tilespmem:s3+$0x1900];
	[tilespmem:s23+$0x4BB0] =	vst v1  }
0x38: {  	v1 =	vld [tilespmem:s3+$0x1910];
	[tilespmem:s23+$0x4BC0] =	vst v2  }
0x39: {  	v2 =	vld [tilespmem:s3+$0x1920];
	[tilespmem:s23+$0x4BD0] =	vst v3  }
0x3a: {  	v3 =	vld [tilespmem:s3+$0x1930];
	[tilespmem:s23+$0x4BE0] =	vst v4;
	s23 =	smov.u32 s3  }
0x3b: {  	v4 =	vld [tilespmem:s23+$0x1940];
	[tilespmem:s23+$0x4BF0] =	vst v5  }
0x3c: {  	[tilespmem:s23+$0x4B00] =	vst v0;
	v0 =	vld [tilespmem:s23+$0x1950]  }
0x3d: {  	[tilespmem:s23+$0x4B10] =	vst v1;
	v1 =	vld [tilespmem:s23+$0x1960]  }
0x3e: {  	[tilespmem:s23+$0x4B20] =	vst v2;
	v2 =	vld [tilespmem:s23+$0x1970]  }
0x3f: {  	[tilespmem:s23+$0x4B30] =	vst v3;
	v3 =	vld [tilespmem:s23+$0x1980]  }
0x40: {  	[tilespmem:s23+$0x4B40] =	vst v4;
	v4 =	vld [tilespmem:s23+$0x1990]  }
.Ltmp2:
0x41: {  	[tilespmem:s23+$0x4B50] =	vst v0;
	v0 =	vld [tilespmem:s23+$0x19A0];
	(pc) =	sbr.rel @p0 .LBB2_2-.Ltmp2, $4  }
0x42: {  	[tilespmem:s23+$0x4B60] =	vst v1;
	v1 =	vld [tilespmem:s23+$0x19B0]  }
0x43: {  	[tilespmem:s23+$0x4B70] =	vst v2;
	v2 =	vld [tilespmem:s23+$0x19C0]  }
0x44: {  	[tilespmem:s23+$0x4B80] =	vst v3;
	v3 =	vld [tilespmem:s23+$0x19D0]  }
0x45: {  	s3 =	sshra.s32 s4, $0x2;
	s4 =	sadd.s32 $0x400, s4;
	[tilespmem:s23+$0x4B90] =	vst v4;
	v4 =	vld [tilespmem:s23+$0x19E0]  }
0x46: {  	v5 =	vld [tilespmem:s3+$0x19F0];
	[tilespmem:s23+$0x4BA0] =	vst v0  }
0x47: {  	v0 =	vld [tilespmem:s3+$0x1900];
	[tilespmem:s23+$0x4BB0] =	vst v1  }
0x48: {  	v1 =	vld [tilespmem:s3+$0x1910];
	[tilespmem:s23+$0x4BC0] =	vst v2  }
0x49: {  	v2 =	vld [tilespmem:s3+$0x1920];
	[tilespmem:s23+$0x4BD0] =	vst v3  }
0x4a: {  	v3 =	vld [tilespmem:s3+$0x1930];
	[tilespmem:s23+$0x4BE0] =	vst v4  }
0x4b: {  	v4 =	vld [tilespmem:s3+$0x1940];
	[tilespmem:s3+$0x4BF0] =	vst v5  }
0x4c: {  	[tilespmem:s3+$0x4B00] =	vst v0;
	v0 =	vld [tilespmem:s3+$0x1950]  }
0x4d: {  	[tilespmem:s3+$0x4B10] =	vst v1;
	v1 =	vld [tilespmem:s3+$0x1960]  }
0x4e: {  	[tilespmem:s3+$0x4B20] =	vst v2;
	v2 =	vld [tilespmem:s3+$0x1970]  }
0x4f: {  	[tilespmem:s3+$0x4B30] =	vst v3;
	v3 =	vld [tilespmem:s3+$0x1980]  }
0x50: {  	[tilespmem:s3+$0x4B40] =	vst v4;
	v4 =	vld [tilespmem:s3+$0x1990]  }
0x51: {  	[tilespmem:s3+$0x4B50] =	vst v0;
	v0 =	vld [tilespmem:s3+$0x19A0]  }
0x52: {  	[tilespmem:s3+$0x4B60] =	vst v1;
	v1 =	vld [tilespmem:s3+$0x19B0]  }
0x53: {  	[tilespmem:s3+$0x4B70] =	vst v2;
	v2 =	vld [tilespmem:s3+$0x19C0]  }
0x54: {  	[tilespmem:s3+$0x4B80] =	vst v3;
	v3 =	vld [tilespmem:s3+$0x19D0]  }
0x55: {  	[tilespmem:s3+$0x4B90] =	vst v4;
	v4 =	vld [tilespmem:s3+$0x19E0]  }
0x56: {  	[tilespmem:s3+$0x4BA0] =	vst v0  }
0x57: {  	[tilespmem:s3+$0x4BB0] =	vst v1  }
0x58: {  	[tilespmem:s3+$0x4BC0] =	vst v2  }
0x59: {  	[tilespmem:s3+$0x4BD0] =	vst v3  }
0x5a: {  	s25 =	simm.s32 $0x0;
	[tilespmem:s3+$0x4BE0] =	vst v4  }
0x5b: {  	[tilespmem:s12], [sflag:$0x1] =	stream.indirect.gather.add.f32 [hbm:s2], $0x40, s25, s11, $0xb8;
	[tilespmem:$0x11300] =	vst v63  }
0x5c: {  	s23 =	simm.s32 $0x0  }
0x5d: {  	[tilespmem:s14], [sflag:$0x1] =	stream.indirect.gather.add.f32 [hbm:s2], $0x40, s11, s13, $0xb8;
	[tilespmem:$0x11300] =	vst v63  }
0x5e: {  	v0 =	vld [tilespmem:s23+$0x19F0]  }
0x5f: {  	v1 =	vld [tilespmem:s23+$0x1900]  }
0x60: {  	v2 =	vld [tilespmem:s23+$0x1910]  }
0x61: {  	v3 =	vld [tilespmem:s23+$0x1920]  }
0x62: {  	v4 =	vld [tilespmem:s23+$0x1930]  }
0x63: {  	v5 =	vld [tilespmem:s23+$0x1940];
	[tilespmem:s23+$0x7DF0] =	vst v0  }
0x64: {  	[tilespmem:s23+$0x7D00] =	vst v1;
	v0 =	vld [tilespmem:s23+$0x1950]  }
0x65: {  	[tilespmem:s23+$0x7D10] =	vst v2;
	v1 =	vld [tilespmem:s23+$0x1960]  }
0x66: {  	[tilespmem:s23+$0x7D20] =	vst v3;
	v2 =	vld [tilespmem:s23+$0x1970]  }
0x67: {  	[tilespmem:s23+$0x7D30] =	vst v4;
	v3 =	vld [tilespmem:s23+$0x1980]  }
0x68: {  	[tilespmem:s23+$0x7D40] =	vst v5;
	v4 =	vld [tilespmem:s23+$0x1990]  }
0x69: {  	[tilespmem:s23+$0x7D50] =	vst v0;
	v0 =	vld [tilespmem:s23+$0x19A0]  }
0x6a: {  	[tilespmem:s23+$0x7D60] =	vst v1;
	v1 =	vld [tilespmem:s23+$0x19B0]  }
0x6b: {  	[tilespmem:s23+$0x7D70] =	vst v2;
	v2 =	vld [tilespmem:s23+$0x19C0]  }
0x6c: {  	[tilespmem:s23+$0x7D80] =	vst v3;
	v3 =	vld [tilespmem:s23+$0x19D0]  }
0x6d: {  	s4 =	simm.s32 $0x800;
	s3 =	simm.s32 $0x100;
	[tilespmem:s23+$0x7D90] =	vst v4;
	v4 =	vld [tilespmem:s23+$0x19E0]  }
.LBB2_4:
0x6e: {  	p0 =	sne.s32 s4, $0xC400;
	v5 =	vld [tilespmem:s3+$0x19F0];
	[tilespmem:s23+$0x7DA0] =	vst v0  }
0x6f: {  	v0 =	vld [tilespmem:s3+$0x1900];
	[tilespmem:s23+$0x7DB0] =	vst v1  }
0x70: {  	v1 =	vld [tilespmem:s3+$0x1910];
	[tilespmem:s23+$0x7DC0] =	vst v2  }
0x71: {  	v2 =	vld [tilespmem:s3+$0x1920];
	[tilespmem:s23+$0x7DD0] =	vst v3  }
0x72: {  	v3 =	vld [tilespmem:s3+$0x1930];
	[tilespmem:s23+$0x7DE0] =	vst v4;
	s23 =	smov.u32 s3  }
0x73: {  	v4 =	vld [tilespmem:s23+$0x1940];
	[tilespmem:s23+$0x7DF0] =	vst v5  }
0x74: {  	[tilespmem:s23+$0x7D00] =	vst v0;
	v0 =	vld [tilespmem:s23+$0x1950]  }
0x75: {  	[tilespmem:s23+$0x7D10] =	vst v1;
	v1 =	vld [tilespmem:s23+$0x1960]  }
0x76: {  	[tilespmem:s23+$0x7D20] =	vst v2;
	v2 =	vld [tilespmem:s23+$0x1970]  }
0x77: {  	[tilespmem:s23+$0x7D30] =	vst v3;
	v3 =	vld [tilespmem:s23+$0x1980]  }
0x78: {  	[tilespmem:s23+$0x7D40] =	vst v4;
	v4 =	vld [tilespmem:s23+$0x1990]  }
.Ltmp3:
0x79: {  	[tilespmem:s23+$0x7D50] =	vst v0;
	v0 =	vld [tilespmem:s23+$0x19A0];
	(pc) =	sbr.rel @p0 .LBB2_4-.Ltmp3, $4  }
0x7a: {  	[tilespmem:s23+$0x7D60] =	vst v1;
	v1 =	vld [tilespmem:s23+$0x19B0]  }
0x7b: {  	[tilespmem:s23+$0x7D70] =	vst v2;
	v2 =	vld [tilespmem:s23+$0x19C0]  }
0x7c: {  	[tilespmem:s23+$0x7D80] =	vst v3;
	v3 =	vld [tilespmem:s23+$0x19D0]  }
0x7d: {  	s3 =	sshra.s32 s4, $0x2;
	s4 =	sadd.s32 $0x400, s4;
	[tilespmem:s23+$0x7D90] =	vst v4;
	v4 =	vld [tilespmem:s23+$0x19E0]  }
0x7e: {  	v5 =	vld [tilespmem:s3+$0x19F0];
	[tilespmem:s23+$0x7DA0] =	vst v0  }
0x7f: {  	v0 =	vld [tilespmem:s3+$0x1900];
	[tilespmem:s23+$0x7DB0] =	vst v1  }
0x80: {  	v1 =	vld [tilespmem:s3+$0x1910];
	[tilespmem:s23+$0x7DC0] =	vst v2  }
0x81: {  	v2 =	vld [tilespmem:s3+$0x1920];
	[tilespmem:s23+$0x7DD0] =	vst v3  }
0x82: {  	v3 =	vld [tilespmem:s3+$0x1930];
	[tilespmem:s23+$0x7DE0] =	vst v4  }
0x83: {  	v4 =	vld [tilespmem:s3+$0x1940];
	[tilespmem:s3+$0x7DF0] =	vst v5  }
0x84: {  	[tilespmem:s3+$0x7D00] =	vst v0;
	v0 =	vld [tilespmem:s3+$0x1950]  }
0x85: {  	[tilespmem:s3+$0x7D10] =	vst v1;
	v1 =	vld [tilespmem:s3+$0x1960]  }
0x86: {  	[tilespmem:s3+$0x7D20] =	vst v2;
	v2 =	vld [tilespmem:s3+$0x1970]  }
0x87: {  	[tilespmem:s3+$0x7D30] =	vst v3;
	v3 =	vld [tilespmem:s3+$0x1980]  }
0x88: {  	[tilespmem:s3+$0x7D40] =	vst v4;
	v4 =	vld [tilespmem:s3+$0x1990]  }
0x89: {  	[tilespmem:s3+$0x7D50] =	vst v0;
	v0 =	vld [tilespmem:s3+$0x19A0]  }
0x8a: {  	[tilespmem:s3+$0x7D60] =	vst v1;
	v1 =	vld [tilespmem:s3+$0x19B0]  }
0x8b: {  	[tilespmem:s3+$0x7D70] =	vst v2;
	v2 =	vld [tilespmem:s3+$0x19C0]  }
0x8c: {  	[tilespmem:s3+$0x7D80] =	vst v3;
	v3 =	vld [tilespmem:s3+$0x19D0]  }
0x8d: {  	[tilespmem:s3+$0x7D90] =	vst v4;
	v4 =	vld [tilespmem:s3+$0x19E0]  }
0x8e: {  	[tilespmem:s3+$0x7DA0] =	vst v0  }
0x8f: {  	[tilespmem:s3+$0x7DB0] =	vst v1  }
0x90: {  	[tilespmem:s3+$0x7DC0] =	vst v2  }
0x91: {  	[tilespmem:s3+$0x7DD0] =	vst v3  }
0x92: {  	s23 =	simm.s32 $0xC8;
	[tilespmem:s3+$0x7DE0] =	vst v4  }
0x93: {  	[tilespmem:s16], [sflag:$0x2] =	stream.indirect.gather.add.f32 [hbm:s2], $0x40, s23, s11, $0xb8;
	[tilespmem:$0x11300] =	vst v63  }
0x94: {  	s25 =	simm.s32 $0x130;
	s23 =	simm.s32 $0x0  }
0x95: {  	[tilespmem:s18], [sflag:$0x2] =	stream.indirect.gather.add.f32 [hbm:s2], $0x40, s25, s13, $0xb8;
	[tilespmem:$0x11300] =	vst v63  }
0x96: {  	v0 =	vld [tilespmem:s23+$0x19F0]  }
0x97: {  	v1 =	vld [tilespmem:s23+$0x1900]  }
0x98: {  	v2 =	vld [tilespmem:s23+$0x1910]  }
0x99: {  	v3 =	vld [tilespmem:s23+$0x1920]  }
0x9a: {  	v4 =	vld [tilespmem:s23+$0x1930]  }
0x9b: {  	v5 =	vld [tilespmem:s23+$0x1940];
	[tilespmem:s23+$0xAFF0] =	vst v0  }
0x9c: {  	[tilespmem:s23+$0xAF00] =	vst v1;
	v0 =	vld [tilespmem:s23+$0x1950]  }
0x9d: {  	[tilespmem:s23+$0xAF10] =	vst v2;
	v1 =	vld [tilespmem:s23+$0x1960]  }
0x9e: {  	[tilespmem:s23+$0xAF20] =	vst v3;
	v2 =	vld [tilespmem:s23+$0x1970]  }
0x9f: {  	[tilespmem:s23+$0xAF30] =	vst v4;
	v3 =	vld [tilespmem:s23+$0x1980]  }
0xa0: {  	[tilespmem:s23+$0xAF40] =	vst v5;
	v4 =	vld [tilespmem:s23+$0x1990]  }
0xa1: {  	[tilespmem:s23+$0xAF50] =	vst v0;
	v0 =	vld [tilespmem:s23+$0x19A0]  }
0xa2: {  	[tilespmem:s23+$0xAF60] =	vst v1;
	v1 =	vld [tilespmem:s23+$0x19B0]  }
0xa3: {  	[tilespmem:s23+$0xAF70] =	vst v2;
	v2 =	vld [tilespmem:s23+$0x19C0]  }
0xa4: {  	[tilespmem:s23+$0xAF80] =	vst v3;
	v3 =	vld [tilespmem:s23+$0x19D0]  }
0xa5: {  	s4 =	simm.s32 $0x800;
	s3 =	simm.s32 $0x100;
	[tilespmem:s23+$0xAF90] =	vst v4;
	v4 =	vld [tilespmem:s23+$0x19E0]  }
.LBB2_6:
0xa6: {  	p0 =	sne.s32 s4, $0xC400;
	v5 =	vld [tilespmem:s3+$0x19F0];
	[tilespmem:s23+$0xAFA0] =	vst v0  }
0xa7: {  	v0 =	vld [tilespmem:s3+$0x1900];
	[tilespmem:s23+$0xAFB0] =	vst v1  }
0xa8: {  	v1 =	vld [tilespmem:s3+$0x1910];
	[tilespmem:s23+$0xAFC0] =	vst v2  }
0xa9: {  	v2 =	vld [tilespmem:s3+$0x1920];
	[tilespmem:s23+$0xAFD0] =	vst v3  }
0xaa: {  	v3 =	vld [tilespmem:s3+$0x1930];
	[tilespmem:s23+$0xAFE0] =	vst v4;
	s23 =	smov.u32 s3  }
0xab: {  	v4 =	vld [tilespmem:s23+$0x1940];
	[tilespmem:s23+$0xAFF0] =	vst v5  }
0xac: {  	[tilespmem:s23+$0xAF00] =	vst v0;
	v0 =	vld [tilespmem:s23+$0x1950]  }
0xad: {  	[tilespmem:s23+$0xAF10] =	vst v1;
	v1 =	vld [tilespmem:s23+$0x1960]  }
0xae: {  	[tilespmem:s23+$0xAF20] =	vst v2;
	v2 =	vld [tilespmem:s23+$0x1970]  }
0xaf: {  	[tilespmem:s23+$0xAF30] =	vst v3;
	v3 =	vld [tilespmem:s23+$0x1980]  }
0xb0: {  	[tilespmem:s23+$0xAF40] =	vst v4;
	v4 =	vld [tilespmem:s23+$0x1990]  }
.Ltmp4:
0xb1: {  	[tilespmem:s23+$0xAF50] =	vst v0;
	v0 =	vld [tilespmem:s23+$0x19A0];
	(pc) =	sbr.rel @p0 .LBB2_6-.Ltmp4, $4  }
0xb2: {  	[tilespmem:s23+$0xAF60] =	vst v1;
	v1 =	vld [tilespmem:s23+$0x19B0]  }
0xb3: {  	[tilespmem:s23+$0xAF70] =	vst v2;
	v2 =	vld [tilespmem:s23+$0x19C0]  }
0xb4: {  	[tilespmem:s23+$0xAF80] =	vst v3;
	v3 =	vld [tilespmem:s23+$0x19D0]  }
0xb5: {  	s3 =	sshra.s32 s4, $0x2;
	s4 =	sadd.s32 $0x400, s4;
	[tilespmem:s23+$0xAF90] =	vst v4;
	v4 =	vld [tilespmem:s23+$0x19E0]  }
0xb6: {  	v5 =	vld [tilespmem:s3+$0x19F0];
	[tilespmem:s23+$0xAFA0] =	vst v0  }
0xb7: {  	v0 =	vld [tilespmem:s3+$0x1900];
	[tilespmem:s23+$0xAFB0] =	vst v1  }
0xb8: {  	v1 =	vld [tilespmem:s3+$0x1910];
	[tilespmem:s23+$0xAFC0] =	vst v2  }
0xb9: {  	v2 =	vld [tilespmem:s3+$0x1920];
	[tilespmem:s23+$0xAFD0] =	vst v3  }
0xba: {  	v3 =	vld [tilespmem:s3+$0x1930];
	[tilespmem:s23+$0xAFE0] =	vst v4  }
0xbb: {  	v4 =	vld [tilespmem:s3+$0x1940];
	[tilespmem:s3+$0xAFF0] =	vst v5  }
0xbc: {  	[tilespmem:s3+$0xAF00] =	vst v0;
	v0 =	vld [tilespmem:s3+$0x1950]  }
0xbd: {  	[tilespmem:s3+$0xAF10] =	vst v1;
	v1 =	vld [tilespmem:s3+$0x1960]  }
0xbe: {  	[tilespmem:s3+$0xAF20] =	vst v2;
	v2 =	vld [tilespmem:s3+$0x1970]  }
0xbf: {  	[tilespmem:s3+$0xAF30] =	vst v3;
	v3 =	vld [tilespmem:s3+$0x1980]  }
0xc0: {  	[tilespmem:s3+$0xAF40] =	vst v4;
	v4 =	vld [tilespmem:s3+$0x1990]  }
0xc1: {  	[tilespmem:s3+$0xAF50] =	vst v0;
	v0 =	vld [tilespmem:s3+$0x19A0]  }
0xc2: {  	[tilespmem:s3+$0xAF60] =	vst v1;
	v1 =	vld [tilespmem:s3+$0x19B0]  }
0xc3: {  	[tilespmem:s3+$0xAF70] =	vst v2;
	v2 =	vld [tilespmem:s3+$0x19C0]  }
0xc4: {  	[tilespmem:s3+$0xAF80] =	vst v3;
	v3 =	vld [tilespmem:s3+$0x19D0]  }
0xc5: {  	[tilespmem:s3+$0xAF90] =	vst v4;
	v4 =	vld [tilespmem:s3+$0x19E0]  }
0xc6: {  	[tilespmem:s3+$0xAFA0] =	vst v0  }
0xc7: {  	[tilespmem:s3+$0xAFB0] =	vst v1  }
0xc8: {  	[tilespmem:s3+$0xAFC0] =	vst v2  }
0xc9: {  	[tilespmem:s3+$0xAFD0] =	vst v3  }
0xca: {  	s23 =	simm.s32 $0x190;
	[tilespmem:s3+$0xAFE0] =	vst v4  }
0xcb: {  	[tilespmem:s20], [sflag:$0x3] =	stream.indirect.gather.add.f32 [hbm:s2], $0x40, s23, s11, $0xb8;
	[tilespmem:$0x11300] =	vst v63  }
0xcc: {  	s25 =	simm.s32 $0x1F8;
	s23 =	simm.s32 $0x0  }
0xcd: {  	[tilespmem:s22], [sflag:$0x3] =	stream.indirect.gather.add.f32 [hbm:s2], $0x40, s25, s13, $0xb8;
	[tilespmem:$0x11300] =	vst v63  }
0xce: {  	v0 =	vld [tilespmem:s23+$0x19F0]  }
0xcf: {  	v1 =	vld [tilespmem:s23+$0x1900]  }
0xd0: {  	v2 =	vld [tilespmem:s23+$0x1910]  }
0xd1: {  	v3 =	vld [tilespmem:s23+$0x1920]  }
0xd2: {  	v4 =	vld [tilespmem:s23+$0x1930]  }
0xd3: {  	v5 =	vld [tilespmem:s23+$0x1940];
	[tilespmem:s23+$0xE1F0] =	vst v0  }
0xd4: {  	[tilespmem:s23+$0xE100] =	vst v1;
	v0 =	vld [tilespmem:s23+$0x1950]  }
0xd5: {  	[tilespmem:s23+$0xE110] =	vst v2;
	v1 =	vld [tilespmem:s23+$0x1960]  }
0xd6: {  	[tilespmem:s23+$0xE120] =	vst v3;
	v2 =	vld [tilespmem:s23+$0x1970]  }
0xd7: {  	[tilespmem:s23+$0xE130] =	vst v4;
	v3 =	vld [tilespmem:s23+$0x1980]  }
0xd8: {  	[tilespmem:s23+$0xE140] =	vst v5;
	v4 =	vld [tilespmem:s23+$0x1990]  }
0xd9: {  	[tilespmem:s23+$0xE150] =	vst v0;
	v0 =	vld [tilespmem:s23+$0x19A0]  }
0xda: {  	[tilespmem:s23+$0xE160] =	vst v1;
	v1 =	vld [tilespmem:s23+$0x19B0]  }
0xdb: {  	[tilespmem:s23+$0xE170] =	vst v2;
	v2 =	vld [tilespmem:s23+$0x19C0]  }
0xdc: {  	[tilespmem:s23+$0xE180] =	vst v3;
	v3 =	vld [tilespmem:s23+$0x19D0]  }
0xdd: {  	s4 =	simm.s32 $0x800;
	s3 =	simm.s32 $0x100;
	[tilespmem:s23+$0xE190] =	vst v4;
	v4 =	vld [tilespmem:s23+$0x19E0]  }
.LBB2_8:
0xde: {  	p0 =	sne.s32 s4, $0xC400;
	v5 =	vld [tilespmem:s3+$0x19F0];
	[tilespmem:s23+$0xE1A0] =	vst v0  }
0xdf: {  	v0 =	vld [tilespmem:s3+$0x1900];
	[tilespmem:s23+$0xE1B0] =	vst v1  }
0xe0: {  	v1 =	vld [tilespmem:s3+$0x1910];
	[tilespmem:s23+$0xE1C0] =	vst v2  }
0xe1: {  	v2 =	vld [tilespmem:s3+$0x1920];
	[tilespmem:s23+$0xE1D0] =	vst v3  }
0xe2: {  	v3 =	vld [tilespmem:s3+$0x1930];
	[tilespmem:s23+$0xE1E0] =	vst v4;
	s23 =	smov.u32 s3  }
0xe3: {  	v4 =	vld [tilespmem:s23+$0x1940];
	[tilespmem:s23+$0xE1F0] =	vst v5  }
0xe4: {  	[tilespmem:s23+$0xE100] =	vst v0;
	v0 =	vld [tilespmem:s23+$0x1950]  }
0xe5: {  	[tilespmem:s23+$0xE110] =	vst v1;
	v1 =	vld [tilespmem:s23+$0x1960]  }
0xe6: {  	[tilespmem:s23+$0xE120] =	vst v2;
	v2 =	vld [tilespmem:s23+$0x1970]  }
0xe7: {  	[tilespmem:s23+$0xE130] =	vst v3;
	v3 =	vld [tilespmem:s23+$0x1980]  }
0xe8: {  	[tilespmem:s23+$0xE140] =	vst v4;
	v4 =	vld [tilespmem:s23+$0x1990]  }
.Ltmp5:
0xe9: {  	[tilespmem:s23+$0xE150] =	vst v0;
	v0 =	vld [tilespmem:s23+$0x19A0];
	(pc) =	sbr.rel @p0 .LBB2_8-.Ltmp5, $4  }
0xea: {  	[tilespmem:s23+$0xE160] =	vst v1;
	v1 =	vld [tilespmem:s23+$0x19B0]  }
0xeb: {  	[tilespmem:s23+$0xE170] =	vst v2;
	v2 =	vld [tilespmem:s23+$0x19C0]  }
0xec: {  	[tilespmem:s23+$0xE180] =	vst v3;
	v3 =	vld [tilespmem:s23+$0x19D0]  }
0xed: {  	s3 =	sshra.s32 s4, $0x2;
	s4 =	sadd.s32 $0x400, s4;
	[tilespmem:s23+$0xE190] =	vst v4;
	v4 =	vld [tilespmem:s23+$0x19E0]  }
0xee: {  	v5 =	vld [tilespmem:s3+$0x19F0];
	[tilespmem:s23+$0xE1A0] =	vst v0  }
0xef: {  	v0 =	vld [tilespmem:s3+$0x1900];
	[tilespmem:s23+$0xE1B0] =	vst v1  }
0xf0: {  	v1 =	vld [tilespmem:s3+$0x1910];
	[tilespmem:s23+$0xE1C0] =	vst v2  }
0xf1: {  	v2 =	vld [tilespmem:s3+$0x1920];
	[tilespmem:s23+$0xE1D0] =	vst v3  }
0xf2: {  	v3 =	vld [tilespmem:s3+$0x1930];
	[tilespmem:s23+$0xE1E0] =	vst v4  }
0xf3: {  	v4 =	vld [tilespmem:s3+$0x1940];
	[tilespmem:s3+$0xE1F0] =	vst v5  }
0xf4: {  	v54 =	vld [tilespmem:s3+$0x1950];
	[tilespmem:s3+$0xE100] =	vst v0  }
0xf5: {  	v55 =	vld [tilespmem:s3+$0x1960];
	[tilespmem:s3+$0xE110] =	vst v1  }
0xf6: {  	v56 =	vld [tilespmem:s3+$0x1970];
	[tilespmem:s3+$0xE120] =	vst v2  }
0xf7: {  	v57 =	vld [tilespmem:s3+$0x1980];
	[tilespmem:s3+$0xE130] =	vst v3  }
0xf8: {  	v58 =	vld [tilespmem:s3+$0x1990];
	[tilespmem:s3+$0xE140] =	vst v4  }
0xf9: {  	v59 =	vld [tilespmem:s3+$0x19A0];
	[tilespmem:s3+$0xE150] =	vst v54  }
0xfa: {  	v60 =	vld [tilespmem:s3+$0x19B0];
	[tilespmem:s3+$0xE160] =	vst v55  }
0xfb: {  	v61 =	vld [tilespmem:s3+$0x19C0];
	[tilespmem:s3+$0xE170] =	vst v56  }
0xfc: {  	v62 =	vld [tilespmem:s3+$0x19D0];
	[tilespmem:s3+$0xE180] =	vst v57  }
0xfd: {  	v63 =	vld [tilespmem:s3+$0x19E0];
	[tilespmem:s3+$0xE190] =	vst v58  }
0xfe: {  	[tilespmem:s3+$0xE1A0] =	vst v59  }
0xff: {  	[tilespmem:s3+$0xE1B0] =	vst v60  }
0x100: {  	[tilespmem:s3+$0xE1C0] =	vst v61  }
0x101: {  	[tilespmem:s3+$0xE1D0] =	vst v62  }
0x102: {  	s23 =	simm.s32 $0x258;
	[tilespmem:s3+$0xE1E0] =	vst v63  }
0x103: {  	[tilespmem:s24], [sflag:$0x4] =	stream.indirect.gather.add.f32 [hbm:s2], $0x40, s23, s11, $0xb8;
	[tilespmem:$0x11300] =	vst v63  }
0x104: {  	s25 =	simm.s32 $0x2C0;
	s23 =	simm.s32 $0x0  }
0x105: {  	[tilespmem:s26], [sflag:$0x4] =	stream.indirect.gather.add.f32 [hbm:s2], $0x40, s25, s13, $0xb8;
	[tilespmem:$0x11300] =	vst v63  }
.LBB2_10:
0x106: {  	_ =	swait.ge [sflag:s28], $0x1A00  }
0x107: {  	s25 =	sshll.u32 s23, $0x2;
	p0 =	seq.s32 s23, $0x7;
	[sflag:s28] =	ssyncset.done $0x0  }
.Ltmp6:
0x108: {  	s3 =	sadd.s32 s6, s25;
	[sflag:s28] =	ssyncadd.s32 $0xFFFFE600;
	(pc) =	sbr.rel @p0 .LBB2_14-.Ltmp6, $4  }
0x109: {  	s3 =	smul.u32 $0xC80, s3;
	_ =	swait.ge [sflag:s28], $0x1800  }
0x10a: {  	[sflag:s28] =	ssyncset.done $0x0  }
0x10b: {  	s3 =	sadd.s32 s5, s3;
	[sflag:s28] =	ssyncadd.s32 $0xFFFFE800  }
0x10c: {  	[hbm4b:s3+s29] =	stream.strided.scatter [tilespmem:s12], [sflag:$0x5], $0x3200, s30, s29, $0x38;
	[tilespmem:$0x11300] =	vst v63  }
0x10d: {  	_ =	swait.ge [sflag:s10], $0x3200  }
0x10e: {  	[sflag:s10] =	ssyncset.done $0x0  }
0x10f: {  	s3 =	simm.s32 $0x0;
	[sflag:s10] =	ssyncadd.s32 $0xFFFFCE00  }
0x110: {  	v0 =	vld [tilespmem:s3+$0x19F0]  }
0x111: {  	v1 =	vld [tilespmem:s3+$0x1900]  }
0x112: {  	v2 =	vld [tilespmem:s3+$0x1910]  }
0x113: {  	v3 =	vld [tilespmem:s3+$0x1920]  }
0x114: {  	v4 =	vld [tilespmem:s3+$0x1930]  }
0x115: {  	v5 =	vld [tilespmem:s3+$0x1940];
	[tilespmem:s3+$0x4BF0] =	vst v0  }
0x116: {  	[tilespmem:s3+$0x4B00] =	vst v1;
	v0 =	vld [tilespmem:s3+$0x1950]  }
0x117: {  	[tilespmem:s3+$0x4B10] =	vst v2;
	v1 =	vld [tilespmem:s3+$0x1960]  }
0x118: {  	[tilespmem:s3+$0x4B20] =	vst v3;
	v2 =	vld [tilespmem:s3+$0x1970]  }
0x119: {  	[tilespmem:s3+$0x4B30] =	vst v4;
	v3 =	vld [tilespmem:s3+$0x1980]  }
0x11a: {  	[tilespmem:s3+$0x4B40] =	vst v5;
	v4 =	vld [tilespmem:s3+$0x1990]  }
0x11b: {  	[tilespmem:s3+$0x4B50] =	vst v0;
	v0 =	vld [tilespmem:s3+$0x19A0]  }
0x11c: {  	[tilespmem:s3+$0x4B60] =	vst v1;
	v1 =	vld [tilespmem:s3+$0x19B0]  }
0x11d: {  	[tilespmem:s3+$0x4B70] =	vst v2;
	v2 =	vld [tilespmem:s3+$0x19C0]  }
0x11e: {  	[tilespmem:s3+$0x4B80] =	vst v3;
	v3 =	vld [tilespmem:s3+$0x19D0]  }
0x11f: {  	s4 =	simm.s32 $0x100;
	s7 =	simm.s32 $0x800;
	[tilespmem:s3+$0x4B90] =	vst v4;
	v4 =	vld [tilespmem:s3+$0x19E0]  }
.LBB2_12:
0x120: {  	p1 =	sne.s32 s7, $0xC400;
	v5 =	vld [tilespmem:s4+$0x19F0];
	[tilespmem:s3+$0x4BA0] =	vst v0  }
0x121: {  	v0 =	vld [tilespmem:s4+$0x1900];
	[tilespmem:s3+$0x4BB0] =	vst v1  }
0x122: {  	v1 =	vld [tilespmem:s4+$0x1910];
	[tilespmem:s3+$0x4BC0] =	vst v2  }
0x123: {  	v2 =	vld [tilespmem:s4+$0x1920];
	[tilespmem:s3+$0x4BD0] =	vst v3  }
0x124: {  	v3 =	vld [tilespmem:s4+$0x1930];
	[tilespmem:s3+$0x4BE0] =	vst v4;
	s3 =	smov.u32 s4  }
0x125: {  	v4 =	vld [tilespmem:s3+$0x1940];
	[tilespmem:s3+$0x4BF0] =	vst v5  }
0x126: {  	[tilespmem:s3+$0x4B00] =	vst v0;
	v0 =	vld [tilespmem:s3+$0x1950]  }
0x127: {  	[tilespmem:s3+$0x4B10] =	vst v1;
	v1 =	vld [tilespmem:s3+$0x1960]  }
0x128: {  	[tilespmem:s3+$0x4B20] =	vst v2;
	v2 =	vld [tilespmem:s3+$0x1970]  }
0x129: {  	[tilespmem:s3+$0x4B30] =	vst v3;
	v3 =	vld [tilespmem:s3+$0x1980]  }
0x12a: {  	[tilespmem:s3+$0x4B40] =	vst v4;
	v4 =	vld [tilespmem:s3+$0x1990]  }
.Ltmp7:
0x12b: {  	[tilespmem:s3+$0x4B50] =	vst v0;
	v0 =	vld [tilespmem:s3+$0x19A0];
	(pc) =	sbr.rel @p1 .LBB2_12-.Ltmp7, $4  }
0x12c: {  	[tilespmem:s3+$0x4B60] =	vst v1;
	v1 =	vld [tilespmem:s3+$0x19B0]  }
0x12d: {  	[tilespmem:s3+$0x4B70] =	vst v2;
	v2 =	vld [tilespmem:s3+$0x19C0]  }
0x12e: {  	[tilespmem:s3+$0x4B80] =	vst v3;
	v3 =	vld [tilespmem:s3+$0x19D0]  }
0x12f: {  	s4 =	sshra.s32 s7, $0x2;
	s7 =	sadd.s32 $0x400, s7;
	[tilespmem:s3+$0x4B90] =	vst v4;
	v4 =	vld [tilespmem:s3+$0x19E0]  }
0x130: {  	v5 =	vld [tilespmem:s4+$0x19F0];
	[tilespmem:s3+$0x4BA0] =	vst v0  }
0x131: {  	v0 =	vld [tilespmem:s4+$0x1900];
	[tilespmem:s3+$0x4BB0] =	vst v1  }
0x132: {  	v1 =	vld [tilespmem:s4+$0x1910];
	[tilespmem:s3+$0x4BC0] =	vst v2  }
0x133: {  	v2 =	vld [tilespmem:s4+$0x1920];
	[tilespmem:s3+$0x4BD0] =	vst v3  }
0x134: {  	v3 =	vld [tilespmem:s4+$0x1930];
	[tilespmem:s3+$0x4BE0] =	vst v4  }
0x135: {  	v4 =	vld [tilespmem:s4+$0x1940];
	[tilespmem:s4+$0x4BF0] =	vst v5  }
0x136: {  	v54 =	vld [tilespmem:s4+$0x1950];
	[tilespmem:s4+$0x4B00] =	vst v0  }
0x137: {  	v55 =	vld [tilespmem:s4+$0x1960];
	[tilespmem:s4+$0x4B10] =	vst v1  }
0x138: {  	v56 =	vld [tilespmem:s4+$0x1970];
	[tilespmem:s4+$0x4B20] =	vst v2  }
0x139: {  	v57 =	vld [tilespmem:s4+$0x1980];
	[tilespmem:s4+$0x4B30] =	vst v3  }
0x13a: {  	v58 =	vld [tilespmem:s4+$0x1990];
	[tilespmem:s4+$0x4B40] =	vst v4  }
0x13b: {  	v59 =	vld [tilespmem:s4+$0x19A0];
	[tilespmem:s4+$0x4B50] =	vst v54  }
0x13c: {  	v60 =	vld [tilespmem:s4+$0x19B0];
	[tilespmem:s4+$0x4B60] =	vst v55  }
0x13d: {  	v61 =	vld [tilespmem:s4+$0x19C0];
	[tilespmem:s4+$0x4B70] =	vst v56  }
0x13e: {  	v62 =	vld [tilespmem:s4+$0x19D0];
	[tilespmem:s4+$0x4B80] =	vst v57  }
0x13f: {  	v63 =	vld [tilespmem:s4+$0x19E0];
	[tilespmem:s4+$0x4B90] =	vst v58  }
0x140: {  	[tilespmem:s4+$0x4BA0] =	vst v59  }
0x141: {  	s7 =	smul.u32 $0xC80, s23;
	[tilespmem:s4+$0x4BB0] =	vst v60  }
0x142: {  	[tilespmem:s4+$0x4BC0] =	vst v61  }
0x143: {  	s3 =	sshra.s32 s7, $0x2;
	[tilespmem:s4+$0x4BD0] =	vst v62  }
0x144: {  	s7 =	sadd.s32 $0x320, s3;
	[tilespmem:s4+$0x4BE0] =	vst v63  }
0x145: {  	[tilespmem:s12], [sflag:$0x1] =	stream.indirect.gather.add.f32 [hbm:s2], $0x40, s7, s11, $0xb8;
	[tilespmem:$0x11300] =	vst v63  }
0x146: {  	s3 =	sadd.s32 $0x388, s3  }
0x147: {  	[tilespmem:s14], [sflag:$0x1] =	stream.indirect.gather.add.f32 [hbm:s2], $0x40, s3, s13, $0xb8;
	[tilespmem:$0x11300] =	vst v63  }
.LBB2_14:
0x148: {  	_ =	swait.ge [sflag:s31], $0x1A00;
	s3 =	sadd.s32 s25, s6  }
0x149: {  	[sflag:s31] =	ssyncset.done $0x0;
	s3 =	smul.u32 $0xC80, s3  }
.Ltmp8:
0x14a: {  	[sflag:s31] =	ssyncadd.s32 $0xFFFFE600;
	(pc) =	sbr.rel @p0 .LBB2_18-.Ltmp8, $4  }
0x14b: {  	_ =	swait.ge [sflag:s31], $0x1800  }
0x14c: {  	s25 =	sadd.s32 s5, s3;
	[sflag:s31] =	ssyncset.done $0x0  }
0x14d: {  	s3 =	sadd.s32 $0xC80, s25;
	[sflag:s31] =	ssyncadd.s32 $0xFFFFE800  }
0x14e: {  	[hbm4b:s3+s29] =	stream.strided.scatter [tilespmem:s16], [sflag:$0x6], $0x3200, s30, s29, $0x38;
	[tilespmem:$0x11300] =	vst v63  }
0x14f: {  	_ =	swait.ge [sflag:s15], $0x3200  }
0x150: {  	[sflag:s15] =	ssyncset.done $0x0  }
0x151: {  	s3 =	simm.s32 $0x0;
	[sflag:s15] =	ssyncadd.s32 $0xFFFFCE00  }
0x152: {  	v0 =	vld [tilespmem:s3+$0x19F0]  }
0x153: {  	v1 =	vld [tilespmem:s3+$0x1900]  }
0x154: {  	v2 =	vld [tilespmem:s3+$0x1910]  }
0x155: {  	v3 =	vld [tilespmem:s3+$0x1920]  }
0x156: {  	v4 =	vld [tilespmem:s3+$0x1930]  }
0x157: {  	v5 =	vld [tilespmem:s3+$0x1940];
	[tilespmem:s3+$0x7DF0] =	vst v0  }
0x158: {  	[tilespmem:s3+$0x7D00] =	vst v1;
	v0 =	vld [tilespmem:s3+$0x1950]  }
0x159: {  	[tilespmem:s3+$0x7D10] =	vst v2;
	v1 =	vld [tilespmem:s3+$0x1960]  }
0x15a: {  	[tilespmem:s3+$0x7D20] =	vst v3;
	v2 =	vld [tilespmem:s3+$0x1970]  }
0x15b: {  	[tilespmem:s3+$0x7D30] =	vst v4;
	v3 =	vld [tilespmem:s3+$0x1980]  }
0x15c: {  	[tilespmem:s3+$0x7D40] =	vst v5;
	v4 =	vld [tilespmem:s3+$0x1990]  }
0x15d: {  	[tilespmem:s3+$0x7D50] =	vst v0;
	v0 =	vld [tilespmem:s3+$0x19A0]  }
0x15e: {  	[tilespmem:s3+$0x7D60] =	vst v1;
	v1 =	vld [tilespmem:s3+$0x19B0]  }
0x15f: {  	[tilespmem:s3+$0x7D70] =	vst v2;
	v2 =	vld [tilespmem:s3+$0x19C0]  }
0x160: {  	[tilespmem:s3+$0x7D80] =	vst v3;
	v3 =	vld [tilespmem:s3+$0x19D0]  }
0x161: {  	s4 =	simm.s32 $0x100;
	s7 =	simm.s32 $0x800;
	[tilespmem:s3+$0x7D90] =	vst v4;
	v4 =	vld [tilespmem:s3+$0x19E0]  }
.LBB2_16:
0x162: {  	p1 =	sne.s32 s7, $0xC400;
	v5 =	vld [tilespmem:s4+$0x19F0];
	[tilespmem:s3+$0x7DA0] =	vst v0  }
0x163: {  	v0 =	vld [tilespmem:s4+$0x1900];
	[tilespmem:s3+$0x7DB0] =	vst v1  }
0x164: {  	v1 =	vld [tilespmem:s4+$0x1910];
	[tilespmem:s3+$0x7DC0] =	vst v2  }
0x165: {  	v2 =	vld [tilespmem:s4+$0x1920];
	[tilespmem:s3+$0x7DD0] =	vst v3  }
0x166: {  	v3 =	vld [tilespmem:s4+$0x1930];
	[tilespmem:s3+$0x7DE0] =	vst v4;
	s3 =	smov.u32 s4  }
0x167: {  	v4 =	vld [tilespmem:s3+$0x1940];
	[tilespmem:s3+$0x7DF0] =	vst v5  }
0x168: {  	[tilespmem:s3+$0x7D00] =	vst v0;
	v0 =	vld [tilespmem:s3+$0x1950]  }
0x169: {  	[tilespmem:s3+$0x7D10] =	vst v1;
	v1 =	vld [tilespmem:s3+$0x1960]  }
0x16a: {  	[tilespmem:s3+$0x7D20] =	vst v2;
	v2 =	vld [tilespmem:s3+$0x1970]  }
0x16b: {  	[tilespmem:s3+$0x7D30] =	vst v3;
	v3 =	vld [tilespmem:s3+$0x1980]  }
0x16c: {  	[tilespmem:s3+$0x7D40] =	vst v4;
	v4 =	vld [tilespmem:s3+$0x1990]  }
.Ltmp9:
0x16d: {  	[tilespmem:s3+$0x7D50] =	vst v0;
	v0 =	vld [tilespmem:s3+$0x19A0];
	(pc) =	sbr.rel @p1 .LBB2_16-.Ltmp9, $4  }
0x16e: {  	[tilespmem:s3+$0x7D60] =	vst v1;
	v1 =	vld [tilespmem:s3+$0x19B0]  }
0x16f: {  	[tilespmem:s3+$0x7D70] =	vst v2;
	v2 =	vld [tilespmem:s3+$0x19C0]  }
0x170: {  	[tilespmem:s3+$0x7D80] =	vst v3;
	v3 =	vld [tilespmem:s3+$0x19D0]  }
0x171: {  	s4 =	sshra.s32 s7, $0x2;
	s7 =	sadd.s32 $0x400, s7;
	[tilespmem:s3+$0x7D90] =	vst v4;
	v4 =	vld [tilespmem:s3+$0x19E0]  }
0x172: {  	v5 =	vld [tilespmem:s4+$0x19F0];
	[tilespmem:s3+$0x7DA0] =	vst v0  }
0x173: {  	v0 =	vld [tilespmem:s4+$0x1900];
	[tilespmem:s3+$0x7DB0] =	vst v1  }
0x174: {  	v1 =	vld [tilespmem:s4+$0x1910];
	[tilespmem:s3+$0x7DC0] =	vst v2  }
0x175: {  	v2 =	vld [tilespmem:s4+$0x1920];
	[tilespmem:s3+$0x7DD0] =	vst v3  }
0x176: {  	v3 =	vld [tilespmem:s4+$0x1930];
	[tilespmem:s3+$0x7DE0] =	vst v4  }
0x177: {  	v4 =	vld [tilespmem:s4+$0x1940];
	[tilespmem:s4+$0x7DF0] =	vst v5  }
0x178: {  	v54 =	vld [tilespmem:s4+$0x1950];
	[tilespmem:s4+$0x7D00] =	vst v0  }
0x179: {  	v55 =	vld [tilespmem:s4+$0x1960];
	[tilespmem:s4+$0x7D10] =	vst v1  }
0x17a: {  	v56 =	vld [tilespmem:s4+$0x1970];
	[tilespmem:s4+$0x7D20] =	vst v2  }
0x17b: {  	v57 =	vld [tilespmem:s4+$0x1980];
	[tilespmem:s4+$0x7D30] =	vst v3  }
0x17c: {  	v58 =	vld [tilespmem:s4+$0x1990];
	[tilespmem:s4+$0x7D40] =	vst v4  }
0x17d: {  	v59 =	vld [tilespmem:s4+$0x19A0];
	[tilespmem:s4+$0x7D50] =	vst v54  }
0x17e: {  	v60 =	vld [tilespmem:s4+$0x19B0];
	[tilespmem:s4+$0x7D60] =	vst v55  }
0x17f: {  	v61 =	vld [tilespmem:s4+$0x19C0];
	[tilespmem:s4+$0x7D70] =	vst v56  }
0x180: {  	v62 =	vld [tilespmem:s4+$0x19D0];
	[tilespmem:s4+$0x7D80] =	vst v57  }
0x181: {  	v63 =	vld [tilespmem:s4+$0x19E0];
	[tilespmem:s4+$0x7D90] =	vst v58  }
0x182: {  	[tilespmem:s4+$0x7DA0] =	vst v59  }
0x183: {  	s7 =	smul.u32 $0xC80, s23;
	[tilespmem:s4+$0x7DB0] =	vst v60  }
0x184: {  	[tilespmem:s4+$0x7DC0] =	vst v61  }
0x185: {  	s3 =	sshra.s32 s7, $0x2;
	[tilespmem:s4+$0x7DD0] =	vst v62  }
0x186: {  	s7 =	sadd.s32 $0x3E8, s3;
	[tilespmem:s4+$0x7DE0] =	vst v63  }
0x187: {  	[tilespmem:s16], [sflag:$0x2] =	stream.indirect.gather.add.f32 [hbm:s2], $0x40, s7, s11, $0xb8;
	[tilespmem:$0x11300] =	vst v63  }
0x188: {  	s3 =	sadd.s32 $0x450, s3  }
0x189: {  	[tilespmem:s18], [sflag:$0x2] =	stream.indirect.gather.add.f32 [hbm:s2], $0x40, s3, s13, $0xb8;
	[tilespmem:$0x11300] =	vst v63  }
.LBB2_18:
0x18a: {  	_ =	swait.ge [sflag:s1], $0x1A00  }
0x18b: {  	[sflag:s1] =	ssyncset.done $0x0  }
.Ltmp10:
0x18c: {  	[sflag:s1] =	ssyncadd.s32 $0xFFFFE600;
	(pc) =	sbr.rel @p0 .LBB2_22-.Ltmp10, $4  }
0x18d: {  	_ =	swait.ge [sflag:s1], $0x1800  }
0x18e: {  	[sflag:s1] =	ssyncset.done $0x0  }
0x18f: {  	s3 =	sadd.s32 $0x1900, s25;
	[sflag:s1] =	ssyncadd.s32 $0xFFFFE800  }
0x190: {  	[hbm4b:s3+s29] =	stream.strided.scatter [tilespmem:s20], [sflag:$0x7], $0x3200, s30, s29, $0x38;
	[tilespmem:$0x11300] =	vst v63  }
0x191: {  	_ =	swait.ge [sflag:s17], $0x3200  }
0x192: {  	[sflag:s17] =	ssyncset.done $0x0  }
0x193: {  	s3 =	simm.s32 $0x0;
	[sflag:s17] =	ssyncadd.s32 $0xFFFFCE00  }
0x194: {  	v0 =	vld [tilespmem:s3+$0x19F0]  }
0x195: {  	v1 =	vld [tilespmem:s3+$0x1900]  }
0x196: {  	v2 =	vld [tilespmem:s3+$0x1910]  }
0x197: {  	v3 =	vld [tilespmem:s3+$0x1920]  }
0x198: {  	v4 =	vld [tilespmem:s3+$0x1930]  }
0x199: {  	v5 =	vld [tilespmem:s3+$0x1940];
	[tilespmem:s3+$0xAFF0] =	vst v0  }
0x19a: {  	[tilespmem:s3+$0xAF00] =	vst v1;
	v0 =	vld [tilespmem:s3+$0x1950]  }
0x19b: {  	[tilespmem:s3+$0xAF10] =	vst v2;
	v1 =	vld [tilespmem:s3+$0x1960]  }
0x19c: {  	[tilespmem:s3+$0xAF20] =	vst v3;
	v2 =	vld [tilespmem:s3+$0x1970]  }
0x19d: {  	[tilespmem:s3+$0xAF30] =	vst v4;
	v3 =	vld [tilespmem:s3+$0x1980]  }
0x19e: {  	[tilespmem:s3+$0xAF40] =	vst v5;
	v4 =	vld [tilespmem:s3+$0x1990]  }
0x19f: {  	[tilespmem:s3+$0xAF50] =	vst v0;
	v0 =	vld [tilespmem:s3+$0x19A0]  }
0x1a0: {  	[tilespmem:s3+$0xAF60] =	vst v1;
	v1 =	vld [tilespmem:s3+$0x19B0]  }
0x1a1: {  	[tilespmem:s3+$0xAF70] =	vst v2;
	v2 =	vld [tilespmem:s3+$0x19C0]  }
0x1a2: {  	[tilespmem:s3+$0xAF80] =	vst v3;
	v3 =	vld [tilespmem:s3+$0x19D0]  }
0x1a3: {  	s4 =	simm.s32 $0x100;
	s7 =	simm.s32 $0x800;
	[tilespmem:s3+$0xAF90] =	vst v4;
	v4 =	vld [tilespmem:s3+$0x19E0]  }
.LBB2_20:
0x1a4: {  	p1 =	sne.s32 s7, $0xC400;
	v5 =	vld [tilespmem:s4+$0x19F0];
	[tilespmem:s3+$0xAFA0] =	vst v0  }
0x1a5: {  	v0 =	vld [tilespmem:s4+$0x1900];
	[tilespmem:s3+$0xAFB0] =	vst v1  }
0x1a6: {  	v1 =	vld [tilespmem:s4+$0x1910];
	[tilespmem:s3+$0xAFC0] =	vst v2  }
0x1a7: {  	v2 =	vld [tilespmem:s4+$0x1920];
	[tilespmem:s3+$0xAFD0] =	vst v3  }
0x1a8: {  	v3 =	vld [tilespmem:s4+$0x1930];
	[tilespmem:s3+$0xAFE0] =	vst v4;
	s3 =	smov.u32 s4  }
0x1a9: {  	v4 =	vld [tilespmem:s3+$0x1940];
	[tilespmem:s3+$0xAFF0] =	vst v5  }
0x1aa: {  	[tilespmem:s3+$0xAF00] =	vst v0;
	v0 =	vld [tilespmem:s3+$0x1950]  }
0x1ab: {  	[tilespmem:s3+$0xAF10] =	vst v1;
	v1 =	vld [tilespmem:s3+$0x1960]  }
0x1ac: {  	[tilespmem:s3+$0xAF20] =	vst v2;
	v2 =	vld [tilespmem:s3+$0x1970]  }
0x1ad: {  	[tilespmem:s3+$0xAF30] =	vst v3;
	v3 =	vld [tilespmem:s3+$0x1980]  }
0x1ae: {  	[tilespmem:s3+$0xAF40] =	vst v4;
	v4 =	vld [tilespmem:s3+$0x1990]  }
.Ltmp11:
0x1af: {  	[tilespmem:s3+$0xAF50] =	vst v0;
	v0 =	vld [tilespmem:s3+$0x19A0];
	(pc) =	sbr.rel @p1 .LBB2_20-.Ltmp11, $4  }
0x1b0: {  	[tilespmem:s3+$0xAF60] =	vst v1;
	v1 =	vld [tilespmem:s3+$0x19B0]  }
0x1b1: {  	[tilespmem:s3+$0xAF70] =	vst v2;
	v2 =	vld [tilespmem:s3+$0x19C0]  }
0x1b2: {  	[tilespmem:s3+$0xAF80] =	vst v3;
	v3 =	vld [tilespmem:s3+$0x19D0]  }
0x1b3: {  	s4 =	sshra.s32 s7, $0x2;
	s7 =	sadd.s32 $0x400, s7;
	[tilespmem:s3+$0xAF90] =	vst v4;
	v4 =	vld [tilespmem:s3+$0x19E0]  }
0x1b4: {  	v5 =	vld [tilespmem:s4+$0x19F0];
	[tilespmem:s3+$0xAFA0] =	vst v0  }
0x1b5: {  	v0 =	vld [tilespmem:s4+$0x1900];
	[tilespmem:s3+$0xAFB0] =	vst v1  }
0x1b6: {  	v1 =	vld [tilespmem:s4+$0x1910];
	[tilespmem:s3+$0xAFC0] =	vst v2  }
0x1b7: {  	v2 =	vld [tilespmem:s4+$0x1920];
	[tilespmem:s3+$0xAFD0] =	vst v3  }
0x1b8: {  	v3 =	vld [tilespmem:s4+$0x1930];
	[tilespmem:s3+$0xAFE0] =	vst v4  }
0x1b9: {  	v4 =	vld [tilespmem:s4+$0x1940];
	[tilespmem:s4+$0xAFF0] =	vst v5  }
0x1ba: {  	v54 =	vld [tilespmem:s4+$0x1950];
	[tilespmem:s4+$0xAF00] =	vst v0  }
0x1bb: {  	v55 =	vld [tilespmem:s4+$0x1960];
	[tilespmem:s4+$0xAF10] =	vst v1  }
0x1bc: {  	v56 =	vld [tilespmem:s4+$0x1970];
	[tilespmem:s4+$0xAF20] =	vst v2  }
0x1bd: {  	v57 =	vld [tilespmem:s4+$0x1980];
	[tilespmem:s4+$0xAF30] =	vst v3  }
0x1be: {  	v58 =	vld [tilespmem:s4+$0x1990];
	[tilespmem:s4+$0xAF40] =	vst v4  }
0x1bf: {  	v59 =	vld [tilespmem:s4+$0x19A0];
	[tilespmem:s4+$0xAF50] =	vst v54  }
0x1c0: {  	v60 =	vld [tilespmem:s4+$0x19B0];
	[tilespmem:s4+$0xAF60] =	vst v55  }
0x1c1: {  	v61 =	vld [tilespmem:s4+$0x19C0];
	[tilespmem:s4+$0xAF70] =	vst v56  }
0x1c2: {  	v62 =	vld [tilespmem:s4+$0x19D0];
	[tilespmem:s4+$0xAF80] =	vst v57  }
0x1c3: {  	v63 =	vld [tilespmem:s4+$0x19E0];
	[tilespmem:s4+$0xAF90] =	vst v58  }
0x1c4: {  	[tilespmem:s4+$0xAFA0] =	vst v59  }
0x1c5: {  	s7 =	smul.u32 $0xC80, s23;
	[tilespmem:s4+$0xAFB0] =	vst v60  }
0x1c6: {  	[tilespmem:s4+$0xAFC0] =	vst v61  }
0x1c7: {  	s3 =	sshra.s32 s7, $0x2;
	[tilespmem:s4+$0xAFD0] =	vst v62  }
0x1c8: {  	s7 =	sadd.s32 $0x4B0, s3;
	[tilespmem:s4+$0xAFE0] =	vst v63  }
0x1c9: {  	[tilespmem:s20], [sflag:$0x3] =	stream.indirect.gather.add.f32 [hbm:s2], $0x40, s7, s11, $0xb8;
	[tilespmem:$0x11300] =	vst v63  }
0x1ca: {  	s3 =	sadd.s32 $0x518, s3  }
0x1cb: {  	[tilespmem:s22], [sflag:$0x3] =	stream.indirect.gather.add.f32 [hbm:s2], $0x40, s3, s13, $0xb8;
	[tilespmem:$0x11300] =	vst v63  }
.LBB2_22:
0x1cc: {  	_ =	swait.ge [sflag:s0], $0x1A00  }
0x1cd: {  	[sflag:s0] =	ssyncset.done $0x0  }
.Ltmp12:
0x1ce: {  	[sflag:s0] =	ssyncadd.s32 $0xFFFFE600;
	(pc) =	sbr.rel @p0 .LBB2_26-.Ltmp12, $4  }
0x1cf: {  	_ =	swait.ge [sflag:s0], $0x1800  }
0x1d0: {  	[sflag:s0] =	ssyncset.done $0x0  }
0x1d1: {  	s3 =	sadd.s32 $0x2580, s25;
	[sflag:s0] =	ssyncadd.s32 $0xFFFFE800  }
0x1d2: {  	[hbm4b:s3+s29] =	stream.strided.scatter [tilespmem:s24], [sflag:$0x8], $0x3200, s30, s29, $0x38;
	[tilespmem:$0x11300] =	vst v63  }
0x1d3: {  	_ =	swait.ge [sflag:s19], $0x3200  }
0x1d4: {  	[sflag:s19] =	ssyncset.done $0x0  }
0x1d5: {  	s3 =	simm.s32 $0x0;
	[sflag:s19] =	ssyncadd.s32 $0xFFFFCE00  }
0x1d6: {  	v0 =	vld [tilespmem:s3+$0x19F0]  }
0x1d7: {  	v1 =	vld [tilespmem:s3+$0x1900]  }
0x1d8: {  	v2 =	vld [tilespmem:s3+$0x1910]  }
0x1d9: {  	v3 =	vld [tilespmem:s3+$0x1920]  }
0x1da: {  	v4 =	vld [tilespmem:s3+$0x1930]  }
0x1db: {  	v5 =	vld [tilespmem:s3+$0x1940];
	[tilespmem:s3+$0xE1F0] =	vst v0  }
0x1dc: {  	[tilespmem:s3+$0xE100] =	vst v1;
	v0 =	vld [tilespmem:s3+$0x1950]  }
0x1dd: {  	[tilespmem:s3+$0xE110] =	vst v2;
	v1 =	vld [tilespmem:s3+$0x1960]  }
0x1de: {  	[tilespmem:s3+$0xE120] =	vst v3;
	v2 =	vld [tilespmem:s3+$0x1970]  }
0x1df: {  	[tilespmem:s3+$0xE130] =	vst v4;
	v3 =	vld [tilespmem:s3+$0x1980]  }
0x1e0: {  	[tilespmem:s3+$0xE140] =	vst v5;
	v4 =	vld [tilespmem:s3+$0x1990]  }
0x1e1: {  	[tilespmem:s3+$0xE150] =	vst v0;
	v0 =	vld [tilespmem:s3+$0x19A0]  }
0x1e2: {  	[tilespmem:s3+$0xE160] =	vst v1;
	v1 =	vld [tilespmem:s3+$0x19B0]  }
0x1e3: {  	[tilespmem:s3+$0xE170] =	vst v2;
	v2 =	vld [tilespmem:s3+$0x19C0]  }
0x1e4: {  	[tilespmem:s3+$0xE180] =	vst v3;
	v3 =	vld [tilespmem:s3+$0x19D0]  }
0x1e5: {  	s4 =	simm.s32 $0x100;
	s7 =	simm.s32 $0x800;
	[tilespmem:s3+$0xE190] =	vst v4;
	v4 =	vld [tilespmem:s3+$0x19E0]  }
.LBB2_24:
0x1e6: {  	p0 =	sne.s32 s7, $0xC400;
	v5 =	vld [tilespmem:s4+$0x19F0];
	[tilespmem:s3+$0xE1A0] =	vst v0  }
0x1e7: {  	v0 =	vld [tilespmem:s4+$0x1900];
	[tilespmem:s3+$0xE1B0] =	vst v1  }
0x1e8: {  	v1 =	vld [tilespmem:s4+$0x1910];
	[tilespmem:s3+$0xE1C0] =	vst v2  }
0x1e9: {  	v2 =	vld [tilespmem:s4+$0x1920];
	[tilespmem:s3+$0xE1D0] =	vst v3  }
0x1ea: {  	v3 =	vld [tilespmem:s4+$0x1930];
	[tilespmem:s3+$0xE1E0] =	vst v4;
	s3 =	smov.u32 s4  }
0x1eb: {  	v4 =	vld [tilespmem:s3+$0x1940];
	[tilespmem:s3+$0xE1F0] =	vst v5  }
0x1ec: {  	[tilespmem:s3+$0xE100] =	vst v0;
	v0 =	vld [tilespmem:s3+$0x1950]  }
0x1ed: {  	[tilespmem:s3+$0xE110] =	vst v1;
	v1 =	vld [tilespmem:s3+$0x1960]  }
0x1ee: {  	[tilespmem:s3+$0xE120] =	vst v2;
	v2 =	vld [tilespmem:s3+$0x1970]  }
0x1ef: {  	[tilespmem:s3+$0xE130] =	vst v3;
	v3 =	vld [tilespmem:s3+$0x1980]  }
0x1f0: {  	[tilespmem:s3+$0xE140] =	vst v4;
	v4 =	vld [tilespmem:s3+$0x1990]  }
.Ltmp13:
0x1f1: {  	[tilespmem:s3+$0xE150] =	vst v0;
	v0 =	vld [tilespmem:s3+$0x19A0];
	(pc) =	sbr.rel @p0 .LBB2_24-.Ltmp13, $4  }
0x1f2: {  	[tilespmem:s3+$0xE160] =	vst v1;
	v1 =	vld [tilespmem:s3+$0x19B0]  }
0x1f3: {  	[tilespmem:s3+$0xE170] =	vst v2;
	v2 =	vld [tilespmem:s3+$0x19C0]  }
0x1f4: {  	[tilespmem:s3+$0xE180] =	vst v3;
	v3 =	vld [tilespmem:s3+$0x19D0]  }
0x1f5: {  	s4 =	sshra.s32 s7, $0x2;
	s7 =	sadd.s32 $0x400, s7;
	[tilespmem:s3+$0xE190] =	vst v4;
	v4 =	vld [tilespmem:s3+$0x19E0]  }
0x1f6: {  	v5 =	vld [tilespmem:s4+$0x19F0];
	[tilespmem:s3+$0xE1A0] =	vst v0  }
0x1f7: {  	v0 =	vld [tilespmem:s4+$0x1900];
	[tilespmem:s3+$0xE1B0] =	vst v1  }
0x1f8: {  	v1 =	vld [tilespmem:s4+$0x1910];
	[tilespmem:s3+$0xE1C0] =	vst v2  }
0x1f9: {  	v2 =	vld [tilespmem:s4+$0x1920];
	[tilespmem:s3+$0xE1D0] =	vst v3  }
0x1fa: {  	v3 =	vld [tilespmem:s4+$0x1930];
	[tilespmem:s3+$0xE1E0] =	vst v4  }
0x1fb: {  	v4 =	vld [tilespmem:s4+$0x1940];
	[tilespmem:s4+$0xE1F0] =	vst v5  }
0x1fc: {  	v54 =	vld [tilespmem:s4+$0x1950];
	[tilespmem:s4+$0xE100] =	vst v0  }
0x1fd: {  	v55 =	vld [tilespmem:s4+$0x1960];
	[tilespmem:s4+$0xE110] =	vst v1  }
0x1fe: {  	v56 =	vld [tilespmem:s4+$0x1970];
	[tilespmem:s4+$0xE120] =	vst v2  }
0x1ff: {  	v57 =	vld [tilespmem:s4+$0x1980];
	[tilespmem:s4+$0xE130] =	vst v3  }
0x200: {  	v58 =	vld [tilespmem:s4+$0x1990];
	[tilespmem:s4+$0xE140] =	vst v4  }
0x201: {  	v59 =	vld [tilespmem:s4+$0x19A0];
	[tilespmem:s4+$0xE150] =	vst v54  }
0x202: {  	v60 =	vld [tilespmem:s4+$0x19B0];
	[tilespmem:s4+$0xE160] =	vst v55  }
0x203: {  	v61 =	vld [tilespmem:s4+$0x19C0];
	[tilespmem:s4+$0xE170] =	vst v56  }
0x204: {  	v62 =	vld [tilespmem:s4+$0x19D0];
	[tilespmem:s4+$0xE180] =	vst v57  }
0x205: {  	v63 =	vld [tilespmem:s4+$0x19E0];
	[tilespmem:s4+$0xE190] =	vst v58  }
0x206: {  	[tilespmem:s4+$0xE1A0] =	vst v59  }
0x207: {  	s7 =	smul.u32 $0xC80, s23;
	[tilespmem:s4+$0xE1B0] =	vst v60  }
0x208: {  	[tilespmem:s4+$0xE1C0] =	vst v61  }
.Ltmp14:
0x209: {  	s3 =	sshra.s32 s7, $0x2;
	[tilespmem:s4+$0xE1D0] =	vst v62;
	(pc) =	sbr.rel .LBB2_10-.Ltmp14, $4  }
0x20a: {  	s25 =	sadd.s32 $0x578, s3;
	[tilespmem:s4+$0xE1E0] =	vst v63  }
0x20b: {  	[tilespmem:s24], [sflag:$0x4] =	stream.indirect.gather.add.f32 [hbm:s2], $0x40, s25, s11, $0xb8;
	[tilespmem:$0x11300] =	vst v63  }
0x20c: {  	s23 =	sadd.s32 $0x1, s23;
	s3 =	sadd.s32 $0x5E0, s3  }
0x20d: {  	[tilespmem:s26], [sflag:$0x4] =	stream.indirect.gather.add.f32 [hbm:s2], $0x40, s3, s13, $0xb8;
	[tilespmem:$0x11300] =	vst v63  }
.LBB2_27:
0x20e: {  	_ =	sfence.sel $0x180000  }
0x20f: {  	[bflag:$0x0] =	sbarrier.arrive $0xFFFF  }
0x210: {  	_ =	strace $0x90000047  }
0x211: {  	s0 =	stileid.u32;
	[bflag:$0x2] =	sbarrier.arrive $0xFFFF  }
0x212: {  	p0 =	sne.s32 s0, $0x0;
	s0 =	rddreg [dreg:$0x2]  }
0x213: {  	s0 =	sadd.s32 @!p0 $0x100000, s0  }
0x214: {  	[sflag:s0] =	ssyncadd.tile.s32 @!p0 $0x1;
	_ =	shalt  }
.Lfunc_end2:
_tile_overlayer_lowered:
.L_overlay_start_2:
0x215: {  	(tag) =	ssettag $0x2  }
0x216: {  	s0 =	rddreg [dreg:$0x0];
	s2 =	stileid.u32  }
0x217: {  	s1 =	rddreg [dreg:$0x1];
	p0 =	sne.s32 s2, $0x0  }
0x218: {  	s3 =	rddreg [dreg:$0x2];
	[bflag:$0x3] =	sbarrier.arrive $0xFFFF;
	s2 =	simm.s32 @!p0 $0x1C09  }
0x219: {  	[timem:s3], [sflag:s2] =	dma.local @!p0 [hbm:s0], s1  }
0x21a: {  	s0 =	simm.s32 @!p0 $0x9  }
0x21b: {  	_ =	swait.ge @!p0 [sflag:s0], s1  }
0x21c: {  	s1 =	ssub.s32 @!p0 $0x0, s1;
	[sflag:s0] =	ssyncset.done @!p0 $0x0  }
0x21d: {  	[sflag:s0] =	ssyncadd.s32 @!p0 s1  }
0x21e: {  	[bflag:$0x3] =	sbarrier.arrive $0xFFFF  }
0x21f: {  	_ =	shalt  }

// kernel: sparse-core-data-format-call.cloned.1.call-start
scs
called_computation_lowered:
.L_overlay_start_0:
0x0: {  	s2 =	sld [smem:$0x3FD9]  }
0x1: {  	s3 =	sld [smem:$0x3FFE];
	_ =	sdelay $0x1  }
0x2: {  	s1 =	srdreg.scid  }
0x3: {  	s0 =	sand.u32 $0x1, s1  }
0x4: {  	s18 =	sshll.u32 s0, $0xA;
	s2 =	sadd.s32 s3, s2  }
0x5: {  	s2 =	sadd.s32 s2, s18  }
0x6: {  	[smem:$0x3FC5] =	sst s2  }
0x7: {  	_ = 	snop  }
0x8: {  	s2 =	sld [smem:$0x3FD0];
	(tm) =	ssettm $0x1  }
0x9: {  	s19 =	sld [smem:$0x3FFB];
	_ =	sdelay $0x3  }
0xa: {  	_ =	strace s19  }
0xb: {  	s3 =	sld [smem:$0x3FFC];
	_ =	sdelay $0x3  }
0xc: {  	_ =	strace s3  }
0xd: {  	s3 =	sld [smem:$0x3FFD];
	_ =	sdelay $0x3  }
0xe: {  	_ =	strace s3  }
0xf: {  	_ =	strace $0x8FFFFFFF  }
0x10: {  	s20 =	sld [smem:$0x3FDB];
	_ =	sdelay $0x1  }
0x11: {  	s4 =	simm.s32 $_scs_section_size  }
0x12: {  	s5 =	simm.s32 $_size__tile_overlayer_lowered;
	s6 =	simm.s32 $_tile_overlayer_lowered  }
0x13: {  	s23 =	simm.s32 $0x1BFF;
	s22 =	sshll.u32 s6, $0x1;
	s3 =	sadd.s32 s4, s20  }
0x14: {  	s7 =	simm.s32 $0x0;
	s21 =	sshll.u32 s5, $0x1;
	s5 =	sadd.s32 s22, s3  }
0x15: {  	[timem:s7], [sflag:s23] =	dma.local [hbm:s5], s21  }
0x16: {  	_ =	swait.ge [sflag:s23], s21  }
0x17: {  	s4 =	ssub.s32 $0x0, s21;
	[sflag:s23] =	ssyncset.done $0x0  }
0x18: {  	[sflag:s23] =	ssyncadd.s32 s4;
	_ =	sdelay $0x1  }
0x19: {  	s24 =	simm.s32 $0x1B8B  }
0x1a: {  	_ =	swait.ge [sflag:s24], $0x1  }
0x1b: {  	[sflag:s24] =	ssyncset.done $0x0  }
0x1c: {  	s26 =	simm.s32 $0x1B8E;
	s25 =	sld [smem:$0x3FFE];
	[sflag:s24] =	ssyncadd.s32 $0xFFFFFFFF  }
0x1d: {  	s27 =	simm.s32 $execute0_lowered;
	[smem:$0x3FD2] =	sst s26  }
0x1e: {  	s5 =	sshll.u32 s27, $0x1;
	_ =	strace $0x80000049;
	[dreg:$0x1] =	wrdreg $0xFFFFFFFF  }
0x1f: {  	s28 =	simm.s32 $_size_execute0_lowered;
	s3 =	sadd.s32 s3, s5;
	[dreg:$0x0] =	wrdreg $0x0  }
0x20: {  	s5 =	sshll.u32 s28, $0x1;
	[dreg:$0x2] =	wrdreg s3  }
0x21: {  	[dreg:$0x3] =	wrdreg s5  }
0x22: {  	[dreg:$0x4] =	wrdreg $0xC0  }
0x23: {  	_ =	task [dreg:s7], $0x5FFFF  }
0x24: {  	[dreg:$0x1] =	wrdreg $0xFFFFFFFF  }
0x25: {  	[dreg:$0x0] =	wrdreg $0x60  }
0x26: {  	[dreg:$0x2] =	wrdreg s25  }
0x27: {  	[dreg:$0x3] =	wrdreg s2  }
0x28: {  	[dreg:$0x4] =	wrdreg $0x9  }
0x29: {  	_ =	task.clear_ibuf [dreg:s7], $0x5FFFF;
	_ =	strace $0x90000049  }
0x2a: {  	s29 =	simm.s32 $0x9;
	_ =	strace $0x8000004B  }
0x2b: {  	_ =	swait.ge [sflag:s29], $0x1  }
0x2c: {  	[sflag:s29] =	ssyncadd.s32 $0xFFFFFFFF  }
0x2d: {  	_ =	strace $0x9000004B  }
0x2e: {  	_ =	sfence  }
0x2f: {  	s30 =	sld [smem:$0x0];
	_ =	sdelay $0x2  }
0x30: {  	s31 =	sshll.u32 s1, $0xD;
	s1 =	sshrl.u32 s1, $0x2  }
0x31: {  	s3 =	sand.u32 $0x4000, s31;
	s1 =	sadd.s32 s1, s30  }
0x32: {  	s0 =	sor.u32 s3, s0;
	s1 =	sshll.u32 s1, $0x11  }
0x33: {  	s0 =	sor.u32 s1, s0  }
0x34: {  	s0 =	sadd.s32 $0x8F2B, s0  }
0x35: {  	[sflag:s0] =	ssyncadd.remote.s32 $0x1  }
0x36: {  	_ =	sfence.sel $0xFFFF  }
0x37: {  	[dreg:$0x0] =	wrdreg $0xFFFFFFFF;
	(pc) =	sbr.abs _section_cstart, $3  }
0x38: {  	[dreg:$0x1] =	wrdreg $0xFFFFFFFF  }
0x39: {  	_ =	task.clear_ibuf [dreg:s7], $0x2FFFF;
	_ =	strace $0x9FFFFFFF  }
0x3a: {  	(tm) =	ssettm $0x7FFFFFFF  }
0x3b: {  	_ =	shalt  }
tec
execute0_lowered:
.L_overlay_start_1:
0x0: {  	(tag) =	ssettag $0x1  }
0x1: {  	s0 =	stileid.u32;
	s6 =	rddreg [dreg:$0x0]  }
0x2: {  	s2 =	rddreg [dreg:$0x1];
	s5 =	srdreg.scid  }
0x3: {  	s31 =	simm.s32 $0x2;
	s13 =	simm.s32 $0x0;
	s1 =	sshll.u32 s0, $0x7  }
0x4: {  	s14 =	simm.s32 $0x0;
	s12 =	simm.s32 $0x0;
	s3 =	sand.u32 $0x380, s1  }
0x5: {  	s5 =	sshll.u32 s5, $0x4;
	s6 =	sadd.s32 $0x7400, s6;
	s4 =	ssub.s32 $0x400, s3  }
0x6: {  	s1 =	rddreg [dreg:$0x2];
	_ =	strace $0x8000004A;
	s7 =	sand.u32 $0x380, s4  }
0x7: {  	s5 =	sand.u32 $0x10, s5;
	p0 =	sne.s32 s7, $0x0;
	s7 =	simm.s32 $0x1  }
.Ltmp0:
0x8: {  	s8 =	sshrl.u32 s4, $0xA;
	s7 =	simm.s32 @!p0 $0x0;
	(pc) =	sbr.rel .LBB1_1-.Ltmp0, $4  }
0x9: {  	s9 =	sor.u32 s0, s5;
	s4 =	simm.s32 $0x1;
	s30 =	sadd.s32 s7, s8  }
0xa: {  	s11 =	smov.u32 s3;
	[sflag:s4] =	ssyncpa.u1 $0x0;
	s5 =	smul.u32 $0x32, s30  }
0xb: {  	[sflag:s31] =	ssyncpa.u1 $0x0;
	p0 =	por $0x0, $0x0;
	s7 =	sshrl.u32 s9, $0x3  }
0xc: {  	s9 =	simm.s32 $0x2000;
	s10 =	smov.u32 s7;
	s8 =	sor.u32 $0x1, s5  }
.LBB1_4:
0xd: {  	s17 =	sand.u32 $0x1F80, s14;
	s13 =	sshll.u32 s13, $0xD  }
0xe: {  	[tilespmem:s16+$0x810 ss:$0x81] =	vst.msk $0xffff, v2;
	s18 =	sshrl.u32 s14, $0x3;
	s31 =	sand.u32 $0x7, s14;
	s17 =	sadd.s32 s2, s17  }
0xf: {  	[tilespmem:s16+$0x1020 ss:$0x81] =	vst.msk $0xffff, v0;
	s18 =	sand.u32 $0xF, s18;
	s14 =	sshll.u32 s31, $0x12;
	s13 =	sadd.s32 s13, s17  }
0x10: {  	[tilespmem:s16+$0x0 ss:$0x81] =	vst.msk $0xffff, v1;
	s14 =	sor.u32 $0x400, s14;
	s13 =	sadd.s32 s18, s13  }
0x11: {  	[hbm4b:s13+s14] =	stream.strided.scatter [tilespmem:s15], [sflag:$0x2], $0x2000, s9, s14, $0x20;
	[tilespmem:$0x8080] =	vst v63  }
.LBB1_5:
0x12: {  	s15 =	sadd.s32 $0x4, s10  }
0x13: {  	s13 =	sadd.s32 $0x400, s11;
	s17 =	smov.u32 s11;
	p2 =	sgt.s32 s15, $0xC7  }
0x14: {  	s17 =	smov.u32 @p2 s13  }
0x15: {  	s15 =	smov.u32 @p2 s7;
	p2 =	sgt.s32 s17, $0x3FF  }
0x16: {  	s17 =	smov.u32 @p2 s3;
	p2 =	sne.s32 s12, s8  }
.Ltmp1:
0x17: {  	p1 =	slt.u32 s12, $0x2;
	(pc) =	sbr.rel @!p2 .LBB1_6-.Ltmp1, $4  }
0x18: {  	s16 =	simm.s32 @!p1 $0x2  }
0x19: {  	s14 =	smov.u32 s11;
	p0 =	por !p0, !p0;
	_ =	swait.ge @!p1 [sflag:s16], $0x2000  }
0x1a: {  	s13 =	smov.u32 s10;
	[sflag:s16] =	ssyncset.done @!p1 $0x0;
	s10 =	smov.u32 s15  }
0x1b: {  	s12 =	sadd.s32 $0x1, s12;
	[sflag:s16] =	ssyncadd.s32 @!p1 $0xFFFFE000;
	s11 =	smov.u32 s17  }
.LBB1_1:
0x1c: {  	p1 =	sge.u32 s12, s5  }
0x1d: {  	s15 =	sand.u32 @!p1 $0x1FFFFFF, s10  }
0x1e: {  	s16 =	smulhi.u32 @!p1 $0x147AE15, s15;
	_ =	sdelay $0x1  }
0x1f: {  	s16 =	smul.u32 @!p1 $0xC8, s16  }
0x20: {  	s17 =	sxor.u32 @!p1 $0xFFFFFFFF, s12;
	s18 =	smul.u32 @!p1 $0xC80, s11  }
0x21: {  	s31 =	sadd.s32 $0xFFFFFFFF, s12;
	s17 =	sshll.u32 @!p1 s17, $0xD;
	s15 =	ssub.s32 @!p1 s15, s16  }
0x22: {  	s16 =	sand.u32 @!p1 $0x2000, s17;
	s17 =	sadd.s32 @!p1 s6, s18;
	s15 =	sshll.u32 @!p1 s15, $0x4  }
0x23: {  	s18 =	simm.s32 @!p1 $0x6400;
	s15 =	sadd.s32 @!p1 s15, s17;
	s17 =	simm.s32 @!p1 $0x40  }
0x24: {  	[tilespmem:s16], [sflag:$0x1] =	stream.strided.gather @!p1 [hbm4b:s15+s17], $0x2000, s18, s17, $0x38;
	[tilespmem:$0x8080] =	vst v63  }
0x25: {  	p1 =	sge.u32 s31, s5  }
.Ltmp2:
0x26: {  	_ = 	snop;
	(pc) =	sbr.rel @p1 .LBB1_5-.Ltmp2, $1  }
0x27: {  	_ =	sdelay $0x3  }
0x28: {  	s15 =	simm.s32 $0x1  }
0x29: {  	_ =	swait.ge [sflag:s4], $0x2000;
	s15 =	simm.s32 @!p0 $0x0  }
0x2a: {  	[sflag:s4] =	ssyncset.done $0x0;
	s16 =	sshll.u32 s15, $0xD  }
0x2b: {  	[sflag:s4] =	ssyncadd.s32 $0xFFFFE000;
	s19 =	sor.u32 $0x20, s16  }
0x2c: {  	s15 =	smul.u32 $0x8100, s15;
	v3 =	vld [tilespmem:s19+$0x10]  }
0x2d: {  	s30 =	sand.u32 $0x1, s12;
	v2 =	vld [tilespmem:s19+$0xFFFFFFF0]  }
0x2e: {  	s16 =	smul.u32 $0x8100, s30;
	s15 =	sshrl.u32 s15, $0x2;
	v0 =	vld [tilespmem:s19+$0x0]  }
0x2f: {  	v1 =	vld [tilespmem:s19+$0xFFFFFFE0];
	s17 =	sor.u32 $0x4000, s15  }
0x30: {  	s31 =	sshrl.u32 s16, $0x2;
	s16 =	sadd.s32 $0x0, s17  }
0x31: {  	s18 =	simm.s32 $0x4;
	s19 =	sadd.s32 $0x40, s19;
	s15 =	sor.u32 $0x4000, s31;
	[tilespmem:s16+$0x1830 ss:$0x81] =	vst.msk $0xffff, v3  }
.LBB1_3:
0x32: {  	v3 =	vld [tilespmem:s19+$0x10];
	p1 =	sne.s32 s18, $0x1FC;
	[tilespmem:s16+$0x810 ss:$0x81] =	vst.msk $0xffff, v2;
	s20 =	smov.u32 s18;
	s18 =	sadd.s32 $0x4, s18  }
.Ltmp3:
0x33: {  	v2 =	vld [tilespmem:s19+$0xFFFFFFF0];
	[tilespmem:s16+$0x1020 ss:$0x81] =	vst.msk $0xffff, v0;
	(pc) =	sbr.rel @p1 .LBB1_3-.Ltmp3, $4  }
0x34: {  	v0 =	vld [tilespmem:s19+$0x0];
	[tilespmem:s16+$0x0 ss:$0x81] =	vst.msk $0xffff, v1  }
0x35: {  	s16 =	sshra.s32 s20, $0x2;
	v1 =	vld [tilespmem:s19+$0xFFFFFFE0]  }
0x36: {  	s16 =	sadd.s32 s16, s17  }
0x37: {  	s19 =	sadd.s32 $0x40, s19;
	[tilespmem:s16+$0x1830 ss:$0x81] =	vst.msk $0xffff, v3  }
.Ltmp4:
0x38: {  	_ = 	snop;
	(pc) =	sbr.rel .LBB1_4-.Ltmp4, $1  }
0x39: {  	_ =	sdelay $0x3  }
.LBB1_6:
0x3a: {  	_ =	sfence.sel $0x180000  }
0x3b: {  	s2 =	simm.s32 $0x1;
	[bflag:$0x0] =	sbarrier.arrive $0xFFFF  }
0x3c: {  	s31 =	simm.s32 $0x2;
	[sflag:s2] =	ssyncpa.u1 $0x1  }
0x3d: {  	[sflag:s31] =	ssyncpa.u1 $0x1  }
0x3e: {  	p0 =	sne.s32 s0, $0x0;
	_ =	strace $0x9000004A  }
0x3f: {  	s0 =	sadd.s32 @!p0 $0x100000, s1;
	[bflag:$0x2] =	sbarrier.arrive $0xFFFF  }
0x40: {  	[sflag:s0] =	ssyncadd.tile.s32 @!p0 $0x1;
	_ =	shalt  }
.Lfunc_end1:
_tile_overlayer_lowered:
.L_overlay_start_2:
0x41: {  	(tag) =	ssettag $0x2  }
0x42: {  	s0 =	rddreg [dreg:$0x0];
	s2 =	stileid.u32  }
0x43: {  	s1 =	rddreg [dreg:$0x1];
	p0 =	sne.s32 s2, $0x0  }
0x44: {  	s3 =	rddreg [dreg:$0x2];
	[bflag:$0x3] =	sbarrier.arrive $0xFFFF;
	s2 =	simm.s32 @!p0 $0x1C01  }
0x45: {  	[timem:s3], [sflag:s2] =	dma.local @!p0 [hbm:s0], s1  }
0x46: {  	s0 =	simm.s32 @!p0 $0x1  }
0x47: {  	_ =	swait.ge @!p0 [sflag:s0], s1  }
0x48: {  	s1 =	ssub.s32 @!p0 $0x0, s1;
	[sflag:s0] =	ssyncset.done @!p0 $0x0  }
0x49: {  	[sflag:s0] =	ssyncadd.s32 @!p0 s1  }
0x4a: {  	[bflag:$0x3] =	sbarrier.arrive $0xFFFF  }
0x4b: {  	_ =	shalt  }

</sc_bundles>
